<compile_context>
chip_gen: v7x
topology: tpu7x:2x2x1
jax: 0.10.2.dev20260603
libtpu: 0.0.44.dev20260713+nightly
codegen_flags: <defaults>
</compile_context>

<pallas_src>
import functools

import jax
import jax.numpy as jnp
from jax import lax
from jax.experimental import pallas as pl
from jax.experimental.pallas import tpu as pltpu
from jax.experimental.pallas import tpu_sc as plsc

N = 10000
NPAD = 10240
E = 320000
NC, NS = 2, 16
NTILES = NC * NS
CHUNKS = 80
K = 128
EPAD = NTILES * CHUNKS * K
RPT = NPAD // NS
D2 = 128



def _deg_kernel_body(col_hbm, oid_hbm, out_hbm, col_v, oid_v, ones_v, zbuf,
                     acc, sem):
    c = lax.axis_index("c")
    s = lax.axis_index("s")
    wid = s * NC + c
    nzc = NPAD // (NS * K)

    def fill_zero(i, _):
        zbuf[i // 8, pl.ds((i % 8) * 16, 16)] = jnp.zeros((16,), jnp.float32)
        return 0

    lax.fori_loop(0, K * 8, fill_zero, 0)

    def fill_ones(i, _):
        ones_v[i // 8, pl.ds((i % 8) * 16, 16)] = jnp.ones((16,), jnp.float32)
        return 0

    lax.fori_loop(0, K * 8, fill_ones, 0)
    pltpu.sync_copy(col_hbm.at[wid], col_v)
    pltpu.sync_copy(oid_hbm.at[s], oid_v)
    for z in range(nzc):
        pltpu.sync_copy(zbuf, acc.at[oid_v.at[z]])
    plsc.subcore_barrier()

    def body(j, _):
        pltpu.sync_copy(ones_v, acc.at[col_v.at[j]], add=True)
        return 0

    lax.fori_loop(0, CHUNKS, body, 0)
    plsc.subcore_barrier()
    for z in range(nzc):
        pltpu.async_copy(acc.at[oid_v.at[z]], zbuf, sem).wait()
        pltpu.sync_copy(zbuf, out_hbm.at[c, pl.ds(s * RPT + z * K, K)])


def _make_deg_kernel():
    mesh = plsc.VectorSubcoreMesh(core_axis_name="c", subcore_axis_name="s")
    return pl.kernel(
        _deg_kernel_body,
        out_type=jax.ShapeDtypeStruct((NC, NPAD, 128), jnp.float32),
        mesh=mesh,
        scratch_types=[
            pltpu.VMEM((CHUNKS, K), jnp.int32),
            pltpu.VMEM((NPAD // (NS * K), K), jnp.int32),
            pltpu.VMEM((K, 128), jnp.float32),
            pltpu.VMEM((K, 128), jnp.float32),
            pltpu.VMEM_SHARED((NPAD, 128), jnp.float32),
            pltpu.SemaphoreType.DMA,
        ],
    )


CA = 112
CB = 48
CMAX = max(CA, CB)


def _agg_kernel_body(row_hbm, col_hbm, oid_hbm, y_hbm, out_hbm, row_v, col_v,
                     oid_v, buf, acc, sem, *, depth):
    c = lax.axis_index("c")
    s = lax.axis_index("s")
    nz = depth // 16
    nzc = NPAD // (NS * K)
    cnt = jnp.where(c == 0, CA, CB)
    start = pl.multiple_of(jnp.where(c == 0, s * CA, NS * CA + s * CB), 8)

    def fill_zero(i, _):
        buf[i // nz, pl.ds((i % nz) * 16, 16)] = jnp.zeros((16,), jnp.float32)
        return 0

    lax.fori_loop(0, K * nz, fill_zero, 0)
    pltpu.sync_copy(row_hbm.at[pl.ds(start, CMAX)], row_v)
    pltpu.sync_copy(col_hbm.at[pl.ds(start, CMAX)], col_v)
    pltpu.sync_copy(oid_hbm.at[s], oid_v)
    for z in range(nzc):
        pltpu.sync_copy(buf, acc.at[oid_v.at[z]])
    plsc.subcore_barrier()

    def body(j, _):
        pltpu.async_copy(y_hbm.at[row_v.at[j]], buf, sem).wait()
        pltpu.sync_copy(buf, acc.at[col_v.at[j]], add=True)
        return 0

    lax.fori_loop(0, cnt, body, 0)
    plsc.subcore_barrier()
    for z in range(nzc):
        pltpu.async_copy(acc.at[oid_v.at[z]], buf, sem).wait()
        pltpu.sync_copy(buf, out_hbm.at[c, pl.ds(s * RPT + z * K, K)])


def _make_agg_kernel(depth):
    mesh = plsc.VectorSubcoreMesh(core_axis_name="c", subcore_axis_name="s")
    return pl.kernel(
        functools.partial(_agg_kernel_body, depth=depth),
        out_type=jax.ShapeDtypeStruct((NC, NPAD, depth), jnp.float32),
        mesh=mesh,
        scratch_types=[
            pltpu.VMEM((CMAX, K), jnp.int32),
            pltpu.VMEM((CMAX, K), jnp.int32),
            pltpu.VMEM((NPAD // (NS * K), K), jnp.int32),
            pltpu.VMEM((K, depth), jnp.float32),
            pltpu.VMEM_SHARED((NPAD, depth), jnp.float32),
            pltpu.SemaphoreType.DMA,
        ],
    )



def _tca_body(degp_ref, x_ref, w1_ref, dinv_ref, y1_ref):
    deg = degp_ref[0, :, 0:1] + degp_ref[1, :, 0:1] + 1.0
    dinv = lax.rsqrt(deg)
    dinv_ref[...] = dinv
    xw = jnp.dot(x_ref[...], w1_ref[...],
                 preferred_element_type=jnp.float32,
                 precision=lax.Precision.HIGHEST)
    y1_ref[...] = xw * dinv


def _make_tca():
    return pl.pallas_call(
        _tca_body,
        grid=(NPAD // 128,),
        in_specs=[
            pl.BlockSpec((NC, 128, 128), lambda i: (0, i, 0)),
            pl.BlockSpec((128, 128), lambda i: (i, 0)),
            pl.BlockSpec((128, 128), lambda i: (0, 0)),
        ],
        out_specs=[
            pl.BlockSpec((128, 1), lambda i: (i, 0)),
            pl.BlockSpec((128, 128), lambda i: (i, 0)),
        ],
        out_shape=[
            jax.ShapeDtypeStruct((NPAD, 1), jnp.float32),
            jax.ShapeDtypeStruct((NPAD, 128), jnp.float32),
        ],
    )


def _tcb_body(aggp_ref, y1_ref, dinv_ref, b1_ref, w2_ref, y2_ref):
    dinv = dinv_ref[...]
    h = (aggp_ref[0] + aggp_ref[1] + y1_ref[...]) * dinv + b1_ref[...]
    h = jnp.maximum(h, 0.0)
    y2_ref[...] = jnp.dot(h, w2_ref[...],
                          preferred_element_type=jnp.float32,
                          precision=lax.Precision.HIGHEST) * dinv


def _make_tcb():
    return pl.pallas_call(
        _tcb_body,
        grid=(NPAD // 128,),
        in_specs=[
            pl.BlockSpec((NC, 128, 128), lambda i: (0, i, 0)),
            pl.BlockSpec((128, 128), lambda i: (i, 0)),
            pl.BlockSpec((128, 1), lambda i: (i, 0)),
            pl.BlockSpec((1, 128), lambda i: (0, 0)),
            pl.BlockSpec((128, D2), lambda i: (0, 0)),
        ],
        out_specs=pl.BlockSpec((128, D2), lambda i: (i, 0)),
        out_shape=jax.ShapeDtypeStruct((NPAD, D2), jnp.float32),
    )


def _tcc_body(aggp_ref, y2_ref, dinv_ref, b2_ref, out_ref):
    logits = (aggp_ref[0] + aggp_ref[1] + y2_ref[...]) * dinv_ref[...] + b2_ref[...]
    mask = lax.broadcasted_iota(jnp.int32, (128, D2), 1) < 47
    logits = jnp.where(mask, logits, -1e30)
    m = jnp.max(logits, axis=1, keepdims=True)
    e = jnp.where(mask, jnp.exp(logits - m), 0.0)
    out_ref[...] = logits - m - jnp.log(jnp.sum(e, axis=1, keepdims=True))


def _make_tcc():
    return pl.pallas_call(
        _tcc_body,
        grid=(NPAD // 128,),
        in_specs=[
            pl.BlockSpec((NC, 128, D2), lambda i: (0, i, 0)),
            pl.BlockSpec((128, D2), lambda i: (i, 0)),
            pl.BlockSpec((128, 1), lambda i: (i, 0)),
            pl.BlockSpec((1, D2), lambda i: (0, 0)),
        ],
        out_specs=pl.BlockSpec((128, D2), lambda i: (i, 0)),
        out_shape=jax.ShapeDtypeStruct((NPAD, D2), jnp.float32),
    )



def kernel(x, edge_index, W1, b1, W2, b2):
    row = edge_index[0].astype(jnp.int32)
    col = edge_index[1].astype(jnp.int32)
    rowp = jnp.concatenate(
        [row, jnp.zeros((EPAD - E,), jnp.int32)]).reshape(NTILES, CHUNKS, K)
    colp = jnp.concatenate(
        [col, jnp.full((EPAD - E,), NPAD - 1, jnp.int32)]).reshape(NTILES, CHUNKS, K)
    xpad = jnp.pad(x, ((0, NPAD - N), (0, 0)))
    w2p = jnp.pad(W2, ((0, 0), (0, D2 - 47)))
    b1r = b1.reshape(1, 128)
    b2p = jnp.pad(b2, (0, D2 - 47)).reshape(1, D2)

    oidp = jnp.arange(NPAD, dtype=jnp.int32).reshape(NS, NPAD // (NS * K), K)
    rowf = rowp.reshape(NTILES * CHUNKS, K)
    colf = colp.reshape(NTILES * CHUNKS, K)
    degp = _make_deg_kernel()(colp, oidp)
    dinv, y1 = _make_tca()(degp, xpad, W1)
    agg1 = _make_agg_kernel(128)(rowf, colf, oidp, y1)
    y2 = _make_tcb()(agg1, y1, dinv, b1r, w2p)
    agg2 = _make_agg_kernel(D2)(rowf, colf, oidp, y2)
    full = _make_tcc()(agg2, y2, dinv, b2p)
    return full[:N, :47]

# --- scband reference (transcript-rebuilt; emitter-appended) ---
"""Pipeline reference for scband-gcn-55070070670247 (READ-ONLY COPY).

The authoritative reference and input builder live on the scoring server;
editing this copy changes nothing except your own understanding.
"""

import jax, jax.numpy as jnp
import numpy as np

N_NODES = 10000

def gcn_conv(x, row, col, W, b, num_nodes):
    # PyG GCNConv with add_self_loops=True, symmetric normalization, bias
    loop = jnp.arange(num_nodes, dtype=row.dtype)
    row = jnp.concatenate([row, loop])
    col = jnp.concatenate([col, loop])
    deg = jnp.zeros((num_nodes,), dtype=x.dtype).at[col].add(1.0)
    dinv = jnp.where(deg > 0, 1.0 / jnp.sqrt(deg), 0.0)
    norm = dinv[row] * dinv[col]
    xw = x @ W
    msg = xw[row] * norm[:, None]
    out = jnp.zeros((num_nodes, xw.shape[1]), dtype=x.dtype).at[col].add(msg)
    return out + b

def setup_inputs(seed: int = 0) -> dict:
    key = jax.random.key(seed)
    k1, k2, k3, k4 = jax.random.split(key, 4)
    x = jax.random.normal(k1, (N_NODES, 128), dtype=jnp.float32)
    edge_index = jax.random.randint(k2, (2, 320000), 0, N_NODES, dtype=jnp.int64)
    W1 = jax.random.normal(k3, (128, 128), dtype=jnp.float32) * 0.05
    b1 = jnp.zeros((128,), dtype=jnp.float32)
    W2 = jax.random.normal(k4, (128, 47), dtype=jnp.float32) * 0.05
    b2 = jnp.zeros((47,), dtype=jnp.float32)
    return {"x": x, "edge_index": edge_index, "W1": W1, "b1": b1, "W2": W2, "b2": b2}

def reference(x, edge_index, W1, b1, W2, b2):
    row, col = edge_index[0], edge_index[1]
    h = gcn_conv(x, row, col, W1, b1, N_NODES)
    h = jax.nn.relu(h)
    # dropout is identity in eval mode
    h = gcn_conv(h, row, col, W2, b2, N_NODES)
    return jax.nn.log_softmax(h, axis=1)

if __name__ == "__main__":
    import jax
    _d = setup_inputs()
    print(jax.jit(kernel)(*tuple(_d.values())))

</pallas_src>

<mosaic_0001>
#map = affine_map<(d0, d1) -> (0, 0, 0)>
module attributes {stable_mosaic.version = 14 : i64} {
  func.func @_deg_kernel_body(%arg0: i32, %arg1: i32, %arg2: memref<32x80x128xi32, #tpu.memory_space<hbm>>, %arg3: memref<16x5x128xi32, #tpu.memory_space<hbm>>, %arg4: memref<2x10240x128xf32, #tpu.memory_space<hbm>>, %arg5: memref<80x128xi32, #tpu.memory_space<vmem>>, %arg6: memref<5x128xi32, #tpu.memory_space<vmem>>, %arg7: memref<128x128xf32, #tpu.memory_space<vmem>>, %arg8: memref<128x128xf32, #tpu.memory_space<vmem>>, %arg9: memref<10240x128xf32, #tpu.memory_space<vmem_shared>>, %arg10: memref<!tpu.dma_semaphore, #tpu.memory_space<semaphore_mem>>) attributes {dimension_semantics = [#tpu.dimension_semantics<core_parallel>, #tpu.dimension_semantics<subcore_parallel>], iteration_bounds = array<i64: 2, 16>, scalar_prefetch = 0 : i64, scratch_operands = 6 : i64, tpu.core_type = #tpu.core_type<sc_vector_subcore>, window_params = [{transform_indices = #map}, {transform_indices = #map}, {transform_indices = #map}]} {
    %mul3A = arith.constant 2 : i32
    %mul3A_0 = arith.muli %arg1, %mul3A : i32
    %add3A = arith.addi %mul3A_0, %arg0 : i32
    %scan3A = arith.constant 0 : i32
    %scan3A_1 = arith.constant 0 : i32
    %scan3A_2 = arith.constant 1024 : i32
    %scan3A_3 = arith.addi %scan3A_1, %scan3A_2 : i32
    %scan3A_4 = arith.constant 1 : i32
    %scan3A_5 = scf.for %scan3A_114 = %scan3A_1 to %scan3A_3 step %scan3A_4 iter_args(%scan3A_115 = %scan3A) -> (i32)  : i32 {
      %broadcast_in_dim3A = arith.constant 0.000000e+00 : f32
      %broadcast_in_dim3A_116 = vector.broadcast %broadcast_in_dim3A : f32 to vector<16xf32>
      %jit3A = arith.constant 8 : i32
      %div3A = arith.divsi %scan3A_114, %jit3A : i32
      %sign3A = arith.constant 0 : i32
      %sign3A_117 = arith.cmpi sgt, %scan3A_114, %sign3A : i32
      %sign3A_118 = arith.extui %sign3A_117 : i1 to i32
      %sign3A_119 = arith.constant 0 : i32
      %sign3A_120 = arith.cmpi slt, %scan3A_114, %sign3A_119 : i32
      %sign3A_121 = arith.extui %sign3A_120 : i1 to i32
      %sign3A_122 = arith.subi %sign3A_118, %sign3A_121 : i32
      %sign3A_123 = arith.constant 0 : i32
      %sign3A_124 = arith.cmpi sgt, %jit3A, %sign3A_123 : i32
      %sign3A_125 = arith.extui %sign3A_124 : i1 to i32
      %sign3A_126 = arith.constant 0 : i32
      %sign3A_127 = arith.cmpi slt, %jit3A, %sign3A_126 : i32
      %sign3A_128 = arith.extui %sign3A_127 : i1 to i32
      %sign3A_129 = arith.subi %sign3A_125, %sign3A_128 : i32
      %ne3A = arith.cmpi ne, %sign3A_122, %sign3A_129 : i32
      %rem3A = arith.remsi %scan3A_114, %jit3A : i32
      %ne3A_130 = arith.constant 0 : i32
      %ne3A_131 = arith.cmpi ne, %rem3A, %ne3A_130 : i32
      %and3A = arith.andi %ne3A, %ne3A_131 : i1
      %sub3A = arith.constant 1 : i32
      %sub3A_132 = arith.subi %div3A, %sub3A : i32
      %select_n3A = arith.select %and3A, %sub3A_132, %div3A : i32
      %jit3A_133 = arith.constant 8 : i32
      %eq3A = arith.constant 0 : i32
      %eq3A_134 = arith.cmpi eq, %jit3A_133, %eq3A : i32
      %jit3A_135 = arith.constant 1 : i32
      %select_n3A_136 = arith.select %eq3A_134, %jit3A_135, %jit3A_133 : i32
      %rem3A_137 = arith.remsi %scan3A_114, %select_n3A_136 : i32
      %ne3A_138 = arith.constant 0 : i32
      %ne3A_139 = arith.cmpi ne, %rem3A_137, %ne3A_138 : i32
      %lt3A = arith.constant 0 : i32
      %lt3A_140 = arith.cmpi slt, %rem3A_137, %lt3A : i32
      %lt3A_141 = arith.constant 0 : i32
      %lt3A_142 = arith.cmpi slt, %select_n3A_136, %lt3A_141 : i32
      %ne3A_143 = arith.xori %lt3A_140, %lt3A_142 : i1
      %and3A_144 = arith.andi %ne3A_143, %ne3A_139 : i1
      %add3A_145 = arith.addi %rem3A_137, %select_n3A_136 : i32
      %select_n3A_146 = arith.select %and3A_144, %add3A_145, %rem3A_137 : i32
      %mul3A_147 = arith.constant 16 : i32
      %mul3A_148 = arith.muli %select_n3A_146, %mul3A_147 : i32
      %swap3A = arith.index_cast %select_n3A : i32 to index
      %swap3A_149 = arith.index_cast %mul3A_148 : i32 to index
      %swap3A_150 = tpu.vector_load %arg8[%swap3A, %swap3A_149] {strides = array<i32>} : memref<128x128xf32, #tpu.memory_space<vmem>>, vector<1x16xf32>,
      %swap3A_151 = vector.shape_cast %swap3A_150 : vector<1x16xf32> to vector<16xf32>
      %swap3A_152 = vector.shape_cast %broadcast_in_dim3A_116 : vector<16xf32> to vector<1x16xf32>
      tpu.vector_store %arg8[%swap3A, %swap3A_149], %swap3A_152 {strides = array<i32>} : memref<128x128xf32, #tpu.memory_space<vmem>>, vector<1x16xf32>,
      %scan3A_153 = arith.constant 0 : i32
      scf.yield %scan3A_153 : i32
    }
    %scan3A_6 = arith.constant 1024 : i32
    %scan3A_7 = arith.constant 0 : i32
    %scan3A_8 = arith.constant 0 : i32
    %scan3A_9 = arith.constant 1024 : i32
    %scan3A_10 = arith.addi %scan3A_8, %scan3A_9 : i32
    %scan3A_11 = arith.constant 1 : i32
    %scan3A_12 = scf.for %scan3A_114 = %scan3A_8 to %scan3A_10 step %scan3A_11 iter_args(%scan3A_115 = %scan3A_7) -> (i32)  : i32 {
      %broadcast_in_dim3A = arith.constant 1.000000e+00 : f32
      %broadcast_in_dim3A_116 = vector.broadcast %broadcast_in_dim3A : f32 to vector<16xf32>
      %jit3A = arith.constant 8 : i32
      %div3A = arith.divsi %scan3A_114, %jit3A : i32
      %sign3A = arith.constant 0 : i32
      %sign3A_117 = arith.cmpi sgt, %scan3A_114, %sign3A : i32
      %sign3A_118 = arith.extui %sign3A_117 : i1 to i32
      %sign3A_119 = arith.constant 0 : i32
      %sign3A_120 = arith.cmpi slt, %scan3A_114, %sign3A_119 : i32
      %sign3A_121 = arith.extui %sign3A_120 : i1 to i32
      %sign3A_122 = arith.subi %sign3A_118, %sign3A_121 : i32
      %sign3A_123 = arith.constant 0 : i32
      %sign3A_124 = arith.cmpi sgt, %jit3A, %sign3A_123 : i32
      %sign3A_125 = arith.extui %sign3A_124 : i1 to i32
      %sign3A_126 = arith.constant 0 : i32
      %sign3A_127 = arith.cmpi slt, %jit3A, %sign3A_126 : i32
      %sign3A_128 = arith.extui %sign3A_127 : i1 to i32
      %sign3A_129 = arith.subi %sign3A_125, %sign3A_128 : i32
      %ne3A = arith.cmpi ne, %sign3A_122, %sign3A_129 : i32
      %rem3A = arith.remsi %scan3A_114, %jit3A : i32
      %ne3A_130 = arith.constant 0 : i32
      %ne3A_131 = arith.cmpi ne, %rem3A, %ne3A_130 : i32
      %and3A = arith.andi %ne3A, %ne3A_131 : i1
      %sub3A = arith.constant 1 : i32
      %sub3A_132 = arith.subi %div3A, %sub3A : i32
      %select_n3A = arith.select %and3A, %sub3A_132, %div3A : i32
      %jit3A_133 = arith.constant 8 : i32
      %eq3A = arith.constant 0 : i32
      %eq3A_134 = arith.cmpi eq, %jit3A_133, %eq3A : i32
      %jit3A_135 = arith.constant 1 : i32
      %select_n3A_136 = arith.select %eq3A_134, %jit3A_135, %jit3A_133 : i32
      %rem3A_137 = arith.remsi %scan3A_114, %select_n3A_136 : i32
      %ne3A_138 = arith.constant 0 : i32
      %ne3A_139 = arith.cmpi ne, %rem3A_137, %ne3A_138 : i32
      %lt3A = arith.constant 0 : i32
      %lt3A_140 = arith.cmpi slt, %rem3A_137, %lt3A : i32
      %lt3A_141 = arith.constant 0 : i32
      %lt3A_142 = arith.cmpi slt, %select_n3A_136, %lt3A_141 : i32
      %ne3A_143 = arith.xori %lt3A_140, %lt3A_142 : i1
      %and3A_144 = arith.andi %ne3A_143, %ne3A_139 : i1
      %add3A_145 = arith.addi %rem3A_137, %select_n3A_136 : i32
      %select_n3A_146 = arith.select %and3A_144, %add3A_145, %rem3A_137 : i32
      %mul3A_147 = arith.constant 16 : i32
      %mul3A_148 = arith.muli %select_n3A_146, %mul3A_147 : i32
      %swap3A = arith.index_cast %select_n3A : i32 to index
      %swap3A_149 = arith.index_cast %mul3A_148 : i32 to index
      %swap3A_150 = tpu.vector_load %arg7[%swap3A, %swap3A_149] {strides = array<i32>} : memref<128x128xf32, #tpu.memory_space<vmem>>, vector<1x16xf32>,
      %swap3A_151 = vector.shape_cast %swap3A_150 : vector<1x16xf32> to vector<16xf32>
      %swap3A_152 = vector.shape_cast %broadcast_in_dim3A_116 : vector<16xf32> to vector<1x16xf32>
      tpu.vector_store %arg7[%swap3A, %swap3A_149], %swap3A_152 {strides = array<i32>} : memref<128x128xf32, #tpu.memory_space<vmem>>, vector<1x16xf32>,
      %scan3A_153 = arith.constant 0 : i32
      scf.yield %scan3A_153 : i32
    }
    %scan3A_13 = arith.constant 1024 : i32
    "tpu.region"() ({
      %run_scoped3A_114 = tpu.sem_alloc : memref<!tpu.dma_semaphore, #tpu.memory_space<semaphore_mem>>
      %dma_start3A_115 = arith.constant 0 : i32
      %dma_start3A_116 = arith.constant 0 : i32
      %dma_start3A_117 = tpu.memref_slice %arg2[%add3A, %dma_start3A_115, %dma_start3A_116] : memref<32x80x128xi32, #tpu.memory_space<hbm>> -> memref<1x80x128xi32, #tpu.memory_space<hbm>>
      %dma_start3A_118 = tpu.memref_squeeze %dma_start3A_117 : memref<1x80x128xi32, #tpu.memory_space<hbm>> -> memref<80x128xi32, #tpu.memory_space<hbm>>
      %dma_start3A_119 = arith.constant 0 : i32
      %dma_start3A_120 = arith.constant 0 : i32
      %dma_start3A_121 = tpu.memref_slice %arg2[%add3A, %dma_start3A_119, %dma_start3A_120] : memref<32x80x128xi32, #tpu.memory_space<hbm>> -> memref<1x80x128xi32, #tpu.memory_space<hbm>>
      %dma_start3A_122 = tpu.memref_squeeze %dma_start3A_121 : memref<1x80x128xi32, #tpu.memory_space<hbm>> -> memref<80x128xi32, #tpu.memory_space<hbm>>
      tpu.enqueue_dma source(%dma_start3A_122 : memref<80x128xi32, #tpu.memory_space<hbm>>) target(%arg5 : memref<80x128xi32, #tpu.memory_space<vmem>>) target_semaphore(%run_scoped3A_114 : memref<!tpu.dma_semaphore, #tpu.memory_space<semaphore_mem>>)
      %dma_wait3A_123 = arith.constant 0 : i32
      %dma_wait3A_124 = arith.constant 0 : i32
      %dma_wait3A_125 = tpu.memref_slice %arg2[%add3A, %dma_wait3A_123, %dma_wait3A_124] : memref<32x80x128xi32, #tpu.memory_space<hbm>> -> memref<1x80x128xi32, #tpu.memory_space<hbm>>
      %dma_wait3A_126 = tpu.memref_squeeze %dma_wait3A_125 : memref<1x80x128xi32, #tpu.memory_space<hbm>> -> memref<80x128xi32, #tpu.memory_space<hbm>>
      %dma_wait3A_127 = arith.constant 0 : i32
      %dma_wait3A_128 = arith.constant 0 : i32
      %dma_wait3A_129 = tpu.memref_slice %arg2[%add3A, %dma_wait3A_127, %dma_wait3A_128] : memref<32x80x128xi32, #tpu.memory_space<hbm>> -> memref<1x80x128xi32, #tpu.memory_space<hbm>>
      %dma_wait3A_130 = tpu.memref_squeeze %dma_wait3A_129 : memref<1x80x128xi32, #tpu.memory_space<hbm>> -> memref<80x128xi32, #tpu.memory_space<hbm>>
      tpu.wait_dma2 semaphore(%run_scoped3A_114 : memref<!tpu.dma_semaphore, #tpu.memory_space<semaphore_mem>>) src(%dma_wait3A_130 : memref<80x128xi32, #tpu.memory_space<hbm>>) dst(%arg5 : memref<80x128xi32, #tpu.memory_space<vmem>>)
      tpu.yield
    }) : () -> ()
    "tpu.region"() ({
      %run_scoped3A_114 = tpu.sem_alloc : memref<!tpu.dma_semaphore, #tpu.memory_space<semaphore_mem>>
      %dma_start3A_115 = arith.constant 0 : i32
      %dma_start3A_116 = arith.constant 0 : i32
      %dma_start3A_117 = tpu.memref_slice %arg3[%arg1, %dma_start3A_115, %dma_start3A_116] : memref<16x5x128xi32, #tpu.memory_space<hbm>> -> memref<1x5x128xi32, #tpu.memory_space<hbm>>
      %dma_start3A_118 = tpu.memref_squeeze %dma_start3A_117 : memref<1x5x128xi32, #tpu.memory_space<hbm>> -> memref<5x128xi32, #tpu.memory_space<hbm>>
      %dma_start3A_119 = arith.constant 0 : i32
      %dma_start3A_120 = arith.constant 0 : i32
      %dma_start3A_121 = tpu.memref_slice %arg3[%arg1, %dma_start3A_119, %dma_start3A_120] : memref<16x5x128xi32, #tpu.memory_space<hbm>> -> memref<1x5x128xi32, #tpu.memory_space<hbm>>
      %dma_start3A_122 = tpu.memref_squeeze %dma_start3A_121 : memref<1x5x128xi32, #tpu.memory_space<hbm>> -> memref<5x128xi32, #tpu.memory_space<hbm>>
      tpu.enqueue_dma source(%dma_start3A_122 : memref<5x128xi32, #tpu.memory_space<hbm>>) target(%arg6 : memref<5x128xi32, #tpu.memory_space<vmem>>) target_semaphore(%run_scoped3A_114 : memref<!tpu.dma_semaphore, #tpu.memory_space<semaphore_mem>>)
      %dma_wait3A_123 = arith.constant 0 : i32
      %dma_wait3A_124 = arith.constant 0 : i32
      %dma_wait3A_125 = tpu.memref_slice %arg3[%arg1, %dma_wait3A_123, %dma_wait3A_124] : memref<16x5x128xi32, #tpu.memory_space<hbm>> -> memref<1x5x128xi32, #tpu.memory_space<hbm>>
      %dma_wait3A_126 = tpu.memref_squeeze %dma_wait3A_125 : memref<1x5x128xi32, #tpu.memory_space<hbm>> -> memref<5x128xi32, #tpu.memory_space<hbm>>
      %dma_wait3A_127 = arith.constant 0 : i32
      %dma_wait3A_128 = arith.constant 0 : i32
      %dma_wait3A_129 = tpu.memref_slice %arg3[%arg1, %dma_wait3A_127, %dma_wait3A_128] : memref<16x5x128xi32, #tpu.memory_space<hbm>> -> memref<1x5x128xi32, #tpu.memory_space<hbm>>
      %dma_wait3A_130 = tpu.memref_squeeze %dma_wait3A_129 : memref<1x5x128xi32, #tpu.memory_space<hbm>> -> memref<5x128xi32, #tpu.memory_space<hbm>>
      tpu.wait_dma2 semaphore(%run_scoped3A_114 : memref<!tpu.dma_semaphore, #tpu.memory_space<semaphore_mem>>) src(%dma_wait3A_130 : memref<5x128xi32, #tpu.memory_space<hbm>>) dst(%arg6 : memref<5x128xi32, #tpu.memory_space<vmem>>)
      tpu.yield
    }) : () -> ()
    %run_scoped3A = arith.constant 0 : i32
    "tpu.region"() ({
      %run_scoped3A_114 = tpu.sem_alloc : memref<!tpu.dma_semaphore, #tpu.memory_space<semaphore_mem>>
      %dma_start3A_115 = arith.constant 0 : i32
      %dma_start3A_116 = tpu.memref_slice %arg6[%run_scoped3A, %dma_start3A_115] : memref<5x128xi32, #tpu.memory_space<vmem>> -> memref<1x128xi32, #tpu.memory_space<vmem>>
      %dma_start3A_117 = tpu.memref_squeeze %dma_start3A_116 : memref<1x128xi32, #tpu.memory_space<vmem>> -> memref<128xi32, #tpu.memory_space<vmem>>
      %dma_start3A_118 = arith.constant 0 : i32
      %dma_start3A_119 = arith.constant 0 : i32
      %dma_start3A_120 = tpu.memref_slice %arg9[%dma_start3A_118, %dma_start3A_119] : memref<10240x128xf32, #tpu.memory_space<vmem_shared>> -> memref<10240x128xf32, #tpu.memory_space<vmem_shared>>
      tpu.enqueue_indirect_dma source(%arg8 : memref<128x128xf32, #tpu.memory_space<vmem>>) target(%dma_start3A_120 : memref<10240x128xf32, #tpu.memory_space<vmem_shared>>) offsets(%dma_start3A_117 : memref<128xi32, #tpu.memory_space<vmem>>) semaphore(%run_scoped3A_114 : memref<!tpu.dma_semaphore, #tpu.memory_space<semaphore_mem>>)
      %dma_wait3A_121 = arith.constant 0 : i32
      %dma_wait3A_122 = tpu.memref_slice %arg6[%run_scoped3A, %dma_wait3A_121] : memref<5x128xi32, #tpu.memory_space<vmem>> -> memref<1x128xi32, #tpu.memory_space<vmem>>
      %dma_wait3A_123 = tpu.memref_squeeze %dma_wait3A_122 : memref<1x128xi32, #tpu.memory_space<vmem>> -> memref<128xi32, #tpu.memory_space<vmem>>
      %dma_wait3A_124 = arith.constant 0 : i32
      %dma_wait3A_125 = arith.constant 0 : i32
      %dma_wait3A_126 = tpu.memref_slice %arg9[%dma_wait3A_124, %dma_wait3A_125] : memref<10240x128xf32, #tpu.memory_space<vmem_shared>> -> memref<10240x128xf32, #tpu.memory_space<vmem_shared>>
      tpu.wait_indirect_dma semaphore(%run_scoped3A_114 : memref<!tpu.dma_semaphore, #tpu.memory_space<semaphore_mem>>) src(%arg8 : memref<128x128xf32, #tpu.memory_space<vmem>>) dst(%dma_wait3A_126 : memref<10240x128xf32, #tpu.memory_space<vmem_shared>>)
      tpu.yield
    }) : () -> ()
    %run_scoped3A_14 = arith.constant 1 : i32
    "tpu.region"() ({
      %run_scoped3A_114 = tpu.sem_alloc : memref<!tpu.dma_semaphore, #tpu.memory_space<semaphore_mem>>
      %dma_start3A_115 = arith.constant 0 : i32
      %dma_start3A_116 = tpu.memref_slice %arg6[%run_scoped3A_14, %dma_start3A_115] : memref<5x128xi32, #tpu.memory_space<vmem>> -> memref<1x128xi32, #tpu.memory_space<vmem>>
      %dma_start3A_117 = tpu.memref_squeeze %dma_start3A_116 : memref<1x128xi32, #tpu.memory_space<vmem>> -> memref<128xi32, #tpu.memory_space<vmem>>
      %dma_start3A_118 = arith.constant 0 : i32
      %dma_start3A_119 = arith.constant 0 : i32
      %dma_start3A_120 = tpu.memref_slice %arg9[%dma_start3A_118, %dma_start3A_119] : memref<10240x128xf32, #tpu.memory_space<vmem_shared>> -> memref<10240x128xf32, #tpu.memory_space<vmem_shared>>
      tpu.enqueue_indirect_dma source(%arg8 : memref<128x128xf32, #tpu.memory_space<vmem>>) target(%dma_start3A_120 : memref<10240x128xf32, #tpu.memory_space<vmem_shared>>) offsets(%dma_start3A_117 : memref<128xi32, #tpu.memory_space<vmem>>) semaphore(%run_scoped3A_114 : memref<!tpu.dma_semaphore, #tpu.memory_space<semaphore_mem>>)
      %dma_wait3A_121 = arith.constant 0 : i32
      %dma_wait3A_122 = tpu.memref_slice %arg6[%run_scoped3A_14, %dma_wait3A_121] : memref<5x128xi32, #tpu.memory_space<vmem>> -> memref<1x128xi32, #tpu.memory_space<vmem>>
      %dma_wait3A_123 = tpu.memref_squeeze %dma_wait3A_122 : memref<1x128xi32, #tpu.memory_space<vmem>> -> memref<128xi32, #tpu.memory_space<vmem>>
      %dma_wait3A_124 = arith.constant 0 : i32
      %dma_wait3A_125 = arith.constant 0 : i32
      %dma_wait3A_126 = tpu.memref_slice %arg9[%dma_wait3A_124, %dma_wait3A_125] : memref<10240x128xf32, #tpu.memory_space<vmem_shared>> -> memref<10240x128xf32, #tpu.memory_space<vmem_shared>>
      tpu.wait_indirect_dma semaphore(%run_scoped3A_114 : memref<!tpu.dma_semaphore, #tpu.memory_space<semaphore_mem>>) src(%arg8 : memref<128x128xf32, #tpu.memory_space<vmem>>) dst(%dma_wait3A_126 : memref<10240x128xf32, #tpu.memory_space<vmem_shared>>)
      tpu.yield
    }) : () -> ()
    %run_scoped3A_15 = arith.constant 2 : i32
    "tpu.region"() ({
      %run_scoped3A_114 = tpu.sem_alloc : memref<!tpu.dma_semaphore, #tpu.memory_space<semaphore_mem>>
      %dma_start3A_115 = arith.constant 0 : i32
      %dma_start3A_116 = tpu.memref_slice %arg6[%run_scoped3A_15, %dma_start3A_115] : memref<5x128xi32, #tpu.memory_space<vmem>> -> memref<1x128xi32, #tpu.memory_space<vmem>>
      %dma_start3A_117 = tpu.memref_squeeze %dma_start3A_116 : memref<1x128xi32, #tpu.memory_space<vmem>> -> memref<128xi32, #tpu.memory_space<vmem>>
      %dma_start3A_118 = arith.constant 0 : i32
      %dma_start3A_119 = arith.constant 0 : i32
      %dma_start3A_120 = tpu.memref_slice %arg9[%dma_start3A_118, %dma_start3A_119] : memref<10240x128xf32, #tpu.memory_space<vmem_shared>> -> memref<10240x128xf32, #tpu.memory_space<vmem_shared>>
      tpu.enqueue_indirect_dma source(%arg8 : memref<128x128xf32, #tpu.memory_space<vmem>>) target(%dma_start3A_120 : memref<10240x128xf32, #tpu.memory_space<vmem_shared>>) offsets(%dma_start3A_117 : memref<128xi32, #tpu.memory_space<vmem>>) semaphore(%run_scoped3A_114 : memref<!tpu.dma_semaphore, #tpu.memory_space<semaphore_mem>>)
      %dma_wait3A_121 = arith.constant 0 : i32
      %dma_wait3A_122 = tpu.memref_slice %arg6[%run_scoped3A_15, %dma_wait3A_121] : memref<5x128xi32, #tpu.memory_space<vmem>> -> memref<1x128xi32, #tpu.memory_space<vmem>>
      %dma_wait3A_123 = tpu.memref_squeeze %dma_wait3A_122 : memref<1x128xi32, #tpu.memory_space<vmem>> -> memref<128xi32, #tpu.memory_space<vmem>>
      %dma_wait3A_124 = arith.constant 0 : i32
      %dma_wait3A_125 = arith.constant 0 : i32
      %dma_wait3A_126 = tpu.memref_slice %arg9[%dma_wait3A_124, %dma_wait3A_125] : memref<10240x128xf32, #tpu.memory_space<vmem_shared>> -> memref<10240x128xf32, #tpu.memory_space<vmem_shared>>
      tpu.wait_indirect_dma semaphore(%run_scoped3A_114 : memref<!tpu.dma_semaphore, #tpu.memory_space<semaphore_mem>>) src(%arg8 : memref<128x128xf32, #tpu.memory_space<vmem>>) dst(%dma_wait3A_126 : memref<10240x128xf32, #tpu.memory_space<vmem_shared>>)
      tpu.yield
    }) : () -> ()
    %run_scoped3A_16 = arith.constant 3 : i32
    "tpu.region"() ({
      %run_scoped3A_114 = tpu.sem_alloc : memref<!tpu.dma_semaphore, #tpu.memory_space<semaphore_mem>>
      %dma_start3A_115 = arith.constant 0 : i32
      %dma_start3A_116 = tpu.memref_slice %arg6[%run_scoped3A_16, %dma_start3A_115] : memref<5x128xi32, #tpu.memory_space<vmem>> -> memref<1x128xi32, #tpu.memory_space<vmem>>
      %dma_start3A_117 = tpu.memref_squeeze %dma_start3A_116 : memref<1x128xi32, #tpu.memory_space<vmem>> -> memref<128xi32, #tpu.memory_space<vmem>>
      %dma_start3A_118 = arith.constant 0 : i32
      %dma_start3A_119 = arith.constant 0 : i32
      %dma_start3A_120 = tpu.memref_slice %arg9[%dma_start3A_118, %dma_start3A_119] : memref<10240x128xf32, #tpu.memory_space<vmem_shared>> -> memref<10240x128xf32, #tpu.memory_space<vmem_shared>>
      tpu.enqueue_indirect_dma source(%arg8 : memref<128x128xf32, #tpu.memory_space<vmem>>) target(%dma_start3A_120 : memref<10240x128xf32, #tpu.memory_space<vmem_shared>>) offsets(%dma_start3A_117 : memref<128xi32, #tpu.memory_space<vmem>>) semaphore(%run_scoped3A_114 : memref<!tpu.dma_semaphore, #tpu.memory_space<semaphore_mem>>)
      %dma_wait3A_121 = arith.constant 0 : i32
      %dma_wait3A_122 = tpu.memref_slice %arg6[%run_scoped3A_16, %dma_wait3A_121] : memref<5x128xi32, #tpu.memory_space<vmem>> -> memref<1x128xi32, #tpu.memory_space<vmem>>
      %dma_wait3A_123 = tpu.memref_squeeze %dma_wait3A_122 : memref<1x128xi32, #tpu.memory_space<vmem>> -> memref<128xi32, #tpu.memory_space<vmem>>
      %dma_wait3A_124 = arith.constant 0 : i32
      %dma_wait3A_125 = arith.constant 0 : i32
      %dma_wait3A_126 = tpu.memref_slice %arg9[%dma_wait3A_124, %dma_wait3A_125] : memref<10240x128xf32, #tpu.memory_space<vmem_shared>> -> memref<10240x128xf32, #tpu.memory_space<vmem_shared>>
      tpu.wait_indirect_dma semaphore(%run_scoped3A_114 : memref<!tpu.dma_semaphore, #tpu.memory_space<semaphore_mem>>) src(%arg8 : memref<128x128xf32, #tpu.memory_space<vmem>>) dst(%dma_wait3A_126 : memref<10240x128xf32, #tpu.memory_space<vmem_shared>>)
      tpu.yield
    }) : () -> ()
    %run_scoped3A_17 = arith.constant 4 : i32
    "tpu.region"() ({
      %run_scoped3A_114 = tpu.sem_alloc : memref<!tpu.dma_semaphore, #tpu.memory_space<semaphore_mem>>
      %dma_start3A_115 = arith.constant 0 : i32
      %dma_start3A_116 = tpu.memref_slice %arg6[%run_scoped3A_17, %dma_start3A_115] : memref<5x128xi32, #tpu.memory_space<vmem>> -> memref<1x128xi32, #tpu.memory_space<vmem>>
      %dma_start3A_117 = tpu.memref_squeeze %dma_start3A_116 : memref<1x128xi32, #tpu.memory_space<vmem>> -> memref<128xi32, #tpu.memory_space<vmem>>
      %dma_start3A_118 = arith.constant 0 : i32
      %dma_start3A_119 = arith.constant 0 : i32
      %dma_start3A_120 = tpu.memref_slice %arg9[%dma_start3A_118, %dma_start3A_119] : memref<10240x128xf32, #tpu.memory_space<vmem_shared>> -> memref<10240x128xf32, #tpu.memory_space<vmem_shared>>
      tpu.enqueue_indirect_dma source(%arg8 : memref<128x128xf32, #tpu.memory_space<vmem>>) target(%dma_start3A_120 : memref<10240x128xf32, #tpu.memory_space<vmem_shared>>) offsets(%dma_start3A_117 : memref<128xi32, #tpu.memory_space<vmem>>) semaphore(%run_scoped3A_114 : memref<!tpu.dma_semaphore, #tpu.memory_space<semaphore_mem>>)
      %dma_wait3A_121 = arith.constant 0 : i32
      %dma_wait3A_122 = tpu.memref_slice %arg6[%run_scoped3A_17, %dma_wait3A_121] : memref<5x128xi32, #tpu.memory_space<vmem>> -> memref<1x128xi32, #tpu.memory_space<vmem>>
      %dma_wait3A_123 = tpu.memref_squeeze %dma_wait3A_122 : memref<1x128xi32, #tpu.memory_space<vmem>> -> memref<128xi32, #tpu.memory_space<vmem>>
      %dma_wait3A_124 = arith.constant 0 : i32
      %dma_wait3A_125 = arith.constant 0 : i32
      %dma_wait3A_126 = tpu.memref_slice %arg9[%dma_wait3A_124, %dma_wait3A_125] : memref<10240x128xf32, #tpu.memory_space<vmem_shared>> -> memref<10240x128xf32, #tpu.memory_space<vmem_shared>>
      tpu.wait_indirect_dma semaphore(%run_scoped3A_114 : memref<!tpu.dma_semaphore, #tpu.memory_space<semaphore_mem>>) src(%arg8 : memref<128x128xf32, #tpu.memory_space<vmem>>) dst(%dma_wait3A_126 : memref<10240x128xf32, #tpu.memory_space<vmem_shared>>)
      tpu.yield
    }) : () -> ()
    %barrier3A = arith.constant 0 : index
    tpu.barrier barrier_id(%barrier3A)
    %scan3A_18 = arith.constant 0 : i32
    %scan3A_19 = arith.constant 0 : i32
    %scan3A_20 = arith.constant 80 : i32
    %scan3A_21 = arith.addi %scan3A_19, %scan3A_20 : i32
    %scan3A_22 = arith.constant 1 : i32
    %scan3A_23 = scf.for %scan3A_114 = %scan3A_19 to %scan3A_21 step %scan3A_22 iter_args(%scan3A_115 = %scan3A_18) -> (i32)  : i32 {
      "tpu.region"() ({
        %run_scoped3A_117 = tpu.sem_alloc : memref<!tpu.dma_semaphore, #tpu.memory_space<semaphore_mem>>
        %dma_start3A_118 = arith.constant 0 : i32
        %dma_start3A_119 = tpu.memref_slice %arg5[%scan3A_114, %dma_start3A_118] : memref<80x128xi32, #tpu.memory_space<vmem>> -> memref<1x128xi32, #tpu.memory_space<vmem>>
        %dma_start3A_120 = tpu.memref_squeeze %dma_start3A_119 : memref<1x128xi32, #tpu.memory_space<vmem>> -> memref<128xi32, #tpu.memory_space<vmem>>
        %dma_start3A_121 = arith.constant 0 : i32
        %dma_start3A_122 = arith.constant 0 : i32
        %dma_start3A_123 = tpu.memref_slice %arg9[%dma_start3A_121, %dma_start3A_122] : memref<10240x128xf32, #tpu.memory_space<vmem_shared>> -> memref<10240x128xf32, #tpu.memory_space<vmem_shared>>
        tpu.enqueue_indirect_dma source(%arg7 : memref<128x128xf32, #tpu.memory_space<vmem>>) target(%dma_start3A_123 : memref<10240x128xf32, #tpu.memory_space<vmem_shared>>) offsets(%dma_start3A_120 : memref<128xi32, #tpu.memory_space<vmem>>) semaphore(%run_scoped3A_117 : memref<!tpu.dma_semaphore, #tpu.memory_space<semaphore_mem>>) {add = true}
        %dma_wait3A_124 = arith.constant 0 : i32
        %dma_wait3A_125 = tpu.memref_slice %arg5[%scan3A_114, %dma_wait3A_124] : memref<80x128xi32, #tpu.memory_space<vmem>> -> memref<1x128xi32, #tpu.memory_space<vmem>>
        %dma_wait3A_126 = tpu.memref_squeeze %dma_wait3A_125 : memref<1x128xi32, #tpu.memory_space<vmem>> -> memref<128xi32, #tpu.memory_space<vmem>>
        %dma_wait3A_127 = arith.constant 0 : i32
        %dma_wait3A_128 = arith.constant 0 : i32
        %dma_wait3A_129 = tpu.memref_slice %arg9[%dma_wait3A_127, %dma_wait3A_128] : memref<10240x128xf32, #tpu.memory_space<vmem_shared>> -> memref<10240x128xf32, #tpu.memory_space<vmem_shared>>
        tpu.wait_indirect_dma semaphore(%run_scoped3A_117 : memref<!tpu.dma_semaphore, #tpu.memory_space<semaphore_mem>>) src(%arg7 : memref<128x128xf32, #tpu.memory_space<vmem>>) dst(%dma_wait3A_129 : memref<10240x128xf32, #tpu.memory_space<vmem_shared>>)
        tpu.yield
      }) : () -> ()
      %scan3A_116 = arith.constant 0 : i32
      scf.yield %scan3A_116 : i32
    }
    %scan3A_24 = arith.constant 80 : i32
    %barrier3A_25 = arith.constant 0 : index
    tpu.barrier barrier_id(%barrier3A_25)
    %dma_start3A = arith.constant 0 : i32
    %dma_start3A_26 = arith.constant 0 : i32
    %dma_start3A_27 = tpu.memref_slice %arg6[%dma_start3A, %dma_start3A_26] : memref<5x128xi32, #tpu.memory_space<vmem>> -> memref<1x128xi32, #tpu.memory_space<vmem>>
    %dma_start3A_28 = tpu.memref_squeeze %dma_start3A_27 : memref<1x128xi32, #tpu.memory_space<vmem>> -> memref<128xi32, #tpu.memory_space<vmem>>
    %dma_start3A_29 = arith.constant 0 : i32
    %dma_start3A_30 = arith.constant 0 : i32
    %dma_start3A_31 = tpu.memref_slice %arg9[%dma_start3A_29, %dma_start3A_30] : memref<10240x128xf32, #tpu.memory_space<vmem_shared>> -> memref<10240x128xf32, #tpu.memory_space<vmem_shared>>
    tpu.enqueue_indirect_dma source(%dma_start3A_31 : memref<10240x128xf32, #tpu.memory_space<vmem_shared>>) target(%arg8 : memref<128x128xf32, #tpu.memory_space<vmem>>) offsets(%dma_start3A_28 : memref<128xi32, #tpu.memory_space<vmem>>) semaphore(%arg10 : memref<!tpu.dma_semaphore, #tpu.memory_space<semaphore_mem>>)
    %dma_wait3A = arith.constant 0 : i32
    %dma_wait3A_32 = arith.constant 0 : i32
    %dma_wait3A_33 = tpu.memref_slice %arg6[%dma_wait3A, %dma_wait3A_32] : memref<5x128xi32, #tpu.memory_space<vmem>> -> memref<1x128xi32, #tpu.memory_space<vmem>>
    %dma_wait3A_34 = tpu.memref_squeeze %dma_wait3A_33 : memref<1x128xi32, #tpu.memory_space<vmem>> -> memref<128xi32, #tpu.memory_space<vmem>>
    %dma_wait3A_35 = arith.constant 0 : i32
    %dma_wait3A_36 = arith.constant 0 : i32
    %dma_wait3A_37 = tpu.memref_slice %arg9[%dma_wait3A_35, %dma_wait3A_36] : memref<10240x128xf32, #tpu.memory_space<vmem_shared>> -> memref<10240x128xf32, #tpu.memory_space<vmem_shared>>
    tpu.wait_indirect_dma semaphore(%arg10 : memref<!tpu.dma_semaphore, #tpu.memory_space<semaphore_mem>>) src(%dma_wait3A_37 : memref<10240x128xf32, #tpu.memory_space<vmem_shared>>) dst(%arg8 : memref<128x128xf32, #tpu.memory_space<vmem>>)
    %mul3A_38 = arith.constant 640 : i32
    %mul3A_39 = arith.muli %arg1, %mul3A_38 : i32
    %add3A_40 = arith.constant 0 : i32
    %add3A_41 = arith.addi %mul3A_39, %add3A_40 : i32
    "tpu.region"() ({
      %run_scoped3A_114 = tpu.sem_alloc : memref<!tpu.dma_semaphore, #tpu.memory_space<semaphore_mem>>
      %dma_start3A_115 = arith.constant 0 : i32
      %dma_start3A_116 = tpu.memref_slice %arg4[%arg0, %add3A_41, %dma_start3A_115] : memref<2x10240x128xf32, #tpu.memory_space<hbm>> -> memref<1x128x128xf32, #tpu.memory_space<hbm>>
      %dma_start3A_117 = tpu.memref_squeeze %dma_start3A_116 : memref<1x128x128xf32, #tpu.memory_space<hbm>> -> memref<128x128xf32, #tpu.memory_space<hbm>>
      %dma_start3A_118 = arith.constant 0 : i32
      %dma_start3A_119 = tpu.memref_slice %arg4[%arg0, %add3A_41, %dma_start3A_118] : memref<2x10240x128xf32, #tpu.memory_space<hbm>> -> memref<1x128x128xf32, #tpu.memory_space<hbm>>
      %dma_start3A_120 = tpu.memref_squeeze %dma_start3A_119 : memref<1x128x128xf32, #tpu.memory_space<hbm>> -> memref<128x128xf32, #tpu.memory_space<hbm>>
      tpu.enqueue_dma source(%arg8 : memref<128x128xf32, #tpu.memory_space<vmem>>) target(%dma_start3A_120 : memref<128x128xf32, #tpu.memory_space<hbm>>) target_semaphore(%run_scoped3A_114 : memref<!tpu.dma_semaphore, #tpu.memory_space<semaphore_mem>>)
      %dma_wait3A_121 = arith.constant 0 : i32
      %dma_wait3A_122 = tpu.memref_slice %arg4[%arg0, %add3A_41, %dma_wait3A_121] : memref<2x10240x128xf32, #tpu.memory_space<hbm>> -> memref<1x128x128xf32, #tpu.memory_space<hbm>>
      %dma_wait3A_123 = tpu.memref_squeeze %dma_wait3A_122 : memref<1x128x128xf32, #tpu.memory_space<hbm>> -> memref<128x128xf32, #tpu.memory_space<hbm>>
      %dma_wait3A_124 = arith.constant 0 : i32
      %dma_wait3A_125 = tpu.memref_slice %arg4[%arg0, %add3A_41, %dma_wait3A_124] : memref<2x10240x128xf32, #tpu.memory_space<hbm>> -> memref<1x128x128xf32, #tpu.memory_space<hbm>>
      %dma_wait3A_126 = tpu.memref_squeeze %dma_wait3A_125 : memref<1x128x128xf32, #tpu.memory_space<hbm>> -> memref<128x128xf32, #tpu.memory_space<hbm>>
      tpu.wait_dma2 semaphore(%run_scoped3A_114 : memref<!tpu.dma_semaphore, #tpu.memory_space<semaphore_mem>>) src(%arg8 : memref<128x128xf32, #tpu.memory_space<vmem>>) dst(%dma_wait3A_126 : memref<128x128xf32, #tpu.memory_space<hbm>>)
      tpu.yield
    }) : () -> ()
    %dma_start3A_42 = arith.constant 1 : i32
    %dma_start3A_43 = arith.constant 0 : i32
    %dma_start3A_44 = tpu.memref_slice %arg6[%dma_start3A_42, %dma_start3A_43] : memref<5x128xi32, #tpu.memory_space<vmem>> -> memref<1x128xi32, #tpu.memory_space<vmem>>
    %dma_start3A_45 = tpu.memref_squeeze %dma_start3A_44 : memref<1x128xi32, #tpu.memory_space<vmem>> -> memref<128xi32, #tpu.memory_space<vmem>>
    %dma_start3A_46 = arith.constant 0 : i32
    %dma_start3A_47 = arith.constant 0 : i32
    %dma_start3A_48 = tpu.memref_slice %arg9[%dma_start3A_46, %dma_start3A_47] : memref<10240x128xf32, #tpu.memory_space<vmem_shared>> -> memref<10240x128xf32, #tpu.memory_space<vmem_shared>>
    tpu.enqueue_indirect_dma source(%dma_start3A_48 : memref<10240x128xf32, #tpu.memory_space<vmem_shared>>) target(%arg8 : memref<128x128xf32, #tpu.memory_space<vmem>>) offsets(%dma_start3A_45 : memref<128xi32, #tpu.memory_space<vmem>>) semaphore(%arg10 : memref<!tpu.dma_semaphore, #tpu.memory_space<semaphore_mem>>)
    %dma_wait3A_49 = arith.constant 1 : i32
    %dma_wait3A_50 = arith.constant 0 : i32
    %dma_wait3A_51 = tpu.memref_slice %arg6[%dma_wait3A_49, %dma_wait3A_50] : memref<5x128xi32, #tpu.memory_space<vmem>> -> memref<1x128xi32, #tpu.memory_space<vmem>>
    %dma_wait3A_52 = tpu.memref_squeeze %dma_wait3A_51 : memref<1x128xi32, #tpu.memory_space<vmem>> -> memref<128xi32, #tpu.memory_space<vmem>>
    %dma_wait3A_53 = arith.constant 0 : i32
    %dma_wait3A_54 = arith.constant 0 : i32
    %dma_wait3A_55 = tpu.memref_slice %arg9[%dma_wait3A_53, %dma_wait3A_54] : memref<10240x128xf32, #tpu.memory_space<vmem_shared>> -> memref<10240x128xf32, #tpu.memory_space<vmem_shared>>
    tpu.wait_indirect_dma semaphore(%arg10 : memref<!tpu.dma_semaphore, #tpu.memory_space<semaphore_mem>>) src(%dma_wait3A_55 : memref<10240x128xf32, #tpu.memory_space<vmem_shared>>) dst(%arg8 : memref<128x128xf32, #tpu.memory_space<vmem>>)
    %mul3A_56 = arith.constant 640 : i32
    %mul3A_57 = arith.muli %arg1, %mul3A_56 : i32
    %add3A_58 = arith.constant 128 : i32
    %add3A_59 = arith.addi %mul3A_57, %add3A_58 : i32
    "tpu.region"() ({
      %run_scoped3A_114 = tpu.sem_alloc : memref<!tpu.dma_semaphore, #tpu.memory_space<semaphore_mem>>
      %dma_start3A_115 = arith.constant 0 : i32
      %dma_start3A_116 = tpu.memref_slice %arg4[%arg0, %add3A_59, %dma_start3A_115] : memref<2x10240x128xf32, #tpu.memory_space<hbm>> -> memref<1x128x128xf32, #tpu.memory_space<hbm>>
      %dma_start3A_117 = tpu.memref_squeeze %dma_start3A_116 : memref<1x128x128xf32, #tpu.memory_space<hbm>> -> memref<128x128xf32, #tpu.memory_space<hbm>>
      %dma_start3A_118 = arith.constant 0 : i32
      %dma_start3A_119 = tpu.memref_slice %arg4[%arg0, %add3A_59, %dma_start3A_118] : memref<2x10240x128xf32, #tpu.memory_space<hbm>> -> memref<1x128x128xf32, #tpu.memory_space<hbm>>
      %dma_start3A_120 = tpu.memref_squeeze %dma_start3A_119 : memref<1x128x128xf32, #tpu.memory_space<hbm>> -> memref<128x128xf32, #tpu.memory_space<hbm>>
      tpu.enqueue_dma source(%arg8 : memref<128x128xf32, #tpu.memory_space<vmem>>) target(%dma_start3A_120 : memref<128x128xf32, #tpu.memory_space<hbm>>) target_semaphore(%run_scoped3A_114 : memref<!tpu.dma_semaphore, #tpu.memory_space<semaphore_mem>>)
      %dma_wait3A_121 = arith.constant 0 : i32
      %dma_wait3A_122 = tpu.memref_slice %arg4[%arg0, %add3A_59, %dma_wait3A_121] : memref<2x10240x128xf32, #tpu.memory_space<hbm>> -> memref<1x128x128xf32, #tpu.memory_space<hbm>>
      %dma_wait3A_123 = tpu.memref_squeeze %dma_wait3A_122 : memref<1x128x128xf32, #tpu.memory_space<hbm>> -> memref<128x128xf32, #tpu.memory_space<hbm>>
      %dma_wait3A_124 = arith.constant 0 : i32
      %dma_wait3A_125 = tpu.memref_slice %arg4[%arg0, %add3A_59, %dma_wait3A_124] : memref<2x10240x128xf32, #tpu.memory_space<hbm>> -> memref<1x128x128xf32, #tpu.memory_space<hbm>>
      %dma_wait3A_126 = tpu.memref_squeeze %dma_wait3A_125 : memref<1x128x128xf32, #tpu.memory_space<hbm>> -> memref<128x128xf32, #tpu.memory_space<hbm>>
      tpu.wait_dma2 semaphore(%run_scoped3A_114 : memref<!tpu.dma_semaphore, #tpu.memory_space<semaphore_mem>>) src(%arg8 : memref<128x128xf32, #tpu.memory_space<vmem>>) dst(%dma_wait3A_126 : memref<128x128xf32, #tpu.memory_space<hbm>>)
      tpu.yield
    }) : () -> ()
    %dma_start3A_60 = arith.constant 2 : i32
    %dma_start3A_61 = arith.constant 0 : i32
    %dma_start3A_62 = tpu.memref_slice %arg6[%dma_start3A_60, %dma_start3A_61] : memref<5x128xi32, #tpu.memory_space<vmem>> -> memref<1x128xi32, #tpu.memory_space<vmem>>
    %dma_start3A_63 = tpu.memref_squeeze %dma_start3A_62 : memref<1x128xi32, #tpu.memory_space<vmem>> -> memref<128xi32, #tpu.memory_space<vmem>>
    %dma_start3A_64 = arith.constant 0 : i32
    %dma_start3A_65 = arith.constant 0 : i32
    %dma_start3A_66 = tpu.memref_slice %arg9[%dma_start3A_64, %dma_start3A_65] : memref<10240x128xf32, #tpu.memory_space<vmem_shared>> -> memref<10240x128xf32, #tpu.memory_space<vmem_shared>>
    tpu.enqueue_indirect_dma source(%dma_start3A_66 : memref<10240x128xf32, #tpu.memory_space<vmem_shared>>) target(%arg8 : memref<128x128xf32, #tpu.memory_space<vmem>>) offsets(%dma_start3A_63 : memref<128xi32, #tpu.memory_space<vmem>>) semaphore(%arg10 : memref<!tpu.dma_semaphore, #tpu.memory_space<semaphore_mem>>)
    %dma_wait3A_67 = arith.constant 2 : i32
    %dma_wait3A_68 = arith.constant 0 : i32
    %dma_wait3A_69 = tpu.memref_slice %arg6[%dma_wait3A_67, %dma_wait3A_68] : memref<5x128xi32, #tpu.memory_space<vmem>> -> memref<1x128xi32, #tpu.memory_space<vmem>>
    %dma_wait3A_70 = tpu.memref_squeeze %dma_wait3A_69 : memref<1x128xi32, #tpu.memory_space<vmem>> -> memref<128xi32, #tpu.memory_space<vmem>>
    %dma_wait3A_71 = arith.constant 0 : i32
    %dma_wait3A_72 = arith.constant 0 : i32
    %dma_wait3A_73 = tpu.memref_slice %arg9[%dma_wait3A_71, %dma_wait3A_72] : memref<10240x128xf32, #tpu.memory_space<vmem_shared>> -> memref<10240x128xf32, #tpu.memory_space<vmem_shared>>
    tpu.wait_indirect_dma semaphore(%arg10 : memref<!tpu.dma_semaphore, #tpu.memory_space<semaphore_mem>>) src(%dma_wait3A_73 : memref<10240x128xf32, #tpu.memory_space<vmem_shared>>) dst(%arg8 : memref<128x128xf32, #tpu.memory_space<vmem>>)
    %mul3A_74 = arith.constant 640 : i32
    %mul3A_75 = arith.muli %arg1, %mul3A_74 : i32
    %add3A_76 = arith.constant 256 : i32
    %add3A_77 = arith.addi %mul3A_75, %add3A_76 : i32
    "tpu.region"() ({
      %run_scoped3A_114 = tpu.sem_alloc : memref<!tpu.dma_semaphore, #tpu.memory_space<semaphore_mem>>
      %dma_start3A_115 = arith.constant 0 : i32
      %dma_start3A_116 = tpu.memref_slice %arg4[%arg0, %add3A_77, %dma_start3A_115] : memref<2x10240x128xf32, #tpu.memory_space<hbm>> -> memref<1x128x128xf32, #tpu.memory_space<hbm>>
      %dma_start3A_117 = tpu.memref_squeeze %dma_start3A_116 : memref<1x128x128xf32, #tpu.memory_space<hbm>> -> memref<128x128xf32, #tpu.memory_space<hbm>>
      %dma_start3A_118 = arith.constant 0 : i32
      %dma_start3A_119 = tpu.memref_slice %arg4[%arg0, %add3A_77, %dma_start3A_118] : memref<2x10240x128xf32, #tpu.memory_space<hbm>> -> memref<1x128x128xf32, #tpu.memory_space<hbm>>
      %dma_start3A_120 = tpu.memref_squeeze %dma_start3A_119 : memref<1x128x128xf32, #tpu.memory_space<hbm>> -> memref<128x128xf32, #tpu.memory_space<hbm>>
      tpu.enqueue_dma source(%arg8 : memref<128x128xf32, #tpu.memory_space<vmem>>) target(%dma_start3A_120 : memref<128x128xf32, #tpu.memory_space<hbm>>) target_semaphore(%run_scoped3A_114 : memref<!tpu.dma_semaphore, #tpu.memory_space<semaphore_mem>>)
      %dma_wait3A_121 = arith.constant 0 : i32
      %dma_wait3A_122 = tpu.memref_slice %arg4[%arg0, %add3A_77, %dma_wait3A_121] : memref<2x10240x128xf32, #tpu.memory_space<hbm>> -> memref<1x128x128xf32, #tpu.memory_space<hbm>>
      %dma_wait3A_123 = tpu.memref_squeeze %dma_wait3A_122 : memref<1x128x128xf32, #tpu.memory_space<hbm>> -> memref<128x128xf32, #tpu.memory_space<hbm>>
      %dma_wait3A_124 = arith.constant 0 : i32
      %dma_wait3A_125 = tpu.memref_slice %arg4[%arg0, %add3A_77, %dma_wait3A_124] : memref<2x10240x128xf32, #tpu.memory_space<hbm>> -> memref<1x128x128xf32, #tpu.memory_space<hbm>>
      %dma_wait3A_126 = tpu.memref_squeeze %dma_wait3A_125 : memref<1x128x128xf32, #tpu.memory_space<hbm>> -> memref<128x128xf32, #tpu.memory_space<hbm>>
      tpu.wait_dma2 semaphore(%run_scoped3A_114 : memref<!tpu.dma_semaphore, #tpu.memory_space<semaphore_mem>>) src(%arg8 : memref<128x128xf32, #tpu.memory_space<vmem>>) dst(%dma_wait3A_126 : memref<128x128xf32, #tpu.memory_space<hbm>>)
      tpu.yield
    }) : () -> ()
    %dma_start3A_78 = arith.constant 3 : i32
    %dma_start3A_79 = arith.constant 0 : i32
    %dma_start3A_80 = tpu.memref_slice %arg6[%dma_start3A_78, %dma_start3A_79] : memref<5x128xi32, #tpu.memory_space<vmem>> -> memref<1x128xi32, #tpu.memory_space<vmem>>
    %dma_start3A_81 = tpu.memref_squeeze %dma_start3A_80 : memref<1x128xi32, #tpu.memory_space<vmem>> -> memref<128xi32, #tpu.memory_space<vmem>>
    %dma_start3A_82 = arith.constant 0 : i32
    %dma_start3A_83 = arith.constant 0 : i32
    %dma_start3A_84 = tpu.memref_slice %arg9[%dma_start3A_82, %dma_start3A_83] : memref<10240x128xf32, #tpu.memory_space<vmem_shared>> -> memref<10240x128xf32, #tpu.memory_space<vmem_shared>>
    tpu.enqueue_indirect_dma source(%dma_start3A_84 : memref<10240x128xf32, #tpu.memory_space<vmem_shared>>) target(%arg8 : memref<128x128xf32, #tpu.memory_space<vmem>>) offsets(%dma_start3A_81 : memref<128xi32, #tpu.memory_space<vmem>>) semaphore(%arg10 : memref<!tpu.dma_semaphore, #tpu.memory_space<semaphore_mem>>)
    %dma_wait3A_85 = arith.constant 3 : i32
    %dma_wait3A_86 = arith.constant 0 : i32
    %dma_wait3A_87 = tpu.memref_slice %arg6[%dma_wait3A_85, %dma_wait3A_86] : memref<5x128xi32, #tpu.memory_space<vmem>> -> memref<1x128xi32, #tpu.memory_space<vmem>>
    %dma_wait3A_88 = tpu.memref_squeeze %dma_wait3A_87 : memref<1x128xi32, #tpu.memory_space<vmem>> -> memref<128xi32, #tpu.memory_space<vmem>>
    %dma_wait3A_89 = arith.constant 0 : i32
    %dma_wait3A_90 = arith.constant 0 : i32
    %dma_wait3A_91 = tpu.memref_slice %arg9[%dma_wait3A_89, %dma_wait3A_90] : memref<10240x128xf32, #tpu.memory_space<vmem_shared>> -> memref<10240x128xf32, #tpu.memory_space<vmem_shared>>
    tpu.wait_indirect_dma semaphore(%arg10 : memref<!tpu.dma_semaphore, #tpu.memory_space<semaphore_mem>>) src(%dma_wait3A_91 : memref<10240x128xf32, #tpu.memory_space<vmem_shared>>) dst(%arg8 : memref<128x128xf32, #tpu.memory_space<vmem>>)
    %mul3A_92 = arith.constant 640 : i32
    %mul3A_93 = arith.muli %arg1, %mul3A_92 : i32
    %add3A_94 = arith.constant 384 : i32
    %add3A_95 = arith.addi %mul3A_93, %add3A_94 : i32
    "tpu.region"() ({
      %run_scoped3A_114 = tpu.sem_alloc : memref<!tpu.dma_semaphore, #tpu.memory_space<semaphore_mem>>
      %dma_start3A_115 = arith.constant 0 : i32
      %dma_start3A_116 = tpu.memref_slice %arg4[%arg0, %add3A_95, %dma_start3A_115] : memref<2x10240x128xf32, #tpu.memory_space<hbm>> -> memref<1x128x128xf32, #tpu.memory_space<hbm>>
      %dma_start3A_117 = tpu.memref_squeeze %dma_start3A_116 : memref<1x128x128xf32, #tpu.memory_space<hbm>> -> memref<128x128xf32, #tpu.memory_space<hbm>>
      %dma_start3A_118 = arith.constant 0 : i32
      %dma_start3A_119 = tpu.memref_slice %arg4[%arg0, %add3A_95, %dma_start3A_118] : memref<2x10240x128xf32, #tpu.memory_space<hbm>> -> memref<1x128x128xf32, #tpu.memory_space<hbm>>
      %dma_start3A_120 = tpu.memref_squeeze %dma_start3A_119 : memref<1x128x128xf32, #tpu.memory_space<hbm>> -> memref<128x128xf32, #tpu.memory_space<hbm>>
      tpu.enqueue_dma source(%arg8 : memref<128x128xf32, #tpu.memory_space<vmem>>) target(%dma_start3A_120 : memref<128x128xf32, #tpu.memory_space<hbm>>) target_semaphore(%run_scoped3A_114 : memref<!tpu.dma_semaphore, #tpu.memory_space<semaphore_mem>>)
      %dma_wait3A_121 = arith.constant 0 : i32
      %dma_wait3A_122 = tpu.memref_slice %arg4[%arg0, %add3A_95, %dma_wait3A_121] : memref<2x10240x128xf32, #tpu.memory_space<hbm>> -> memref<1x128x128xf32, #tpu.memory_space<hbm>>
      %dma_wait3A_123 = tpu.memref_squeeze %dma_wait3A_122 : memref<1x128x128xf32, #tpu.memory_space<hbm>> -> memref<128x128xf32, #tpu.memory_space<hbm>>
      %dma_wait3A_124 = arith.constant 0 : i32
      %dma_wait3A_125 = tpu.memref_slice %arg4[%arg0, %add3A_95, %dma_wait3A_124] : memref<2x10240x128xf32, #tpu.memory_space<hbm>> -> memref<1x128x128xf32, #tpu.memory_space<hbm>>
      %dma_wait3A_126 = tpu.memref_squeeze %dma_wait3A_125 : memref<1x128x128xf32, #tpu.memory_space<hbm>> -> memref<128x128xf32, #tpu.memory_space<hbm>>
      tpu.wait_dma2 semaphore(%run_scoped3A_114 : memref<!tpu.dma_semaphore, #tpu.memory_space<semaphore_mem>>) src(%arg8 : memref<128x128xf32, #tpu.memory_space<vmem>>) dst(%dma_wait3A_126 : memref<128x128xf32, #tpu.memory_space<hbm>>)
      tpu.yield
    }) : () -> ()
    %dma_start3A_96 = arith.constant 4 : i32
    %dma_start3A_97 = arith.constant 0 : i32
    %dma_start3A_98 = tpu.memref_slice %arg6[%dma_start3A_96, %dma_start3A_97] : memref<5x128xi32, #tpu.memory_space<vmem>> -> memref<1x128xi32, #tpu.memory_space<vmem>>
    %dma_start3A_99 = tpu.memref_squeeze %dma_start3A_98 : memref<1x128xi32, #tpu.memory_space<vmem>> -> memref<128xi32, #tpu.memory_space<vmem>>
    %dma_start3A_100 = arith.constant 0 : i32
    %dma_start3A_101 = arith.constant 0 : i32
    %dma_start3A_102 = tpu.memref_slice %arg9[%dma_start3A_100, %dma_start3A_101] : memref<10240x128xf32, #tpu.memory_space<vmem_shared>> -> memref<10240x128xf32, #tpu.memory_space<vmem_shared>>
    tpu.enqueue_indirect_dma source(%dma_start3A_102 : memref<10240x128xf32, #tpu.memory_space<vmem_shared>>) target(%arg8 : memref<128x128xf32, #tpu.memory_space<vmem>>) offsets(%dma_start3A_99 : memref<128xi32, #tpu.memory_space<vmem>>) semaphore(%arg10 : memref<!tpu.dma_semaphore, #tpu.memory_space<semaphore_mem>>)
    %dma_wait3A_103 = arith.constant 4 : i32
    %dma_wait3A_104 = arith.constant 0 : i32
    %dma_wait3A_105 = tpu.memref_slice %arg6[%dma_wait3A_103, %dma_wait3A_104] : memref<5x128xi32, #tpu.memory_space<vmem>> -> memref<1x128xi32, #tpu.memory_space<vmem>>
    %dma_wait3A_106 = tpu.memref_squeeze %dma_wait3A_105 : memref<1x128xi32, #tpu.memory_space<vmem>> -> memref<128xi32, #tpu.memory_space<vmem>>
    %dma_wait3A_107 = arith.constant 0 : i32
    %dma_wait3A_108 = arith.constant 0 : i32
    %dma_wait3A_109 = tpu.memref_slice %arg9[%dma_wait3A_107, %dma_wait3A_108] : memref<10240x128xf32, #tpu.memory_space<vmem_shared>> -> memref<10240x128xf32, #tpu.memory_space<vmem_shared>>
    tpu.wait_indirect_dma semaphore(%arg10 : memref<!tpu.dma_semaphore, #tpu.memory_space<semaphore_mem>>) src(%dma_wait3A_109 : memref<10240x128xf32, #tpu.memory_space<vmem_shared>>) dst(%arg8 : memref<128x128xf32, #tpu.memory_space<vmem>>)
    %mul3A_110 = arith.constant 640 : i32
    %mul3A_111 = arith.muli %arg1, %mul3A_110 : i32
    %add3A_112 = arith.constant 512 : i32
    %add3A_113 = arith.addi %mul3A_111, %add3A_112 : i32
    "tpu.region"() ({
      %run_scoped3A_114 = tpu.sem_alloc : memref<!tpu.dma_semaphore, #tpu.memory_space<semaphore_mem>>
      %dma_start3A_115 = arith.constant 0 : i32
      %dma_start3A_116 = tpu.memref_slice %arg4[%arg0, %add3A_113, %dma_start3A_115] : memref<2x10240x128xf32, #tpu.memory_space<hbm>> -> memref<1x128x128xf32, #tpu.memory_space<hbm>>
      %dma_start3A_117 = tpu.memref_squeeze %dma_start3A_116 : memref<1x128x128xf32, #tpu.memory_space<hbm>> -> memref<128x128xf32, #tpu.memory_space<hbm>>
      %dma_start3A_118 = arith.constant 0 : i32
      %dma_start3A_119 = tpu.memref_slice %arg4[%arg0, %add3A_113, %dma_start3A_118] : memref<2x10240x128xf32, #tpu.memory_space<hbm>> -> memref<1x128x128xf32, #tpu.memory_space<hbm>>
      %dma_start3A_120 = tpu.memref_squeeze %dma_start3A_119 : memref<1x128x128xf32, #tpu.memory_space<hbm>> -> memref<128x128xf32, #tpu.memory_space<hbm>>
      tpu.enqueue_dma source(%arg8 : memref<128x128xf32, #tpu.memory_space<vmem>>) target(%dma_start3A_120 : memref<128x128xf32, #tpu.memory_space<hbm>>) target_semaphore(%run_scoped3A_114 : memref<!tpu.dma_semaphore, #tpu.memory_space<semaphore_mem>>)
      %dma_wait3A_121 = arith.constant 0 : i32
      %dma_wait3A_122 = tpu.memref_slice %arg4[%arg0, %add3A_113, %dma_wait3A_121] : memref<2x10240x128xf32, #tpu.memory_space<hbm>> -> memref<1x128x128xf32, #tpu.memory_space<hbm>>
      %dma_wait3A_123 = tpu.memref_squeeze %dma_wait3A_122 : memref<1x128x128xf32, #tpu.memory_space<hbm>> -> memref<128x128xf32, #tpu.memory_space<hbm>>
      %dma_wait3A_124 = arith.constant 0 : i32
      %dma_wait3A_125 = tpu.memref_slice %arg4[%arg0, %add3A_113, %dma_wait3A_124] : memref<2x10240x128xf32, #tpu.memory_space<hbm>> -> memref<1x128x128xf32, #tpu.memory_space<hbm>>
      %dma_wait3A_126 = tpu.memref_squeeze %dma_wait3A_125 : memref<1x128x128xf32, #tpu.memory_space<hbm>> -> memref<128x128xf32, #tpu.memory_space<hbm>>
      tpu.wait_dma2 semaphore(%run_scoped3A_114 : memref<!tpu.dma_semaphore, #tpu.memory_space<semaphore_mem>>) src(%arg8 : memref<128x128xf32, #tpu.memory_space<vmem>>) dst(%dma_wait3A_126 : memref<128x128xf32, #tpu.memory_space<hbm>>)
      tpu.yield
    }) : () -> ()
    return
  }
}

#map = affine_map<(d0, d1) -> (0, 0)>
#map1 = affine_map<(d0, d1) -> (0, 0, 0)>
module attributes {stable_mosaic.version = 14 : i64} {
  func.func @_agg_kernel_body(%arg0: i32, %arg1: i32, %arg2: memref<2560x128xi32, #tpu.memory_space<hbm>>, %arg3: memref<2560x128xi32, #tpu.memory_space<hbm>>, %arg4: memref<16x5x128xi32, #tpu.memory_space<hbm>>, %arg5: memref<10240x128xf32, #tpu.memory_space<hbm>>, %arg6: memref<2x10240x128xf32, #tpu.memory_space<hbm>>, %arg7: memref<112x128xi32, #tpu.memory_space<vmem>>, %arg8: memref<112x128xi32, #tpu.memory_space<vmem>>, %arg9: memref<5x128xi32, #tpu.memory_space<vmem>>, %arg10: memref<128x128xf32, #tpu.memory_space<vmem>>, %arg11: memref<10240x128xf32, #tpu.memory_space<vmem_shared>>, %arg12: memref<!tpu.dma_semaphore, #tpu.memory_space<semaphore_mem>>) attributes {dimension_semantics = [#tpu.dimension_semantics<core_parallel>, #tpu.dimension_semantics<subcore_parallel>], iteration_bounds = array<i64: 2, 16>, scalar_prefetch = 0 : i64, scratch_operands = 6 : i64, tpu.core_type = #tpu.core_type<sc_vector_subcore>, window_params = [{transform_indices = #map}, {transform_indices = #map}, {transform_indices = #map1}, {transform_indices = #map}, {transform_indices = #map1}]} {
    %eq3A = arith.constant 0 : i32
    %eq3A_0 = arith.cmpi eq, %arg0, %eq3A : i32
    %jit3A = arith.constant 112 : i32
    %jit3A_1 = arith.constant 48 : i32
    %select_n3A = arith.select %eq3A_0, %jit3A, %jit3A_1 : i32
    %eq3A_2 = arith.constant 0 : i32
    %eq3A_3 = arith.cmpi eq, %arg0, %eq3A_2 : i32
    %mul3A = arith.constant 112 : i32
    %mul3A_4 = arith.muli %arg1, %mul3A : i32
    %mul3A_5 = arith.constant 48 : i32
    %mul3A_6 = arith.muli %arg1, %mul3A_5 : i32
    %add3A = arith.constant 1792 : i32
    %add3A_7 = arith.addi %add3A, %mul3A_6 : i32
    %select_n3A_8 = arith.select %eq3A_3, %mul3A_4, %add3A_7 : i32
    %multiple_of3A = tpu.assume_multiple %select_n3A_8, 8 : i32
    %scan3A = arith.constant 0 : i32
    %scan3A_9 = arith.constant 0 : i32
    %scan3A_10 = arith.constant 1024 : i32
    %scan3A_11 = arith.addi %scan3A_9, %scan3A_10 : i32
    %scan3A_12 = arith.constant 1 : i32
    %scan3A_13 = scf.for %scan3A_119 = %scan3A_9 to %scan3A_11 step %scan3A_12 iter_args(%scan3A_120 = %scan3A) -> (i32)  : i32 {
      %broadcast_in_dim3A = arith.constant 0.000000e+00 : f32
      %broadcast_in_dim3A_121 = vector.broadcast %broadcast_in_dim3A : f32 to vector<16xf32>
      %jit3A_122 = arith.constant 8 : i32
      %div3A = arith.divsi %scan3A_119, %jit3A_122 : i32
      %sign3A = arith.constant 0 : i32
      %sign3A_123 = arith.cmpi sgt, %scan3A_119, %sign3A : i32
      %sign3A_124 = arith.extui %sign3A_123 : i1 to i32
      %sign3A_125 = arith.constant 0 : i32
      %sign3A_126 = arith.cmpi slt, %scan3A_119, %sign3A_125 : i32
      %sign3A_127 = arith.extui %sign3A_126 : i1 to i32
      %sign3A_128 = arith.subi %sign3A_124, %sign3A_127 : i32
      %sign3A_129 = arith.constant 0 : i32
      %sign3A_130 = arith.cmpi sgt, %jit3A_122, %sign3A_129 : i32
      %sign3A_131 = arith.extui %sign3A_130 : i1 to i32
      %sign3A_132 = arith.constant 0 : i32
      %sign3A_133 = arith.cmpi slt, %jit3A_122, %sign3A_132 : i32
      %sign3A_134 = arith.extui %sign3A_133 : i1 to i32
      %sign3A_135 = arith.subi %sign3A_131, %sign3A_134 : i32
      %ne3A = arith.cmpi ne, %sign3A_128, %sign3A_135 : i32
      %rem3A = arith.remsi %scan3A_119, %jit3A_122 : i32
      %ne3A_136 = arith.constant 0 : i32
      %ne3A_137 = arith.cmpi ne, %rem3A, %ne3A_136 : i32
      %and3A = arith.andi %ne3A, %ne3A_137 : i1
      %sub3A = arith.constant 1 : i32
      %sub3A_138 = arith.subi %div3A, %sub3A : i32
      %select_n3A_139 = arith.select %and3A, %sub3A_138, %div3A : i32
      %jit3A_140 = arith.constant 8 : i32
      %eq3A_141 = arith.constant 0 : i32
      %eq3A_142 = arith.cmpi eq, %jit3A_140, %eq3A_141 : i32
      %jit3A_143 = arith.constant 1 : i32
      %select_n3A_144 = arith.select %eq3A_142, %jit3A_143, %jit3A_140 : i32
      %rem3A_145 = arith.remsi %scan3A_119, %select_n3A_144 : i32
      %ne3A_146 = arith.constant 0 : i32
      %ne3A_147 = arith.cmpi ne, %rem3A_145, %ne3A_146 : i32
      %lt3A = arith.constant 0 : i32
      %lt3A_148 = arith.cmpi slt, %rem3A_145, %lt3A : i32
      %lt3A_149 = arith.constant 0 : i32
      %lt3A_150 = arith.cmpi slt, %select_n3A_144, %lt3A_149 : i32
      %ne3A_151 = arith.xori %lt3A_148, %lt3A_150 : i1
      %and3A_152 = arith.andi %ne3A_151, %ne3A_147 : i1
      %add3A_153 = arith.addi %rem3A_145, %select_n3A_144 : i32
      %select_n3A_154 = arith.select %and3A_152, %add3A_153, %rem3A_145 : i32
      %mul3A_155 = arith.constant 16 : i32
      %mul3A_156 = arith.muli %select_n3A_154, %mul3A_155 : i32
      %swap3A = arith.index_cast %select_n3A_139 : i32 to index
      %swap3A_157 = arith.index_cast %mul3A_156 : i32 to index
      %swap3A_158 = tpu.vector_load %arg10[%swap3A, %swap3A_157] {strides = array<i32>} : memref<128x128xf32, #tpu.memory_space<vmem>>, vector<1x16xf32>,
      %swap3A_159 = vector.shape_cast %swap3A_158 : vector<1x16xf32> to vector<16xf32>
      %swap3A_160 = vector.shape_cast %broadcast_in_dim3A_121 : vector<16xf32> to vector<1x16xf32>
      tpu.vector_store %arg10[%swap3A, %swap3A_157], %swap3A_160 {strides = array<i32>} : memref<128x128xf32, #tpu.memory_space<vmem>>, vector<1x16xf32>,
      %scan3A_161 = arith.constant 0 : i32
      scf.yield %scan3A_161 : i32
    }
    %scan3A_14 = arith.constant 1024 : i32
    "tpu.region"() ({
      %run_scoped3A_119 = tpu.sem_alloc : memref<!tpu.dma_semaphore, #tpu.memory_space<semaphore_mem>>
      %dma_start3A_120 = arith.constant 0 : i32
      %dma_start3A_121 = tpu.memref_slice %arg2[%multiple_of3A, %dma_start3A_120] : memref<2560x128xi32, #tpu.memory_space<hbm>> -> memref<112x128xi32, #tpu.memory_space<hbm>>
      %dma_start3A_122 = arith.constant 0 : i32
      %dma_start3A_123 = tpu.memref_slice %arg2[%multiple_of3A, %dma_start3A_122] : memref<2560x128xi32, #tpu.memory_space<hbm>> -> memref<112x128xi32, #tpu.memory_space<hbm>>
      tpu.enqueue_dma source(%dma_start3A_123 : memref<112x128xi32, #tpu.memory_space<hbm>>) target(%arg7 : memref<112x128xi32, #tpu.memory_space<vmem>>) target_semaphore(%run_scoped3A_119 : memref<!tpu.dma_semaphore, #tpu.memory_space<semaphore_mem>>)
      %dma_wait3A_124 = arith.constant 0 : i32
      %dma_wait3A_125 = tpu.memref_slice %arg2[%multiple_of3A, %dma_wait3A_124] : memref<2560x128xi32, #tpu.memory_space<hbm>> -> memref<112x128xi32, #tpu.memory_space<hbm>>
      %dma_wait3A_126 = arith.constant 0 : i32
      %dma_wait3A_127 = tpu.memref_slice %arg2[%multiple_of3A, %dma_wait3A_126] : memref<2560x128xi32, #tpu.memory_space<hbm>> -> memref<112x128xi32, #tpu.memory_space<hbm>>
      tpu.wait_dma2 semaphore(%run_scoped3A_119 : memref<!tpu.dma_semaphore, #tpu.memory_space<semaphore_mem>>) src(%dma_wait3A_127 : memref<112x128xi32, #tpu.memory_space<hbm>>) dst(%arg7 : memref<112x128xi32, #tpu.memory_space<vmem>>)
      tpu.yield
    }) : () -> ()
    "tpu.region"() ({
      %run_scoped3A_119 = tpu.sem_alloc : memref<!tpu.dma_semaphore, #tpu.memory_space<semaphore_mem>>
      %dma_start3A_120 = arith.constant 0 : i32
      %dma_start3A_121 = tpu.memref_slice %arg3[%multiple_of3A, %dma_start3A_120] : memref<2560x128xi32, #tpu.memory_space<hbm>> -> memref<112x128xi32, #tpu.memory_space<hbm>>
      %dma_start3A_122 = arith.constant 0 : i32
      %dma_start3A_123 = tpu.memref_slice %arg3[%multiple_of3A, %dma_start3A_122] : memref<2560x128xi32, #tpu.memory_space<hbm>> -> memref<112x128xi32, #tpu.memory_space<hbm>>
      tpu.enqueue_dma source(%dma_start3A_123 : memref<112x128xi32, #tpu.memory_space<hbm>>) target(%arg8 : memref<112x128xi32, #tpu.memory_space<vmem>>) target_semaphore(%run_scoped3A_119 : memref<!tpu.dma_semaphore, #tpu.memory_space<semaphore_mem>>)
      %dma_wait3A_124 = arith.constant 0 : i32
      %dma_wait3A_125 = tpu.memref_slice %arg3[%multiple_of3A, %dma_wait3A_124] : memref<2560x128xi32, #tpu.memory_space<hbm>> -> memref<112x128xi32, #tpu.memory_space<hbm>>
      %dma_wait3A_126 = arith.constant 0 : i32
      %dma_wait3A_127 = tpu.memref_slice %arg3[%multiple_of3A, %dma_wait3A_126] : memref<2560x128xi32, #tpu.memory_space<hbm>> -> memref<112x128xi32, #tpu.memory_space<hbm>>
      tpu.wait_dma2 semaphore(%run_scoped3A_119 : memref<!tpu.dma_semaphore, #tpu.memory_space<semaphore_mem>>) src(%dma_wait3A_127 : memref<112x128xi32, #tpu.memory_space<hbm>>) dst(%arg8 : memref<112x128xi32, #tpu.memory_space<vmem>>)
      tpu.yield
    }) : () -> ()
    "tpu.region"() ({
      %run_scoped3A_119 = tpu.sem_alloc : memref<!tpu.dma_semaphore, #tpu.memory_space<semaphore_mem>>
      %dma_start3A_120 = arith.constant 0 : i32
      %dma_start3A_121 = arith.constant 0 : i32
      %dma_start3A_122 = tpu.memref_slice %arg4[%arg1, %dma_start3A_120, %dma_start3A_121] : memref<16x5x128xi32, #tpu.memory_space<hbm>> -> memref<1x5x128xi32, #tpu.memory_space<hbm>>
      %dma_start3A_123 = tpu.memref_squeeze %dma_start3A_122 : memref<1x5x128xi32, #tpu.memory_space<hbm>> -> memref<5x128xi32, #tpu.memory_space<hbm>>
      %dma_start3A_124 = arith.constant 0 : i32
      %dma_start3A_125 = arith.constant 0 : i32
      %dma_start3A_126 = tpu.memref_slice %arg4[%arg1, %dma_start3A_124, %dma_start3A_125] : memref<16x5x128xi32, #tpu.memory_space<hbm>> -> memref<1x5x128xi32, #tpu.memory_space<hbm>>
      %dma_start3A_127 = tpu.memref_squeeze %dma_start3A_126 : memref<1x5x128xi32, #tpu.memory_space<hbm>> -> memref<5x128xi32, #tpu.memory_space<hbm>>
      tpu.enqueue_dma source(%dma_start3A_127 : memref<5x128xi32, #tpu.memory_space<hbm>>) target(%arg9 : memref<5x128xi32, #tpu.memory_space<vmem>>) target_semaphore(%run_scoped3A_119 : memref<!tpu.dma_semaphore, #tpu.memory_space<semaphore_mem>>)
      %dma_wait3A_128 = arith.constant 0 : i32
      %dma_wait3A_129 = arith.constant 0 : i32
      %dma_wait3A_130 = tpu.memref_slice %arg4[%arg1, %dma_wait3A_128, %dma_wait3A_129] : memref<16x5x128xi32, #tpu.memory_space<hbm>> -> memref<1x5x128xi32, #tpu.memory_space<hbm>>
      %dma_wait3A_131 = tpu.memref_squeeze %dma_wait3A_130 : memref<1x5x128xi32, #tpu.memory_space<hbm>> -> memref<5x128xi32, #tpu.memory_space<hbm>>
      %dma_wait3A_132 = arith.constant 0 : i32
      %dma_wait3A_133 = arith.constant 0 : i32
      %dma_wait3A_134 = tpu.memref_slice %arg4[%arg1, %dma_wait3A_132, %dma_wait3A_133] : memref<16x5x128xi32, #tpu.memory_space<hbm>> -> memref<1x5x128xi32, #tpu.memory_space<hbm>>
      %dma_wait3A_135 = tpu.memref_squeeze %dma_wait3A_134 : memref<1x5x128xi32, #tpu.memory_space<hbm>> -> memref<5x128xi32, #tpu.memory_space<hbm>>
      tpu.wait_dma2 semaphore(%run_scoped3A_119 : memref<!tpu.dma_semaphore, #tpu.memory_space<semaphore_mem>>) src(%dma_wait3A_135 : memref<5x128xi32, #tpu.memory_space<hbm>>) dst(%arg9 : memref<5x128xi32, #tpu.memory_space<vmem>>)
      tpu.yield
    }) : () -> ()
    %run_scoped3A = arith.constant 0 : i32
    "tpu.region"() ({
      %run_scoped3A_119 = tpu.sem_alloc : memref<!tpu.dma_semaphore, #tpu.memory_space<semaphore_mem>>
      %dma_start3A_120 = arith.constant 0 : i32
      %dma_start3A_121 = tpu.memref_slice %arg9[%run_scoped3A, %dma_start3A_120] : memref<5x128xi32, #tpu.memory_space<vmem>> -> memref<1x128xi32, #tpu.memory_space<vmem>>
      %dma_start3A_122 = tpu.memref_squeeze %dma_start3A_121 : memref<1x128xi32, #tpu.memory_space<vmem>> -> memref<128xi32, #tpu.memory_space<vmem>>
      %dma_start3A_123 = arith.constant 0 : i32
      %dma_start3A_124 = arith.constant 0 : i32
      %dma_start3A_125 = tpu.memref_slice %arg11[%dma_start3A_123, %dma_start3A_124] : memref<10240x128xf32, #tpu.memory_space<vmem_shared>> -> memref<10240x128xf32, #tpu.memory_space<vmem_shared>>
      tpu.enqueue_indirect_dma source(%arg10 : memref<128x128xf32, #tpu.memory_space<vmem>>) target(%dma_start3A_125 : memref<10240x128xf32, #tpu.memory_space<vmem_shared>>) offsets(%dma_start3A_122 : memref<128xi32, #tpu.memory_space<vmem>>) semaphore(%run_scoped3A_119 : memref<!tpu.dma_semaphore, #tpu.memory_space<semaphore_mem>>)
      %dma_wait3A_126 = arith.constant 0 : i32
      %dma_wait3A_127 = tpu.memref_slice %arg9[%run_scoped3A, %dma_wait3A_126] : memref<5x128xi32, #tpu.memory_space<vmem>> -> memref<1x128xi32, #tpu.memory_space<vmem>>
      %dma_wait3A_128 = tpu.memref_squeeze %dma_wait3A_127 : memref<1x128xi32, #tpu.memory_space<vmem>> -> memref<128xi32, #tpu.memory_space<vmem>>
      %dma_wait3A_129 = arith.constant 0 : i32
      %dma_wait3A_130 = arith.constant 0 : i32
      %dma_wait3A_131 = tpu.memref_slice %arg11[%dma_wait3A_129, %dma_wait3A_130] : memref<10240x128xf32, #tpu.memory_space<vmem_shared>> -> memref<10240x128xf32, #tpu.memory_space<vmem_shared>>
      tpu.wait_indirect_dma semaphore(%run_scoped3A_119 : memref<!tpu.dma_semaphore, #tpu.memory_space<semaphore_mem>>) src(%arg10 : memref<128x128xf32, #tpu.memory_space<vmem>>) dst(%dma_wait3A_131 : memref<10240x128xf32, #tpu.memory_space<vmem_shared>>)
      tpu.yield
    }) : () -> ()
    %run_scoped3A_15 = arith.constant 1 : i32
    "tpu.region"() ({
      %run_scoped3A_119 = tpu.sem_alloc : memref<!tpu.dma_semaphore, #tpu.memory_space<semaphore_mem>>
      %dma_start3A_120 = arith.constant 0 : i32
      %dma_start3A_121 = tpu.memref_slice %arg9[%run_scoped3A_15, %dma_start3A_120] : memref<5x128xi32, #tpu.memory_space<vmem>> -> memref<1x128xi32, #tpu.memory_space<vmem>>
      %dma_start3A_122 = tpu.memref_squeeze %dma_start3A_121 : memref<1x128xi32, #tpu.memory_space<vmem>> -> memref<128xi32, #tpu.memory_space<vmem>>
      %dma_start3A_123 = arith.constant 0 : i32
      %dma_start3A_124 = arith.constant 0 : i32
      %dma_start3A_125 = tpu.memref_slice %arg11[%dma_start3A_123, %dma_start3A_124] : memref<10240x128xf32, #tpu.memory_space<vmem_shared>> -> memref<10240x128xf32, #tpu.memory_space<vmem_shared>>
      tpu.enqueue_indirect_dma source(%arg10 : memref<128x128xf32, #tpu.memory_space<vmem>>) target(%dma_start3A_125 : memref<10240x128xf32, #tpu.memory_space<vmem_shared>>) offsets(%dma_start3A_122 : memref<128xi32, #tpu.memory_space<vmem>>) semaphore(%run_scoped3A_119 : memref<!tpu.dma_semaphore, #tpu.memory_space<semaphore_mem>>)
      %dma_wait3A_126 = arith.constant 0 : i32
      %dma_wait3A_127 = tpu.memref_slice %arg9[%run_scoped3A_15, %dma_wait3A_126] : memref<5x128xi32, #tpu.memory_space<vmem>> -> memref<1x128xi32, #tpu.memory_space<vmem>>
      %dma_wait3A_128 = tpu.memref_squeeze %dma_wait3A_127 : memref<1x128xi32, #tpu.memory_space<vmem>> -> memref<128xi32, #tpu.memory_space<vmem>>
      %dma_wait3A_129 = arith.constant 0 : i32
      %dma_wait3A_130 = arith.constant 0 : i32
      %dma_wait3A_131 = tpu.memref_slice %arg11[%dma_wait3A_129, %dma_wait3A_130] : memref<10240x128xf32, #tpu.memory_space<vmem_shared>> -> memref<10240x128xf32, #tpu.memory_space<vmem_shared>>
      tpu.wait_indirect_dma semaphore(%run_scoped3A_119 : memref<!tpu.dma_semaphore, #tpu.memory_space<semaphore_mem>>) src(%arg10 : memref<128x128xf32, #tpu.memory_space<vmem>>) dst(%dma_wait3A_131 : memref<10240x128xf32, #tpu.memory_space<vmem_shared>>)
      tpu.yield
    }) : () -> ()
    %run_scoped3A_16 = arith.constant 2 : i32
    "tpu.region"() ({
      %run_scoped3A_119 = tpu.sem_alloc : memref<!tpu.dma_semaphore, #tpu.memory_space<semaphore_mem>>
      %dma_start3A_120 = arith.constant 0 : i32
      %dma_start3A_121 = tpu.memref_slice %arg9[%run_scoped3A_16, %dma_start3A_120] : memref<5x128xi32, #tpu.memory_space<vmem>> -> memref<1x128xi32, #tpu.memory_space<vmem>>
      %dma_start3A_122 = tpu.memref_squeeze %dma_start3A_121 : memref<1x128xi32, #tpu.memory_space<vmem>> -> memref<128xi32, #tpu.memory_space<vmem>>
      %dma_start3A_123 = arith.constant 0 : i32
      %dma_start3A_124 = arith.constant 0 : i32
      %dma_start3A_125 = tpu.memref_slice %arg11[%dma_start3A_123, %dma_start3A_124] : memref<10240x128xf32, #tpu.memory_space<vmem_shared>> -> memref<10240x128xf32, #tpu.memory_space<vmem_shared>>
      tpu.enqueue_indirect_dma source(%arg10 : memref<128x128xf32, #tpu.memory_space<vmem>>) target(%dma_start3A_125 : memref<10240x128xf32, #tpu.memory_space<vmem_shared>>) offsets(%dma_start3A_122 : memref<128xi32, #tpu.memory_space<vmem>>) semaphore(%run_scoped3A_119 : memref<!tpu.dma_semaphore, #tpu.memory_space<semaphore_mem>>)
      %dma_wait3A_126 = arith.constant 0 : i32
      %dma_wait3A_127 = tpu.memref_slice %arg9[%run_scoped3A_16, %dma_wait3A_126] : memref<5x128xi32, #tpu.memory_space<vmem>> -> memref<1x128xi32, #tpu.memory_space<vmem>>
      %dma_wait3A_128 = tpu.memref_squeeze %dma_wait3A_127 : memref<1x128xi32, #tpu.memory_space<vmem>> -> memref<128xi32, #tpu.memory_space<vmem>>
      %dma_wait3A_129 = arith.constant 0 : i32
      %dma_wait3A_130 = arith.constant 0 : i32
      %dma_wait3A_131 = tpu.memref_slice %arg11[%dma_wait3A_129, %dma_wait3A_130] : memref<10240x128xf32, #tpu.memory_space<vmem_shared>> -> memref<10240x128xf32, #tpu.memory_space<vmem_shared>>
      tpu.wait_indirect_dma semaphore(%run_scoped3A_119 : memref<!tpu.dma_semaphore, #tpu.memory_space<semaphore_mem>>) src(%arg10 : memref<128x128xf32, #tpu.memory_space<vmem>>) dst(%dma_wait3A_131 : memref<10240x128xf32, #tpu.memory_space<vmem_shared>>)
      tpu.yield
    }) : () -> ()
    %run_scoped3A_17 = arith.constant 3 : i32
    "tpu.region"() ({
      %run_scoped3A_119 = tpu.sem_alloc : memref<!tpu.dma_semaphore, #tpu.memory_space<semaphore_mem>>
      %dma_start3A_120 = arith.constant 0 : i32
      %dma_start3A_121 = tpu.memref_slice %arg9[%run_scoped3A_17, %dma_start3A_120] : memref<5x128xi32, #tpu.memory_space<vmem>> -> memref<1x128xi32, #tpu.memory_space<vmem>>
      %dma_start3A_122 = tpu.memref_squeeze %dma_start3A_121 : memref<1x128xi32, #tpu.memory_space<vmem>> -> memref<128xi32, #tpu.memory_space<vmem>>
      %dma_start3A_123 = arith.constant 0 : i32
      %dma_start3A_124 = arith.constant 0 : i32
      %dma_start3A_125 = tpu.memref_slice %arg11[%dma_start3A_123, %dma_start3A_124] : memref<10240x128xf32, #tpu.memory_space<vmem_shared>> -> memref<10240x128xf32, #tpu.memory_space<vmem_shared>>
      tpu.enqueue_indirect_dma source(%arg10 : memref<128x128xf32, #tpu.memory_space<vmem>>) target(%dma_start3A_125 : memref<10240x128xf32, #tpu.memory_space<vmem_shared>>) offsets(%dma_start3A_122 : memref<128xi32, #tpu.memory_space<vmem>>) semaphore(%run_scoped3A_119 : memref<!tpu.dma_semaphore, #tpu.memory_space<semaphore_mem>>)
      %dma_wait3A_126 = arith.constant 0 : i32
      %dma_wait3A_127 = tpu.memref_slice %arg9[%run_scoped3A_17, %dma_wait3A_126] : memref<5x128xi32, #tpu.memory_space<vmem>> -> memref<1x128xi32, #tpu.memory_space<vmem>>
      %dma_wait3A_128 = tpu.memref_squeeze %dma_wait3A_127 : memref<1x128xi32, #tpu.memory_space<vmem>> -> memref<128xi32, #tpu.memory_space<vmem>>
      %dma_wait3A_129 = arith.constant 0 : i32
      %dma_wait3A_130 = arith.constant 0 : i32
      %dma_wait3A_131 = tpu.memref_slice %arg11[%dma_wait3A_129, %dma_wait3A_130] : memref<10240x128xf32, #tpu.memory_space<vmem_shared>> -> memref<10240x128xf32, #tpu.memory_space<vmem_shared>>
      tpu.wait_indirect_dma semaphore(%run_scoped3A_119 : memref<!tpu.dma_semaphore, #tpu.memory_space<semaphore_mem>>) src(%arg10 : memref<128x128xf32, #tpu.memory_space<vmem>>) dst(%dma_wait3A_131 : memref<10240x128xf32, #tpu.memory_space<vmem_shared>>)
      tpu.yield
    }) : () -> ()
    %run_scoped3A_18 = arith.constant 4 : i32
    "tpu.region"() ({
      %run_scoped3A_119 = tpu.sem_alloc : memref<!tpu.dma_semaphore, #tpu.memory_space<semaphore_mem>>
      %dma_start3A_120 = arith.constant 0 : i32
      %dma_start3A_121 = tpu.memref_slice %arg9[%run_scoped3A_18, %dma_start3A_120] : memref<5x128xi32, #tpu.memory_space<vmem>> -> memref<1x128xi32, #tpu.memory_space<vmem>>
      %dma_start3A_122 = tpu.memref_squeeze %dma_start3A_121 : memref<1x128xi32, #tpu.memory_space<vmem>> -> memref<128xi32, #tpu.memory_space<vmem>>
      %dma_start3A_123 = arith.constant 0 : i32
      %dma_start3A_124 = arith.constant 0 : i32
      %dma_start3A_125 = tpu.memref_slice %arg11[%dma_start3A_123, %dma_start3A_124] : memref<10240x128xf32, #tpu.memory_space<vmem_shared>> -> memref<10240x128xf32, #tpu.memory_space<vmem_shared>>
      tpu.enqueue_indirect_dma source(%arg10 : memref<128x128xf32, #tpu.memory_space<vmem>>) target(%dma_start3A_125 : memref<10240x128xf32, #tpu.memory_space<vmem_shared>>) offsets(%dma_start3A_122 : memref<128xi32, #tpu.memory_space<vmem>>) semaphore(%run_scoped3A_119 : memref<!tpu.dma_semaphore, #tpu.memory_space<semaphore_mem>>)
      %dma_wait3A_126 = arith.constant 0 : i32
      %dma_wait3A_127 = tpu.memref_slice %arg9[%run_scoped3A_18, %dma_wait3A_126] : memref<5x128xi32, #tpu.memory_space<vmem>> -> memref<1x128xi32, #tpu.memory_space<vmem>>
      %dma_wait3A_128 = tpu.memref_squeeze %dma_wait3A_127 : memref<1x128xi32, #tpu.memory_space<vmem>> -> memref<128xi32, #tpu.memory_space<vmem>>
      %dma_wait3A_129 = arith.constant 0 : i32
      %dma_wait3A_130 = arith.constant 0 : i32
      %dma_wait3A_131 = tpu.memref_slice %arg11[%dma_wait3A_129, %dma_wait3A_130] : memref<10240x128xf32, #tpu.memory_space<vmem_shared>> -> memref<10240x128xf32, #tpu.memory_space<vmem_shared>>
      tpu.wait_indirect_dma semaphore(%run_scoped3A_119 : memref<!tpu.dma_semaphore, #tpu.memory_space<semaphore_mem>>) src(%arg10 : memref<128x128xf32, #tpu.memory_space<vmem>>) dst(%dma_wait3A_131 : memref<10240x128xf32, #tpu.memory_space<vmem_shared>>)
      tpu.yield
    }) : () -> ()
    %barrier3A = arith.constant 0 : index
    tpu.barrier barrier_id(%barrier3A)
    %while3A = arith.constant 0 : i32
    %while3A_19 = arith.constant 0 : i32
    %while3A_20 = arith.subi %select_n3A, %while3A : i32
    %while3A_21 = arith.addi %while3A, %while3A_20 : i32
    %while3A_22 = arith.constant 1 : i32
    %while3A_23 = arith.divsi %while3A_20, %while3A_22 : i32
    %while3A_24 = arith.muli %while3A_23, %while3A_22 : i32
    %while3A_25 = arith.addi %while3A, %while3A_24 : i32
    %while3A_26 = arith.constant 1 : i32
    %while3A_27 = scf.for %while3A_119 = %while3A to %while3A_25 step %while3A_26 iter_args(%while3A_120 = %while3A_19) -> (i32)  : i32 {
      %dma_start3A_121 = arith.constant 0 : i32
      %dma_start3A_122 = tpu.memref_slice %arg7[%while3A_119, %dma_start3A_121] : memref<112x128xi32, #tpu.memory_space<vmem>> -> memref<1x128xi32, #tpu.memory_space<vmem>>
      %dma_start3A_123 = tpu.memref_squeeze %dma_start3A_122 : memref<1x128xi32, #tpu.memory_space<vmem>> -> memref<128xi32, #tpu.memory_space<vmem>>
      %dma_start3A_124 = arith.constant 0 : i32
      %dma_start3A_125 = arith.constant 0 : i32
      %dma_start3A_126 = tpu.memref_slice %arg5[%dma_start3A_124, %dma_start3A_125] : memref<10240x128xf32, #tpu.memory_space<hbm>> -> memref<10240x128xf32, #tpu.memory_space<hbm>>
      tpu.enqueue_indirect_dma source(%dma_start3A_126 : memref<10240x128xf32, #tpu.memory_space<hbm>>) target(%arg10 : memref<128x128xf32, #tpu.memory_space<vmem>>) offsets(%dma_start3A_123 : memref<128xi32, #tpu.memory_space<vmem>>) semaphore(%arg12 : memref<!tpu.dma_semaphore, #tpu.memory_space<semaphore_mem>>)
      %dma_wait3A_127 = arith.constant 0 : i32
      %dma_wait3A_128 = tpu.memref_slice %arg7[%while3A_119, %dma_wait3A_127] : memref<112x128xi32, #tpu.memory_space<vmem>> -> memref<1x128xi32, #tpu.memory_space<vmem>>
      %dma_wait3A_129 = tpu.memref_squeeze %dma_wait3A_128 : memref<1x128xi32, #tpu.memory_space<vmem>> -> memref<128xi32, #tpu.memory_space<vmem>>
      %dma_wait3A_130 = arith.constant 0 : i32
      %dma_wait3A_131 = arith.constant 0 : i32
      %dma_wait3A_132 = tpu.memref_slice %arg5[%dma_wait3A_130, %dma_wait3A_131] : memref<10240x128xf32, #tpu.memory_space<hbm>> -> memref<10240x128xf32, #tpu.memory_space<hbm>>
      tpu.wait_indirect_dma semaphore(%arg12 : memref<!tpu.dma_semaphore, #tpu.memory_space<semaphore_mem>>) src(%dma_wait3A_132 : memref<10240x128xf32, #tpu.memory_space<hbm>>) dst(%arg10 : memref<128x128xf32, #tpu.memory_space<vmem>>)
      "tpu.region"() ({
        %run_scoped3A_134 = tpu.sem_alloc : memref<!tpu.dma_semaphore, #tpu.memory_space<semaphore_mem>>
        %dma_start3A_135 = arith.constant 0 : i32
        %dma_start3A_136 = tpu.memref_slice %arg8[%while3A_119, %dma_start3A_135] : memref<112x128xi32, #tpu.memory_space<vmem>> -> memref<1x128xi32, #tpu.memory_space<vmem>>
        %dma_start3A_137 = tpu.memref_squeeze %dma_start3A_136 : memref<1x128xi32, #tpu.memory_space<vmem>> -> memref<128xi32, #tpu.memory_space<vmem>>
        %dma_start3A_138 = arith.constant 0 : i32
        %dma_start3A_139 = arith.constant 0 : i32
        %dma_start3A_140 = tpu.memref_slice %arg11[%dma_start3A_138, %dma_start3A_139] : memref<10240x128xf32, #tpu.memory_space<vmem_shared>> -> memref<10240x128xf32, #tpu.memory_space<vmem_shared>>
        tpu.enqueue_indirect_dma source(%arg10 : memref<128x128xf32, #tpu.memory_space<vmem>>) target(%dma_start3A_140 : memref<10240x128xf32, #tpu.memory_space<vmem_shared>>) offsets(%dma_start3A_137 : memref<128xi32, #tpu.memory_space<vmem>>) semaphore(%run_scoped3A_134 : memref<!tpu.dma_semaphore, #tpu.memory_space<semaphore_mem>>) {add = true}
        %dma_wait3A_141 = arith.constant 0 : i32
        %dma_wait3A_142 = tpu.memref_slice %arg8[%while3A_119, %dma_wait3A_141] : memref<112x128xi32, #tpu.memory_space<vmem>> -> memref<1x128xi32, #tpu.memory_space<vmem>>
        %dma_wait3A_143 = tpu.memref_squeeze %dma_wait3A_142 : memref<1x128xi32, #tpu.memory_space<vmem>> -> memref<128xi32, #tpu.memory_space<vmem>>
        %dma_wait3A_144 = arith.constant 0 : i32
        %dma_wait3A_145 = arith.constant 0 : i32
        %dma_wait3A_146 = tpu.memref_slice %arg11[%dma_wait3A_144, %dma_wait3A_145] : memref<10240x128xf32, #tpu.memory_space<vmem_shared>> -> memref<10240x128xf32, #tpu.memory_space<vmem_shared>>
        tpu.wait_indirect_dma semaphore(%run_scoped3A_134 : memref<!tpu.dma_semaphore, #tpu.memory_space<semaphore_mem>>) src(%arg10 : memref<128x128xf32, #tpu.memory_space<vmem>>) dst(%dma_wait3A_146 : memref<10240x128xf32, #tpu.memory_space<vmem_shared>>)
        tpu.yield
      }) : () -> ()
      %while3A_133 = arith.constant 0 : i32
      scf.yield %while3A_133 : i32
    }
    %while3A_28 = arith.constant 1 : i32
    %while3A_29 = scf.for %while3A_119 = %while3A_25 to %while3A_21 step %while3A_28 iter_args(%while3A_120 = %while3A_27) -> (i32)  : i32 {
      %dma_start3A_121 = arith.constant 0 : i32
      %dma_start3A_122 = tpu.memref_slice %arg7[%while3A_119, %dma_start3A_121] : memref<112x128xi32, #tpu.memory_space<vmem>> -> memref<1x128xi32, #tpu.memory_space<vmem>>
      %dma_start3A_123 = tpu.memref_squeeze %dma_start3A_122 : memref<1x128xi32, #tpu.memory_space<vmem>> -> memref<128xi32, #tpu.memory_space<vmem>>
      %dma_start3A_124 = arith.constant 0 : i32
      %dma_start3A_125 = arith.constant 0 : i32
      %dma_start3A_126 = tpu.memref_slice %arg5[%dma_start3A_124, %dma_start3A_125] : memref<10240x128xf32, #tpu.memory_space<hbm>> -> memref<10240x128xf32, #tpu.memory_space<hbm>>
      tpu.enqueue_indirect_dma source(%dma_start3A_126 : memref<10240x128xf32, #tpu.memory_space<hbm>>) target(%arg10 : memref<128x128xf32, #tpu.memory_space<vmem>>) offsets(%dma_start3A_123 : memref<128xi32, #tpu.memory_space<vmem>>) semaphore(%arg12 : memref<!tpu.dma_semaphore, #tpu.memory_space<semaphore_mem>>)
      %dma_wait3A_127 = arith.constant 0 : i32
      %dma_wait3A_128 = tpu.memref_slice %arg7[%while3A_119, %dma_wait3A_127] : memref<112x128xi32, #tpu.memory_space<vmem>> -> memref<1x128xi32, #tpu.memory_space<vmem>>
      %dma_wait3A_129 = tpu.memref_squeeze %dma_wait3A_128 : memref<1x128xi32, #tpu.memory_space<vmem>> -> memref<128xi32, #tpu.memory_space<vmem>>
      %dma_wait3A_130 = arith.constant 0 : i32
      %dma_wait3A_131 = arith.constant 0 : i32
      %dma_wait3A_132 = tpu.memref_slice %arg5[%dma_wait3A_130, %dma_wait3A_131] : memref<10240x128xf32, #tpu.memory_space<hbm>> -> memref<10240x128xf32, #tpu.memory_space<hbm>>
      tpu.wait_indirect_dma semaphore(%arg12 : memref<!tpu.dma_semaphore, #tpu.memory_space<semaphore_mem>>) src(%dma_wait3A_132 : memref<10240x128xf32, #tpu.memory_space<hbm>>) dst(%arg10 : memref<128x128xf32, #tpu.memory_space<vmem>>)
      "tpu.region"() ({
        %run_scoped3A_134 = tpu.sem_alloc : memref<!tpu.dma_semaphore, #tpu.memory_space<semaphore_mem>>
        %dma_start3A_135 = arith.constant 0 : i32
        %dma_start3A_136 = tpu.memref_slice %arg8[%while3A_119, %dma_start3A_135] : memref<112x128xi32, #tpu.memory_space<vmem>> -> memref<1x128xi32, #tpu.memory_space<vmem>>
        %dma_start3A_137 = tpu.memref_squeeze %dma_start3A_136 : memref<1x128xi32, #tpu.memory_space<vmem>> -> memref<128xi32, #tpu.memory_space<vmem>>
        %dma_start3A_138 = arith.constant 0 : i32
        %dma_start3A_139 = arith.constant 0 : i32
        %dma_start3A_140 = tpu.memref_slice %arg11[%dma_start3A_138, %dma_start3A_139] : memref<10240x128xf32, #tpu.memory_space<vmem_shared>> -> memref<10240x128xf32, #tpu.memory_space<vmem_shared>>
        tpu.enqueue_indirect_dma source(%arg10 : memref<128x128xf32, #tpu.memory_space<vmem>>) target(%dma_start3A_140 : memref<10240x128xf32, #tpu.memory_space<vmem_shared>>) offsets(%dma_start3A_137 : memref<128xi32, #tpu.memory_space<vmem>>) semaphore(%run_scoped3A_134 : memref<!tpu.dma_semaphore, #tpu.memory_space<semaphore_mem>>) {add = true}
        %dma_wait3A_141 = arith.constant 0 : i32
        %dma_wait3A_142 = tpu.memref_slice %arg8[%while3A_119, %dma_wait3A_141] : memref<112x128xi32, #tpu.memory_space<vmem>> -> memref<1x128xi32, #tpu.memory_space<vmem>>
        %dma_wait3A_143 = tpu.memref_squeeze %dma_wait3A_142 : memref<1x128xi32, #tpu.memory_space<vmem>> -> memref<128xi32, #tpu.memory_space<vmem>>
        %dma_wait3A_144 = arith.constant 0 : i32
        %dma_wait3A_145 = arith.constant 0 : i32
        %dma_wait3A_146 = tpu.memref_slice %arg11[%dma_wait3A_144, %dma_wait3A_145] : memref<10240x128xf32, #tpu.memory_space<vmem_shared>> -> memref<10240x128xf32, #tpu.memory_space<vmem_shared>>
        tpu.wait_indirect_dma semaphore(%run_scoped3A_134 : memref<!tpu.dma_semaphore, #tpu.memory_space<semaphore_mem>>) src(%arg10 : memref<128x128xf32, #tpu.memory_space<vmem>>) dst(%dma_wait3A_146 : memref<10240x128xf32, #tpu.memory_space<vmem_shared>>)
        tpu.yield
      }) : () -> ()
      %while3A_133 = arith.constant 0 : i32
      scf.yield %while3A_133 : i32
    }
    %barrier3A_30 = arith.constant 0 : index
    tpu.barrier barrier_id(%barrier3A_30)
    %dma_start3A = arith.constant 0 : i32
    %dma_start3A_31 = arith.constant 0 : i32
    %dma_start3A_32 = tpu.memref_slice %arg9[%dma_start3A, %dma_start3A_31] : memref<5x128xi32, #tpu.memory_space<vmem>> -> memref<1x128xi32, #tpu.memory_space<vmem>>
    %dma_start3A_33 = tpu.memref_squeeze %dma_start3A_32 : memref<1x128xi32, #tpu.memory_space<vmem>> -> memref<128xi32, #tpu.memory_space<vmem>>
    %dma_start3A_34 = arith.constant 0 : i32
    %dma_start3A_35 = arith.constant 0 : i32
    %dma_start3A_36 = tpu.memref_slice %arg11[%dma_start3A_34, %dma_start3A_35] : memref<10240x128xf32, #tpu.memory_space<vmem_shared>> -> memref<10240x128xf32, #tpu.memory_space<vmem_shared>>
    tpu.enqueue_indirect_dma source(%dma_start3A_36 : memref<10240x128xf32, #tpu.memory_space<vmem_shared>>) target(%arg10 : memref<128x128xf32, #tpu.memory_space<vmem>>) offsets(%dma_start3A_33 : memref<128xi32, #tpu.memory_space<vmem>>) semaphore(%arg12 : memref<!tpu.dma_semaphore, #tpu.memory_space<semaphore_mem>>)
    %dma_wait3A = arith.constant 0 : i32
    %dma_wait3A_37 = arith.constant 0 : i32
    %dma_wait3A_38 = tpu.memref_slice %arg9[%dma_wait3A, %dma_wait3A_37] : memref<5x128xi32, #tpu.memory_space<vmem>> -> memref<1x128xi32, #tpu.memory_space<vmem>>
    %dma_wait3A_39 = tpu.memref_squeeze %dma_wait3A_38 : memref<1x128xi32, #tpu.memory_space<vmem>> -> memref<128xi32, #tpu.memory_space<vmem>>
    %dma_wait3A_40 = arith.constant 0 : i32
    %dma_wait3A_41 = arith.constant 0 : i32
    %dma_wait3A_42 = tpu.memref_slice %arg11[%dma_wait3A_40, %dma_wait3A_41] : memref<10240x128xf32, #tpu.memory_space<vmem_shared>> -> memref<10240x128xf32, #tpu.memory_space<vmem_shared>>
    tpu.wait_indirect_dma semaphore(%arg12 : memref<!tpu.dma_semaphore, #tpu.memory_space<semaphore_mem>>) src(%dma_wait3A_42 : memref<10240x128xf32, #tpu.memory_space<vmem_shared>>) dst(%arg10 : memref<128x128xf32, #tpu.memory_space<vmem>>)
    %mul3A_43 = arith.constant 640 : i32
    %mul3A_44 = arith.muli %arg1, %mul3A_43 : i32
    %add3A_45 = arith.constant 0 : i32
    %add3A_46 = arith.addi %mul3A_44, %add3A_45 : i32
    "tpu.region"() ({
      %run_scoped3A_119 = tpu.sem_alloc : memref<!tpu.dma_semaphore, #tpu.memory_space<semaphore_mem>>
      %dma_start3A_120 = arith.constant 0 : i32
      %dma_start3A_121 = tpu.memref_slice %arg6[%arg0, %add3A_46, %dma_start3A_120] : memref<2x10240x128xf32, #tpu.memory_space<hbm>> -> memref<1x128x128xf32, #tpu.memory_space<hbm>>
      %dma_start3A_122 = tpu.memref_squeeze %dma_start3A_121 : memref<1x128x128xf32, #tpu.memory_space<hbm>> -> memref<128x128xf32, #tpu.memory_space<hbm>>
      %dma_start3A_123 = arith.constant 0 : i32
      %dma_start3A_124 = tpu.memref_slice %arg6[%arg0, %add3A_46, %dma_start3A_123] : memref<2x10240x128xf32, #tpu.memory_space<hbm>> -> memref<1x128x128xf32, #tpu.memory_space<hbm>>
      %dma_start3A_125 = tpu.memref_squeeze %dma_start3A_124 : memref<1x128x128xf32, #tpu.memory_space<hbm>> -> memref<128x128xf32, #tpu.memory_space<hbm>>
      tpu.enqueue_dma source(%arg10 : memref<128x128xf32, #tpu.memory_space<vmem>>) target(%dma_start3A_125 : memref<128x128xf32, #tpu.memory_space<hbm>>) target_semaphore(%run_scoped3A_119 : memref<!tpu.dma_semaphore, #tpu.memory_space<semaphore_mem>>)
      %dma_wait3A_126 = arith.constant 0 : i32
      %dma_wait3A_127 = tpu.memref_slice %arg6[%arg0, %add3A_46, %dma_wait3A_126] : memref<2x10240x128xf32, #tpu.memory_space<hbm>> -> memref<1x128x128xf32, #tpu.memory_space<hbm>>
      %dma_wait3A_128 = tpu.memref_squeeze %dma_wait3A_127 : memref<1x128x128xf32, #tpu.memory_space<hbm>> -> memref<128x128xf32, #tpu.memory_space<hbm>>
      %dma_wait3A_129 = arith.constant 0 : i32
      %dma_wait3A_130 = tpu.memref_slice %arg6[%arg0, %add3A_46, %dma_wait3A_129] : memref<2x10240x128xf32, #tpu.memory_space<hbm>> -> memref<1x128x128xf32, #tpu.memory_space<hbm>>
      %dma_wait3A_131 = tpu.memref_squeeze %dma_wait3A_130 : memref<1x128x128xf32, #tpu.memory_space<hbm>> -> memref<128x128xf32, #tpu.memory_space<hbm>>
      tpu.wait_dma2 semaphore(%run_scoped3A_119 : memref<!tpu.dma_semaphore, #tpu.memory_space<semaphore_mem>>) src(%arg10 : memref<128x128xf32, #tpu.memory_space<vmem>>) dst(%dma_wait3A_131 : memref<128x128xf32, #tpu.memory_space<hbm>>)
      tpu.yield
    }) : () -> ()
    %dma_start3A_47 = arith.constant 1 : i32
    %dma_start3A_48 = arith.constant 0 : i32
    %dma_start3A_49 = tpu.memref_slice %arg9[%dma_start3A_47, %dma_start3A_48] : memref<5x128xi32, #tpu.memory_space<vmem>> -> memref<1x128xi32, #tpu.memory_space<vmem>>
    %dma_start3A_50 = tpu.memref_squeeze %dma_start3A_49 : memref<1x128xi32, #tpu.memory_space<vmem>> -> memref<128xi32, #tpu.memory_space<vmem>>
    %dma_start3A_51 = arith.constant 0 : i32
    %dma_start3A_52 = arith.constant 0 : i32
    %dma_start3A_53 = tpu.memref_slice %arg11[%dma_start3A_51, %dma_start3A_52] : memref<10240x128xf32, #tpu.memory_space<vmem_shared>> -> memref<10240x128xf32, #tpu.memory_space<vmem_shared>>
    tpu.enqueue_indirect_dma source(%dma_start3A_53 : memref<10240x128xf32, #tpu.memory_space<vmem_shared>>) target(%arg10 : memref<128x128xf32, #tpu.memory_space<vmem>>) offsets(%dma_start3A_50 : memref<128xi32, #tpu.memory_space<vmem>>) semaphore(%arg12 : memref<!tpu.dma_semaphore, #tpu.memory_space<semaphore_mem>>)
    %dma_wait3A_54 = arith.constant 1 : i32
    %dma_wait3A_55 = arith.constant 0 : i32
    %dma_wait3A_56 = tpu.memref_slice %arg9[%dma_wait3A_54, %dma_wait3A_55] : memref<5x128xi32, #tpu.memory_space<vmem>> -> memref<1x128xi32, #tpu.memory_space<vmem>>
    %dma_wait3A_57 = tpu.memref_squeeze %dma_wait3A_56 : memref<1x128xi32, #tpu.memory_space<vmem>> -> memref<128xi32, #tpu.memory_space<vmem>>
    %dma_wait3A_58 = arith.constant 0 : i32
    %dma_wait3A_59 = arith.constant 0 : i32
    %dma_wait3A_60 = tpu.memref_slice %arg11[%dma_wait3A_58, %dma_wait3A_59] : memref<10240x128xf32, #tpu.memory_space<vmem_shared>> -> memref<10240x128xf32, #tpu.memory_space<vmem_shared>>
    tpu.wait_indirect_dma semaphore(%arg12 : memref<!tpu.dma_semaphore, #tpu.memory_space<semaphore_mem>>) src(%dma_wait3A_60 : memref<10240x128xf32, #tpu.memory_space<vmem_shared>>) dst(%arg10 : memref<128x128xf32, #tpu.memory_space<vmem>>)
    %mul3A_61 = arith.constant 640 : i32
    %mul3A_62 = arith.muli %arg1, %mul3A_61 : i32
    %add3A_63 = arith.constant 128 : i32
    %add3A_64 = arith.addi %mul3A_62, %add3A_63 : i32
    "tpu.region"() ({
      %run_scoped3A_119 = tpu.sem_alloc : memref<!tpu.dma_semaphore, #tpu.memory_space<semaphore_mem>>
      %dma_start3A_120 = arith.constant 0 : i32
      %dma_start3A_121 = tpu.memref_slice %arg6[%arg0, %add3A_64, %dma_start3A_120] : memref<2x10240x128xf32, #tpu.memory_space<hbm>> -> memref<1x128x128xf32, #tpu.memory_space<hbm>>
      %dma_start3A_122 = tpu.memref_squeeze %dma_start3A_121 : memref<1x128x128xf32, #tpu.memory_space<hbm>> -> memref<128x128xf32, #tpu.memory_space<hbm>>
      %dma_start3A_123 = arith.constant 0 : i32
      %dma_start3A_124 = tpu.memref_slice %arg6[%arg0, %add3A_64, %dma_start3A_123] : memref<2x10240x128xf32, #tpu.memory_space<hbm>> -> memref<1x128x128xf32, #tpu.memory_space<hbm>>
      %dma_start3A_125 = tpu.memref_squeeze %dma_start3A_124 : memref<1x128x128xf32, #tpu.memory_space<hbm>> -> memref<128x128xf32, #tpu.memory_space<hbm>>
      tpu.enqueue_dma source(%arg10 : memref<128x128xf32, #tpu.memory_space<vmem>>) target(%dma_start3A_125 : memref<128x128xf32, #tpu.memory_space<hbm>>) target_semaphore(%run_scoped3A_119 : memref<!tpu.dma_semaphore, #tpu.memory_space<semaphore_mem>>)
      %dma_wait3A_126 = arith.constant 0 : i32
      %dma_wait3A_127 = tpu.memref_slice %arg6[%arg0, %add3A_64, %dma_wait3A_126] : memref<2x10240x128xf32, #tpu.memory_space<hbm>> -> memref<1x128x128xf32, #tpu.memory_space<hbm>>
      %dma_wait3A_128 = tpu.memref_squeeze %dma_wait3A_127 : memref<1x128x128xf32, #tpu.memory_space<hbm>> -> memref<128x128xf32, #tpu.memory_space<hbm>>
      %dma_wait3A_129 = arith.constant 0 : i32
      %dma_wait3A_130 = tpu.memref_slice %arg6[%arg0, %add3A_64, %dma_wait3A_129] : memref<2x10240x128xf32, #tpu.memory_space<hbm>> -> memref<1x128x128xf32, #tpu.memory_space<hbm>>
      %dma_wait3A_131 = tpu.memref_squeeze %dma_wait3A_130 : memref<1x128x128xf32, #tpu.memory_space<hbm>> -> memref<128x128xf32, #tpu.memory_space<hbm>>
      tpu.wait_dma2 semaphore(%run_scoped3A_119 : memref<!tpu.dma_semaphore, #tpu.memory_space<semaphore_mem>>) src(%arg10 : memref<128x128xf32, #tpu.memory_space<vmem>>) dst(%dma_wait3A_131 : memref<128x128xf32, #tpu.memory_space<hbm>>)
      tpu.yield
    }) : () -> ()
    %dma_start3A_65 = arith.constant 2 : i32
    %dma_start3A_66 = arith.constant 0 : i32
    %dma_start3A_67 = tpu.memref_slice %arg9[%dma_start3A_65, %dma_start3A_66] : memref<5x128xi32, #tpu.memory_space<vmem>> -> memref<1x128xi32, #tpu.memory_space<vmem>>
    %dma_start3A_68 = tpu.memref_squeeze %dma_start3A_67 : memref<1x128xi32, #tpu.memory_space<vmem>> -> memref<128xi32, #tpu.memory_space<vmem>>
    %dma_start3A_69 = arith.constant 0 : i32
    %dma_start3A_70 = arith.constant 0 : i32
    %dma_start3A_71 = tpu.memref_slice %arg11[%dma_start3A_69, %dma_start3A_70] : memref<10240x128xf32, #tpu.memory_space<vmem_shared>> -> memref<10240x128xf32, #tpu.memory_space<vmem_shared>>
    tpu.enqueue_indirect_dma source(%dma_start3A_71 : memref<10240x128xf32, #tpu.memory_space<vmem_shared>>) target(%arg10 : memref<128x128xf32, #tpu.memory_space<vmem>>) offsets(%dma_start3A_68 : memref<128xi32, #tpu.memory_space<vmem>>) semaphore(%arg12 : memref<!tpu.dma_semaphore, #tpu.memory_space<semaphore_mem>>)
    %dma_wait3A_72 = arith.constant 2 : i32
    %dma_wait3A_73 = arith.constant 0 : i32
    %dma_wait3A_74 = tpu.memref_slice %arg9[%dma_wait3A_72, %dma_wait3A_73] : memref<5x128xi32, #tpu.memory_space<vmem>> -> memref<1x128xi32, #tpu.memory_space<vmem>>
    %dma_wait3A_75 = tpu.memref_squeeze %dma_wait3A_74 : memref<1x128xi32, #tpu.memory_space<vmem>> -> memref<128xi32, #tpu.memory_space<vmem>>
    %dma_wait3A_76 = arith.constant 0 : i32
    %dma_wait3A_77 = arith.constant 0 : i32
    %dma_wait3A_78 = tpu.memref_slice %arg11[%dma_wait3A_76, %dma_wait3A_77] : memref<10240x128xf32, #tpu.memory_space<vmem_shared>> -> memref<10240x128xf32, #tpu.memory_space<vmem_shared>>
    tpu.wait_indirect_dma semaphore(%arg12 : memref<!tpu.dma_semaphore, #tpu.memory_space<semaphore_mem>>) src(%dma_wait3A_78 : memref<10240x128xf32, #tpu.memory_space<vmem_shared>>) dst(%arg10 : memref<128x128xf32, #tpu.memory_space<vmem>>)
    %mul3A_79 = arith.constant 640 : i32
    %mul3A_80 = arith.muli %arg1, %mul3A_79 : i32
    %add3A_81 = arith.constant 256 : i32
    %add3A_82 = arith.addi %mul3A_80, %add3A_81 : i32
    "tpu.region"() ({
      %run_scoped3A_119 = tpu.sem_alloc : memref<!tpu.dma_semaphore, #tpu.memory_space<semaphore_mem>>
      %dma_start3A_120 = arith.constant 0 : i32
      %dma_start3A_121 = tpu.memref_slice %arg6[%arg0, %add3A_82, %dma_start3A_120] : memref<2x10240x128xf32, #tpu.memory_space<hbm>> -> memref<1x128x128xf32, #tpu.memory_space<hbm>>
      %dma_start3A_122 = tpu.memref_squeeze %dma_start3A_121 : memref<1x128x128xf32, #tpu.memory_space<hbm>> -> memref<128x128xf32, #tpu.memory_space<hbm>>
      %dma_start3A_123 = arith.constant 0 : i32
      %dma_start3A_124 = tpu.memref_slice %arg6[%arg0, %add3A_82, %dma_start3A_123] : memref<2x10240x128xf32, #tpu.memory_space<hbm>> -> memref<1x128x128xf32, #tpu.memory_space<hbm>>
      %dma_start3A_125 = tpu.memref_squeeze %dma_start3A_124 : memref<1x128x128xf32, #tpu.memory_space<hbm>> -> memref<128x128xf32, #tpu.memory_space<hbm>>
      tpu.enqueue_dma source(%arg10 : memref<128x128xf32, #tpu.memory_space<vmem>>) target(%dma_start3A_125 : memref<128x128xf32, #tpu.memory_space<hbm>>) target_semaphore(%run_scoped3A_119 : memref<!tpu.dma_semaphore, #tpu.memory_space<semaphore_mem>>)
      %dma_wait3A_126 = arith.constant 0 : i32
      %dma_wait3A_127 = tpu.memref_slice %arg6[%arg0, %add3A_82, %dma_wait3A_126] : memref<2x10240x128xf32, #tpu.memory_space<hbm>> -> memref<1x128x128xf32, #tpu.memory_space<hbm>>
      %dma_wait3A_128 = tpu.memref_squeeze %dma_wait3A_127 : memref<1x128x128xf32, #tpu.memory_space<hbm>> -> memref<128x128xf32, #tpu.memory_space<hbm>>
      %dma_wait3A_129 = arith.constant 0 : i32
      %dma_wait3A_130 = tpu.memref_slice %arg6[%arg0, %add3A_82, %dma_wait3A_129] : memref<2x10240x128xf32, #tpu.memory_space<hbm>> -> memref<1x128x128xf32, #tpu.memory_space<hbm>>
      %dma_wait3A_131 = tpu.memref_squeeze %dma_wait3A_130 : memref<1x128x128xf32, #tpu.memory_space<hbm>> -> memref<128x128xf32, #tpu.memory_space<hbm>>
      tpu.wait_dma2 semaphore(%run_scoped3A_119 : memref<!tpu.dma_semaphore, #tpu.memory_space<semaphore_mem>>) src(%arg10 : memref<128x128xf32, #tpu.memory_space<vmem>>) dst(%dma_wait3A_131 : memref<128x128xf32, #tpu.memory_space<hbm>>)
      tpu.yield
    }) : () -> ()
    %dma_start3A_83 = arith.constant 3 : i32
    %dma_start3A_84 = arith.constant 0 : i32
    %dma_start3A_85 = tpu.memref_slice %arg9[%dma_start3A_83, %dma_start3A_84] : memref<5x128xi32, #tpu.memory_space<vmem>> -> memref<1x128xi32, #tpu.memory_space<vmem>>
    %dma_start3A_86 = tpu.memref_squeeze %dma_start3A_85 : memref<1x128xi32, #tpu.memory_space<vmem>> -> memref<128xi32, #tpu.memory_space<vmem>>
    %dma_start3A_87 = arith.constant 0 : i32
    %dma_start3A_88 = arith.constant 0 : i32
    %dma_start3A_89 = tpu.memref_slice %arg11[%dma_start3A_87, %dma_start3A_88] : memref<10240x128xf32, #tpu.memory_space<vmem_shared>> -> memref<10240x128xf32, #tpu.memory_space<vmem_shared>>
    tpu.enqueue_indirect_dma source(%dma_start3A_89 : memref<10240x128xf32, #tpu.memory_space<vmem_shared>>) target(%arg10 : memref<128x128xf32, #tpu.memory_space<vmem>>) offsets(%dma_start3A_86 : memref<128xi32, #tpu.memory_space<vmem>>) semaphore(%arg12 : memref<!tpu.dma_semaphore, #tpu.memory_space<semaphore_mem>>)
    %dma_wait3A_90 = arith.constant 3 : i32
    %dma_wait3A_91 = arith.constant 0 : i32
    %dma_wait3A_92 = tpu.memref_slice %arg9[%dma_wait3A_90, %dma_wait3A_91] : memref<5x128xi32, #tpu.memory_space<vmem>> -> memref<1x128xi32, #tpu.memory_space<vmem>>
    %dma_wait3A_93 = tpu.memref_squeeze %dma_wait3A_92 : memref<1x128xi32, #tpu.memory_space<vmem>> -> memref<128xi32, #tpu.memory_space<vmem>>
    %dma_wait3A_94 = arith.constant 0 : i32
    %dma_wait3A_95 = arith.constant 0 : i32
    %dma_wait3A_96 = tpu.memref_slice %arg11[%dma_wait3A_94, %dma_wait3A_95] : memref<10240x128xf32, #tpu.memory_space<vmem_shared>> -> memref<10240x128xf32, #tpu.memory_space<vmem_shared>>
    tpu.wait_indirect_dma semaphore(%arg12 : memref<!tpu.dma_semaphore, #tpu.memory_space<semaphore_mem>>) src(%dma_wait3A_96 : memref<10240x128xf32, #tpu.memory_space<vmem_shared>>) dst(%arg10 : memref<128x128xf32, #tpu.memory_space<vmem>>)
    %mul3A_97 = arith.constant 640 : i32
    %mul3A_98 = arith.muli %arg1, %mul3A_97 : i32
    %add3A_99 = arith.constant 384 : i32
    %add3A_100 = arith.addi %mul3A_98, %add3A_99 : i32
    "tpu.region"() ({
      %run_scoped3A_119 = tpu.sem_alloc : memref<!tpu.dma_semaphore, #tpu.memory_space<semaphore_mem>>
      %dma_start3A_120 = arith.constant 0 : i32
      %dma_start3A_121 = tpu.memref_slice %arg6[%arg0, %add3A_100, %dma_start3A_120] : memref<2x10240x128xf32, #tpu.memory_space<hbm>> -> memref<1x128x128xf32, #tpu.memory_space<hbm>>
      %dma_start3A_122 = tpu.memref_squeeze %dma_start3A_121 : memref<1x128x128xf32, #tpu.memory_space<hbm>> -> memref<128x128xf32, #tpu.memory_space<hbm>>
      %dma_start3A_123 = arith.constant 0 : i32
      %dma_start3A_124 = tpu.memref_slice %arg6[%arg0, %add3A_100, %dma_start3A_123] : memref<2x10240x128xf32, #tpu.memory_space<hbm>> -> memref<1x128x128xf32, #tpu.memory_space<hbm>>
      %dma_start3A_125 = tpu.memref_squeeze %dma_start3A_124 : memref<1x128x128xf32, #tpu.memory_space<hbm>> -> memref<128x128xf32, #tpu.memory_space<hbm>>
      tpu.enqueue_dma source(%arg10 : memref<128x128xf32, #tpu.memory_space<vmem>>) target(%dma_start3A_125 : memref<128x128xf32, #tpu.memory_space<hbm>>) target_semaphore(%run_scoped3A_119 : memref<!tpu.dma_semaphore, #tpu.memory_space<semaphore_mem>>)
      %dma_wait3A_126 = arith.constant 0 : i32
      %dma_wait3A_127 = tpu.memref_slice %arg6[%arg0, %add3A_100, %dma_wait3A_126] : memref<2x10240x128xf32, #tpu.memory_space<hbm>> -> memref<1x128x128xf32, #tpu.memory_space<hbm>>
      %dma_wait3A_128 = tpu.memref_squeeze %dma_wait3A_127 : memref<1x128x128xf32, #tpu.memory_space<hbm>> -> memref<128x128xf32, #tpu.memory_space<hbm>>
      %dma_wait3A_129 = arith.constant 0 : i32
      %dma_wait3A_130 = tpu.memref_slice %arg6[%arg0, %add3A_100, %dma_wait3A_129] : memref<2x10240x128xf32, #tpu.memory_space<hbm>> -> memref<1x128x128xf32, #tpu.memory_space<hbm>>
      %dma_wait3A_131 = tpu.memref_squeeze %dma_wait3A_130 : memref<1x128x128xf32, #tpu.memory_space<hbm>> -> memref<128x128xf32, #tpu.memory_space<hbm>>
      tpu.wait_dma2 semaphore(%run_scoped3A_119 : memref<!tpu.dma_semaphore, #tpu.memory_space<semaphore_mem>>) src(%arg10 : memref<128x128xf32, #tpu.memory_space<vmem>>) dst(%dma_wait3A_131 : memref<128x128xf32, #tpu.memory_space<hbm>>)
      tpu.yield
    }) : () -> ()
    %dma_start3A_101 = arith.constant 4 : i32
    %dma_start3A_102 = arith.constant 0 : i32
    %dma_start3A_103 = tpu.memref_slice %arg9[%dma_start3A_101, %dma_start3A_102] : memref<5x128xi32, #tpu.memory_space<vmem>> -> memref<1x128xi32, #tpu.memory_space<vmem>>
    %dma_start3A_104 = tpu.memref_squeeze %dma_start3A_103 : memref<1x128xi32, #tpu.memory_space<vmem>> -> memref<128xi32, #tpu.memory_space<vmem>>
    %dma_start3A_105 = arith.constant 0 : i32
    %dma_start3A_106 = arith.constant 0 : i32
    %dma_start3A_107 = tpu.memref_slice %arg11[%dma_start3A_105, %dma_start3A_106] : memref<10240x128xf32, #tpu.memory_space<vmem_shared>> -> memref<10240x128xf32, #tpu.memory_space<vmem_shared>>
    tpu.enqueue_indirect_dma source(%dma_start3A_107 : memref<10240x128xf32, #tpu.memory_space<vmem_shared>>) target(%arg10 : memref<128x128xf32, #tpu.memory_space<vmem>>) offsets(%dma_start3A_104 : memref<128xi32, #tpu.memory_space<vmem>>) semaphore(%arg12 : memref<!tpu.dma_semaphore, #tpu.memory_space<semaphore_mem>>)
    %dma_wait3A_108 = arith.constant 4 : i32
    %dma_wait3A_109 = arith.constant 0 : i32
    %dma_wait3A_110 = tpu.memref_slice %arg9[%dma_wait3A_108, %dma_wait3A_109] : memref<5x128xi32, #tpu.memory_space<vmem>> -> memref<1x128xi32, #tpu.memory_space<vmem>>
    %dma_wait3A_111 = tpu.memref_squeeze %dma_wait3A_110 : memref<1x128xi32, #tpu.memory_space<vmem>> -> memref<128xi32, #tpu.memory_space<vmem>>
    %dma_wait3A_112 = arith.constant 0 : i32
    %dma_wait3A_113 = arith.constant 0 : i32
    %dma_wait3A_114 = tpu.memref_slice %arg11[%dma_wait3A_112, %dma_wait3A_113] : memref<10240x128xf32, #tpu.memory_space<vmem_shared>> -> memref<10240x128xf32, #tpu.memory_space<vmem_shared>>
    tpu.wait_indirect_dma semaphore(%arg12 : memref<!tpu.dma_semaphore, #tpu.memory_space<semaphore_mem>>) src(%dma_wait3A_114 : memref<10240x128xf32, #tpu.memory_space<vmem_shared>>) dst(%arg10 : memref<128x128xf32, #tpu.memory_space<vmem>>)
    %mul3A_115 = arith.constant 640 : i32
    %mul3A_116 = arith.muli %arg1, %mul3A_115 : i32
    %add3A_117 = arith.constant 512 : i32
    %add3A_118 = arith.addi %mul3A_116, %add3A_117 : i32
    "tpu.region"() ({
      %run_scoped3A_119 = tpu.sem_alloc : memref<!tpu.dma_semaphore, #tpu.memory_space<semaphore_mem>>
      %dma_start3A_120 = arith.constant 0 : i32
      %dma_start3A_121 = tpu.memref_slice %arg6[%arg0, %add3A_118, %dma_start3A_120] : memref<2x10240x128xf32, #tpu.memory_space<hbm>> -> memref<1x128x128xf32, #tpu.memory_space<hbm>>
      %dma_start3A_122 = tpu.memref_squeeze %dma_start3A_121 : memref<1x128x128xf32, #tpu.memory_space<hbm>> -> memref<128x128xf32, #tpu.memory_space<hbm>>
      %dma_start3A_123 = arith.constant 0 : i32
      %dma_start3A_124 = tpu.memref_slice %arg6[%arg0, %add3A_118, %dma_start3A_123] : memref<2x10240x128xf32, #tpu.memory_space<hbm>> -> memref<1x128x128xf32, #tpu.memory_space<hbm>>
      %dma_start3A_125 = tpu.memref_squeeze %dma_start3A_124 : memref<1x128x128xf32, #tpu.memory_space<hbm>> -> memref<128x128xf32, #tpu.memory_space<hbm>>
      tpu.enqueue_dma source(%arg10 : memref<128x128xf32, #tpu.memory_space<vmem>>) target(%dma_start3A_125 : memref<128x128xf32, #tpu.memory_space<hbm>>) target_semaphore(%run_scoped3A_119 : memref<!tpu.dma_semaphore, #tpu.memory_space<semaphore_mem>>)
      %dma_wait3A_126 = arith.constant 0 : i32
      %dma_wait3A_127 = tpu.memref_slice %arg6[%arg0, %add3A_118, %dma_wait3A_126] : memref<2x10240x128xf32, #tpu.memory_space<hbm>> -> memref<1x128x128xf32, #tpu.memory_space<hbm>>
      %dma_wait3A_128 = tpu.memref_squeeze %dma_wait3A_127 : memref<1x128x128xf32, #tpu.memory_space<hbm>> -> memref<128x128xf32, #tpu.memory_space<hbm>>
      %dma_wait3A_129 = arith.constant 0 : i32
      %dma_wait3A_130 = tpu.memref_slice %arg6[%arg0, %add3A_118, %dma_wait3A_129] : memref<2x10240x128xf32, #tpu.memory_space<hbm>> -> memref<1x128x128xf32, #tpu.memory_space<hbm>>
      %dma_wait3A_131 = tpu.memref_squeeze %dma_wait3A_130 : memref<1x128x128xf32, #tpu.memory_space<hbm>> -> memref<128x128xf32, #tpu.memory_space<hbm>>
      tpu.wait_dma2 semaphore(%run_scoped3A_119 : memref<!tpu.dma_semaphore, #tpu.memory_space<semaphore_mem>>) src(%arg10 : memref<128x128xf32, #tpu.memory_space<vmem>>) dst(%dma_wait3A_131 : memref<128x128xf32, #tpu.memory_space<hbm>>)
      tpu.yield
    }) : () -> ()
    return
  }
}

#map = affine_map<(d0, d1) -> (0, 0)>
#map1 = affine_map<(d0, d1) -> (0, 0, 0)>
module attributes {stable_mosaic.version = 14 : i64} {
  func.func @_agg_kernel_body(%arg0: i32, %arg1: i32, %arg2: memref<2560x128xi32, #tpu.memory_space<hbm>>, %arg3: memref<2560x128xi32, #tpu.memory_space<hbm>>, %arg4: memref<16x5x128xi32, #tpu.memory_space<hbm>>, %arg5: memref<10240x128xf32, #tpu.memory_space<hbm>>, %arg6: memref<2x10240x128xf32, #tpu.memory_space<hbm>>, %arg7: memref<112x128xi32, #tpu.memory_space<vmem>>, %arg8: memref<112x128xi32, #tpu.memory_space<vmem>>, %arg9: memref<5x128xi32, #tpu.memory_space<vmem>>, %arg10: memref<128x128xf32, #tpu.memory_space<vmem>>, %arg11: memref<10240x128xf32, #tpu.memory_space<vmem_shared>>, %arg12: memref<!tpu.dma_semaphore, #tpu.memory_space<semaphore_mem>>) attributes {dimension_semantics = [#tpu.dimension_semantics<core_parallel>, #tpu.dimension_semantics<subcore_parallel>], iteration_bounds = array<i64: 2, 16>, scalar_prefetch = 0 : i64, scratch_operands = 6 : i64, tpu.core_type = #tpu.core_type<sc_vector_subcore>, window_params = [{transform_indices = #map}, {transform_indices = #map}, {transform_indices = #map1}, {transform_indices = #map}, {transform_indices = #map1}]} {
    %eq3A = arith.constant 0 : i32
    %eq3A_0 = arith.cmpi eq, %arg0, %eq3A : i32
    %jit3A = arith.constant 112 : i32
    %jit3A_1 = arith.constant 48 : i32
    %select_n3A = arith.select %eq3A_0, %jit3A, %jit3A_1 : i32
    %eq3A_2 = arith.constant 0 : i32
    %eq3A_3 = arith.cmpi eq, %arg0, %eq3A_2 : i32
    %mul3A = arith.constant 112 : i32
    %mul3A_4 = arith.muli %arg1, %mul3A : i32
    %mul3A_5 = arith.constant 48 : i32
    %mul3A_6 = arith.muli %arg1, %mul3A_5 : i32
    %add3A = arith.constant 1792 : i32
    %add3A_7 = arith.addi %add3A, %mul3A_6 : i32
    %select_n3A_8 = arith.select %eq3A_3, %mul3A_4, %add3A_7 : i32
    %multiple_of3A = tpu.assume_multiple %select_n3A_8, 8 : i32
    %scan3A = arith.constant 0 : i32
    %scan3A_9 = arith.constant 0 : i32
    %scan3A_10 = arith.constant 1024 : i32
    %scan3A_11 = arith.addi %scan3A_9, %scan3A_10 : i32
    %scan3A_12 = arith.constant 1 : i32
    %scan3A_13 = scf.for %scan3A_119 = %scan3A_9 to %scan3A_11 step %scan3A_12 iter_args(%scan3A_120 = %scan3A) -> (i32)  : i32 {
      %broadcast_in_dim3A = arith.constant 0.000000e+00 : f32
      %broadcast_in_dim3A_121 = vector.broadcast %broadcast_in_dim3A : f32 to vector<16xf32>
      %jit3A_122 = arith.constant 8 : i32
      %div3A = arith.divsi %scan3A_119, %jit3A_122 : i32
      %sign3A = arith.constant 0 : i32
      %sign3A_123 = arith.cmpi sgt, %scan3A_119, %sign3A : i32
      %sign3A_124 = arith.extui %sign3A_123 : i1 to i32
      %sign3A_125 = arith.constant 0 : i32
      %sign3A_126 = arith.cmpi slt, %scan3A_119, %sign3A_125 : i32
      %sign3A_127 = arith.extui %sign3A_126 : i1 to i32
      %sign3A_128 = arith.subi %sign3A_124, %sign3A_127 : i32
      %sign3A_129 = arith.constant 0 : i32
      %sign3A_130 = arith.cmpi sgt, %jit3A_122, %sign3A_129 : i32
      %sign3A_131 = arith.extui %sign3A_130 : i1 to i32
      %sign3A_132 = arith.constant 0 : i32
      %sign3A_133 = arith.cmpi slt, %jit3A_122, %sign3A_132 : i32
      %sign3A_134 = arith.extui %sign3A_133 : i1 to i32
      %sign3A_135 = arith.subi %sign3A_131, %sign3A_134 : i32
      %ne3A = arith.cmpi ne, %sign3A_128, %sign3A_135 : i32
      %rem3A = arith.remsi %scan3A_119, %jit3A_122 : i32
      %ne3A_136 = arith.constant 0 : i32
      %ne3A_137 = arith.cmpi ne, %rem3A, %ne3A_136 : i32
      %and3A = arith.andi %ne3A, %ne3A_137 : i1
      %sub3A = arith.constant 1 : i32
      %sub3A_138 = arith.subi %div3A, %sub3A : i32
      %select_n3A_139 = arith.select %and3A, %sub3A_138, %div3A : i32
      %jit3A_140 = arith.constant 8 : i32
      %eq3A_141 = arith.constant 0 : i32
      %eq3A_142 = arith.cmpi eq, %jit3A_140, %eq3A_141 : i32
      %jit3A_143 = arith.constant 1 : i32
      %select_n3A_144 = arith.select %eq3A_142, %jit3A_143, %jit3A_140 : i32
      %rem3A_145 = arith.remsi %scan3A_119, %select_n3A_144 : i32
      %ne3A_146 = arith.constant 0 : i32
      %ne3A_147 = arith.cmpi ne, %rem3A_145, %ne3A_146 : i32
      %lt3A = arith.constant 0 : i32
      %lt3A_148 = arith.cmpi slt, %rem3A_145, %lt3A : i32
      %lt3A_149 = arith.constant 0 : i32
      %lt3A_150 = arith.cmpi slt, %select_n3A_144, %lt3A_149 : i32
      %ne3A_151 = arith.xori %lt3A_148, %lt3A_150 : i1
      %and3A_152 = arith.andi %ne3A_151, %ne3A_147 : i1
      %add3A_153 = arith.addi %rem3A_145, %select_n3A_144 : i32
      %select_n3A_154 = arith.select %and3A_152, %add3A_153, %rem3A_145 : i32
      %mul3A_155 = arith.constant 16 : i32
      %mul3A_156 = arith.muli %select_n3A_154, %mul3A_155 : i32
      %swap3A = arith.index_cast %select_n3A_139 : i32 to index
      %swap3A_157 = arith.index_cast %mul3A_156 : i32 to index
      %swap3A_158 = tpu.vector_load %arg10[%swap3A, %swap3A_157] {strides = array<i32>} : memref<128x128xf32, #tpu.memory_space<vmem>>, vector<1x16xf32>,
      %swap3A_159 = vector.shape_cast %swap3A_158 : vector<1x16xf32> to vector<16xf32>
      %swap3A_160 = vector.shape_cast %broadcast_in_dim3A_121 : vector<16xf32> to vector<1x16xf32>
      tpu.vector_store %arg10[%swap3A, %swap3A_157], %swap3A_160 {strides = array<i32>} : memref<128x128xf32, #tpu.memory_space<vmem>>, vector<1x16xf32>,
      %scan3A_161 = arith.constant 0 : i32
      scf.yield %scan3A_161 : i32
    }
    %scan3A_14 = arith.constant 1024 : i32
    "tpu.region"() ({
      %run_scoped3A_119 = tpu.sem_alloc : memref<!tpu.dma_semaphore, #tpu.memory_space<semaphore_mem>>
      %dma_start3A_120 = arith.constant 0 : i32
      %dma_start3A_121 = tpu.memref_slice %arg2[%multiple_of3A, %dma_start3A_120] : memref<2560x128xi32, #tpu.memory_space<hbm>> -> memref<112x128xi32, #tpu.memory_space<hbm>>
      %dma_start3A_122 = arith.constant 0 : i32
      %dma_start3A_123 = tpu.memref_slice %arg2[%multiple_of3A, %dma_start3A_122] : memref<2560x128xi32, #tpu.memory_space<hbm>> -> memref<112x128xi32, #tpu.memory_space<hbm>>
      tpu.enqueue_dma source(%dma_start3A_123 : memref<112x128xi32, #tpu.memory_space<hbm>>) target(%arg7 : memref<112x128xi32, #tpu.memory_space<vmem>>) target_semaphore(%run_scoped3A_119 : memref<!tpu.dma_semaphore, #tpu.memory_space<semaphore_mem>>)
      %dma_wait3A_124 = arith.constant 0 : i32
      %dma_wait3A_125 = tpu.memref_slice %arg2[%multiple_of3A, %dma_wait3A_124] : memref<2560x128xi32, #tpu.memory_space<hbm>> -> memref<112x128xi32, #tpu.memory_space<hbm>>
      %dma_wait3A_126 = arith.constant 0 : i32
      %dma_wait3A_127 = tpu.memref_slice %arg2[%multiple_of3A, %dma_wait3A_126] : memref<2560x128xi32, #tpu.memory_space<hbm>> -> memref<112x128xi32, #tpu.memory_space<hbm>>
      tpu.wait_dma2 semaphore(%run_scoped3A_119 : memref<!tpu.dma_semaphore, #tpu.memory_space<semaphore_mem>>) src(%dma_wait3A_127 : memref<112x128xi32, #tpu.memory_space<hbm>>) dst(%arg7 : memref<112x128xi32, #tpu.memory_space<vmem>>)
      tpu.yield
    }) : () -> ()
    "tpu.region"() ({
      %run_scoped3A_119 = tpu.sem_alloc : memref<!tpu.dma_semaphore, #tpu.memory_space<semaphore_mem>>
      %dma_start3A_120 = arith.constant 0 : i32
      %dma_start3A_121 = tpu.memref_slice %arg3[%multiple_of3A, %dma_start3A_120] : memref<2560x128xi32, #tpu.memory_space<hbm>> -> memref<112x128xi32, #tpu.memory_space<hbm>>
      %dma_start3A_122 = arith.constant 0 : i32
      %dma_start3A_123 = tpu.memref_slice %arg3[%multiple_of3A, %dma_start3A_122] : memref<2560x128xi32, #tpu.memory_space<hbm>> -> memref<112x128xi32, #tpu.memory_space<hbm>>
      tpu.enqueue_dma source(%dma_start3A_123 : memref<112x128xi32, #tpu.memory_space<hbm>>) target(%arg8 : memref<112x128xi32, #tpu.memory_space<vmem>>) target_semaphore(%run_scoped3A_119 : memref<!tpu.dma_semaphore, #tpu.memory_space<semaphore_mem>>)
      %dma_wait3A_124 = arith.constant 0 : i32
      %dma_wait3A_125 = tpu.memref_slice %arg3[%multiple_of3A, %dma_wait3A_124] : memref<2560x128xi32, #tpu.memory_space<hbm>> -> memref<112x128xi32, #tpu.memory_space<hbm>>
      %dma_wait3A_126 = arith.constant 0 : i32
      %dma_wait3A_127 = tpu.memref_slice %arg3[%multiple_of3A, %dma_wait3A_126] : memref<2560x128xi32, #tpu.memory_space<hbm>> -> memref<112x128xi32, #tpu.memory_space<hbm>>
      tpu.wait_dma2 semaphore(%run_scoped3A_119 : memref<!tpu.dma_semaphore, #tpu.memory_space<semaphore_mem>>) src(%dma_wait3A_127 : memref<112x128xi32, #tpu.memory_space<hbm>>) dst(%arg8 : memref<112x128xi32, #tpu.memory_space<vmem>>)
      tpu.yield
    }) : () -> ()
    "tpu.region"() ({
      %run_scoped3A_119 = tpu.sem_alloc : memref<!tpu.dma_semaphore, #tpu.memory_space<semaphore_mem>>
      %dma_start3A_120 = arith.constant 0 : i32
      %dma_start3A_121 = arith.constant 0 : i32
      %dma_start3A_122 = tpu.memref_slice %arg4[%arg1, %dma_start3A_120, %dma_start3A_121] : memref<16x5x128xi32, #tpu.memory_space<hbm>> -> memref<1x5x128xi32, #tpu.memory_space<hbm>>
      %dma_start3A_123 = tpu.memref_squeeze %dma_start3A_122 : memref<1x5x128xi32, #tpu.memory_space<hbm>> -> memref<5x128xi32, #tpu.memory_space<hbm>>
      %dma_start3A_124 = arith.constant 0 : i32
      %dma_start3A_125 = arith.constant 0 : i32
      %dma_start3A_126 = tpu.memref_slice %arg4[%arg1, %dma_start3A_124, %dma_start3A_125] : memref<16x5x128xi32, #tpu.memory_space<hbm>> -> memref<1x5x128xi32, #tpu.memory_space<hbm>>
      %dma_start3A_127 = tpu.memref_squeeze %dma_start3A_126 : memref<1x5x128xi32, #tpu.memory_space<hbm>> -> memref<5x128xi32, #tpu.memory_space<hbm>>
      tpu.enqueue_dma source(%dma_start3A_127 : memref<5x128xi32, #tpu.memory_space<hbm>>) target(%arg9 : memref<5x128xi32, #tpu.memory_space<vmem>>) target_semaphore(%run_scoped3A_119 : memref<!tpu.dma_semaphore, #tpu.memory_space<semaphore_mem>>)
      %dma_wait3A_128 = arith.constant 0 : i32
      %dma_wait3A_129 = arith.constant 0 : i32
      %dma_wait3A_130 = tpu.memref_slice %arg4[%arg1, %dma_wait3A_128, %dma_wait3A_129] : memref<16x5x128xi32, #tpu.memory_space<hbm>> -> memref<1x5x128xi32, #tpu.memory_space<hbm>>
      %dma_wait3A_131 = tpu.memref_squeeze %dma_wait3A_130 : memref<1x5x128xi32, #tpu.memory_space<hbm>> -> memref<5x128xi32, #tpu.memory_space<hbm>>
      %dma_wait3A_132 = arith.constant 0 : i32
      %dma_wait3A_133 = arith.constant 0 : i32
      %dma_wait3A_134 = tpu.memref_slice %arg4[%arg1, %dma_wait3A_132, %dma_wait3A_133] : memref<16x5x128xi32, #tpu.memory_space<hbm>> -> memref<1x5x128xi32, #tpu.memory_space<hbm>>
      %dma_wait3A_135 = tpu.memref_squeeze %dma_wait3A_134 : memref<1x5x128xi32, #tpu.memory_space<hbm>> -> memref<5x128xi32, #tpu.memory_space<hbm>>
      tpu.wait_dma2 semaphore(%run_scoped3A_119 : memref<!tpu.dma_semaphore, #tpu.memory_space<semaphore_mem>>) src(%dma_wait3A_135 : memref<5x128xi32, #tpu.memory_space<hbm>>) dst(%arg9 : memref<5x128xi32, #tpu.memory_space<vmem>>)
      tpu.yield
    }) : () -> ()
    %run_scoped3A = arith.constant 0 : i32
    "tpu.region"() ({
      %run_scoped3A_119 = tpu.sem_alloc : memref<!tpu.dma_semaphore, #tpu.memory_space<semaphore_mem>>
      %dma_start3A_120 = arith.constant 0 : i32
      %dma_start3A_121 = tpu.memref_slice %arg9[%run_scoped3A, %dma_start3A_120] : memref<5x128xi32, #tpu.memory_space<vmem>> -> memref<1x128xi32, #tpu.memory_space<vmem>>
      %dma_start3A_122 = tpu.memref_squeeze %dma_start3A_121 : memref<1x128xi32, #tpu.memory_space<vmem>> -> memref<128xi32, #tpu.memory_space<vmem>>
      %dma_start3A_123 = arith.constant 0 : i32
      %dma_start3A_124 = arith.constant 0 : i32
      %dma_start3A_125 = tpu.memref_slice %arg11[%dma_start3A_123, %dma_start3A_124] : memref<10240x128xf32, #tpu.memory_space<vmem_shared>> -> memref<10240x128xf32, #tpu.memory_space<vmem_shared>>
      tpu.enqueue_indirect_dma source(%arg10 : memref<128x128xf32, #tpu.memory_space<vmem>>) target(%dma_start3A_125 : memref<10240x128xf32, #tpu.memory_space<vmem_shared>>) offsets(%dma_start3A_122 : memref<128xi32, #tpu.memory_space<vmem>>) semaphore(%run_scoped3A_119 : memref<!tpu.dma_semaphore, #tpu.memory_space<semaphore_mem>>)
      %dma_wait3A_126 = arith.constant 0 : i32
      %dma_wait3A_127 = tpu.memref_slice %arg9[%run_scoped3A, %dma_wait3A_126] : memref<5x128xi32, #tpu.memory_space<vmem>> -> memref<1x128xi32, #tpu.memory_space<vmem>>
      %dma_wait3A_128 = tpu.memref_squeeze %dma_wait3A_127 : memref<1x128xi32, #tpu.memory_space<vmem>> -> memref<128xi32, #tpu.memory_space<vmem>>
      %dma_wait3A_129 = arith.constant 0 : i32
      %dma_wait3A_130 = arith.constant 0 : i32
      %dma_wait3A_131 = tpu.memref_slice %arg11[%dma_wait3A_129, %dma_wait3A_130] : memref<10240x128xf32, #tpu.memory_space<vmem_shared>> -> memref<10240x128xf32, #tpu.memory_space<vmem_shared>>
      tpu.wait_indirect_dma semaphore(%run_scoped3A_119 : memref<!tpu.dma_semaphore, #tpu.memory_space<semaphore_mem>>) src(%arg10 : memref<128x128xf32, #tpu.memory_space<vmem>>) dst(%dma_wait3A_131 : memref<10240x128xf32, #tpu.memory_space<vmem_shared>>)
      tpu.yield
    }) : () -> ()
    %run_scoped3A_15 = arith.constant 1 : i32
    "tpu.region"() ({
      %run_scoped3A_119 = tpu.sem_alloc : memref<!tpu.dma_semaphore, #tpu.memory_space<semaphore_mem>>
      %dma_start3A_120 = arith.constant 0 : i32
      %dma_start3A_121 = tpu.memref_slice %arg9[%run_scoped3A_15, %dma_start3A_120] : memref<5x128xi32, #tpu.memory_space<vmem>> -> memref<1x128xi32, #tpu.memory_space<vmem>>
      %dma_start3A_122 = tpu.memref_squeeze %dma_start3A_121 : memref<1x128xi32, #tpu.memory_space<vmem>> -> memref<128xi32, #tpu.memory_space<vmem>>
      %dma_start3A_123 = arith.constant 0 : i32
      %dma_start3A_124 = arith.constant 0 : i32
      %dma_start3A_125 = tpu.memref_slice %arg11[%dma_start3A_123, %dma_start3A_124] : memref<10240x128xf32, #tpu.memory_space<vmem_shared>> -> memref<10240x128xf32, #tpu.memory_space<vmem_shared>>
      tpu.enqueue_indirect_dma source(%arg10 : memref<128x128xf32, #tpu.memory_space<vmem>>) target(%dma_start3A_125 : memref<10240x128xf32, #tpu.memory_space<vmem_shared>>) offsets(%dma_start3A_122 : memref<128xi32, #tpu.memory_space<vmem>>) semaphore(%run_scoped3A_119 : memref<!tpu.dma_semaphore, #tpu.memory_space<semaphore_mem>>)
      %dma_wait3A_126 = arith.constant 0 : i32
      %dma_wait3A_127 = tpu.memref_slice %arg9[%run_scoped3A_15, %dma_wait3A_126] : memref<5x128xi32, #tpu.memory_space<vmem>> -> memref<1x128xi32, #tpu.memory_space<vmem>>
      %dma_wait3A_128 = tpu.memref_squeeze %dma_wait3A_127 : memref<1x128xi32, #tpu.memory_space<vmem>> -> memref<128xi32, #tpu.memory_space<vmem>>
      %dma_wait3A_129 = arith.constant 0 : i32
      %dma_wait3A_130 = arith.constant 0 : i32
      %dma_wait3A_131 = tpu.memref_slice %arg11[%dma_wait3A_129, %dma_wait3A_130] : memref<10240x128xf32, #tpu.memory_space<vmem_shared>> -> memref<10240x128xf32, #tpu.memory_space<vmem_shared>>
      tpu.wait_indirect_dma semaphore(%run_scoped3A_119 : memref<!tpu.dma_semaphore, #tpu.memory_space<semaphore_mem>>) src(%arg10 : memref<128x128xf32, #tpu.memory_space<vmem>>) dst(%dma_wait3A_131 : memref<10240x128xf32, #tpu.memory_space<vmem_shared>>)
      tpu.yield
    }) : () -> ()
    %run_scoped3A_16 = arith.constant 2 : i32
    "tpu.region"() ({
      %run_scoped3A_119 = tpu.sem_alloc : memref<!tpu.dma_semaphore, #tpu.memory_space<semaphore_mem>>
      %dma_start3A_120 = arith.constant 0 : i32
      %dma_start3A_121 = tpu.memref_slice %arg9[%run_scoped3A_16, %dma_start3A_120] : memref<5x128xi32, #tpu.memory_space<vmem>> -> memref<1x128xi32, #tpu.memory_space<vmem>>
      %dma_start3A_122 = tpu.memref_squeeze %dma_start3A_121 : memref<1x128xi32, #tpu.memory_space<vmem>> -> memref<128xi32, #tpu.memory_space<vmem>>
      %dma_start3A_123 = arith.constant 0 : i32
      %dma_start3A_124 = arith.constant 0 : i32
      %dma_start3A_125 = tpu.memref_slice %arg11[%dma_start3A_123, %dma_start3A_124] : memref<10240x128xf32, #tpu.memory_space<vmem_shared>> -> memref<10240x128xf32, #tpu.memory_space<vmem_shared>>
      tpu.enqueue_indirect_dma source(%arg10 : memref<128x128xf32, #tpu.memory_space<vmem>>) target(%dma_start3A_125 : memref<10240x128xf32, #tpu.memory_space<vmem_shared>>) offsets(%dma_start3A_122 : memref<128xi32, #tpu.memory_space<vmem>>) semaphore(%run_scoped3A_119 : memref<!tpu.dma_semaphore, #tpu.memory_space<semaphore_mem>>)
      %dma_wait3A_126 = arith.constant 0 : i32
      %dma_wait3A_127 = tpu.memref_slice %arg9[%run_scoped3A_16, %dma_wait3A_126] : memref<5x128xi32, #tpu.memory_space<vmem>> -> memref<1x128xi32, #tpu.memory_space<vmem>>
      %dma_wait3A_128 = tpu.memref_squeeze %dma_wait3A_127 : memref<1x128xi32, #tpu.memory_space<vmem>> -> memref<128xi32, #tpu.memory_space<vmem>>
      %dma_wait3A_129 = arith.constant 0 : i32
      %dma_wait3A_130 = arith.constant 0 : i32
      %dma_wait3A_131 = tpu.memref_slice %arg11[%dma_wait3A_129, %dma_wait3A_130] : memref<10240x128xf32, #tpu.memory_space<vmem_shared>> -> memref<10240x128xf32, #tpu.memory_space<vmem_shared>>
      tpu.wait_indirect_dma semaphore(%run_scoped3A_119 : memref<!tpu.dma_semaphore, #tpu.memory_space<semaphore_mem>>) src(%arg10 : memref<128x128xf32, #tpu.memory_space<vmem>>) dst(%dma_wait3A_131 : memref<10240x128xf32, #tpu.memory_space<vmem_shared>>)
      tpu.yield
    }) : () -> ()
    %run_scoped3A_17 = arith.constant 3 : i32
    "tpu.region"() ({
      %run_scoped3A_119 = tpu.sem_alloc : memref<!tpu.dma_semaphore, #tpu.memory_space<semaphore_mem>>
      %dma_start3A_120 = arith.constant 0 : i32
      %dma_start3A_121 = tpu.memref_slice %arg9[%run_scoped3A_17, %dma_start3A_120] : memref<5x128xi32, #tpu.memory_space<vmem>> -> memref<1x128xi32, #tpu.memory_space<vmem>>
      %dma_start3A_122 = tpu.memref_squeeze %dma_start3A_121 : memref<1x128xi32, #tpu.memory_space<vmem>> -> memref<128xi32, #tpu.memory_space<vmem>>
      %dma_start3A_123 = arith.constant 0 : i32
      %dma_start3A_124 = arith.constant 0 : i32
      %dma_start3A_125 = tpu.memref_slice %arg11[%dma_start3A_123, %dma_start3A_124] : memref<10240x128xf32, #tpu.memory_space<vmem_shared>> -> memref<10240x128xf32, #tpu.memory_space<vmem_shared>>
      tpu.enqueue_indirect_dma source(%arg10 : memref<128x128xf32, #tpu.memory_space<vmem>>) target(%dma_start3A_125 : memref<10240x128xf32, #tpu.memory_space<vmem_shared>>) offsets(%dma_start3A_122 : memref<128xi32, #tpu.memory_space<vmem>>) semaphore(%run_scoped3A_119 : memref<!tpu.dma_semaphore, #tpu.memory_space<semaphore_mem>>)
      %dma_wait3A_126 = arith.constant 0 : i32
      %dma_wait3A_127 = tpu.memref_slice %arg9[%run_scoped3A_17, %dma_wait3A_126] : memref<5x128xi32, #tpu.memory_space<vmem>> -> memref<1x128xi32, #tpu.memory_space<vmem>>
      %dma_wait3A_128 = tpu.memref_squeeze %dma_wait3A_127 : memref<1x128xi32, #tpu.memory_space<vmem>> -> memref<128xi32, #tpu.memory_space<vmem>>
      %dma_wait3A_129 = arith.constant 0 : i32
      %dma_wait3A_130 = arith.constant 0 : i32
      %dma_wait3A_131 = tpu.memref_slice %arg11[%dma_wait3A_129, %dma_wait3A_130] : memref<10240x128xf32, #tpu.memory_space<vmem_shared>> -> memref<10240x128xf32, #tpu.memory_space<vmem_shared>>
      tpu.wait_indirect_dma semaphore(%run_scoped3A_119 : memref<!tpu.dma_semaphore, #tpu.memory_space<semaphore_mem>>) src(%arg10 : memref<128x128xf32, #tpu.memory_space<vmem>>) dst(%dma_wait3A_131 : memref<10240x128xf32, #tpu.memory_space<vmem_shared>>)
      tpu.yield
    }) : () -> ()
    %run_scoped3A_18 = arith.constant 4 : i32
    "tpu.region"() ({
      %run_scoped3A_119 = tpu.sem_alloc : memref<!tpu.dma_semaphore, #tpu.memory_space<semaphore_mem>>
      %dma_start3A_120 = arith.constant 0 : i32
      %dma_start3A_121 = tpu.memref_slice %arg9[%run_scoped3A_18, %dma_start3A_120] : memref<5x128xi32, #tpu.memory_space<vmem>> -> memref<1x128xi32, #tpu.memory_space<vmem>>
      %dma_start3A_122 = tpu.memref_squeeze %dma_start3A_121 : memref<1x128xi32, #tpu.memory_space<vmem>> -> memref<128xi32, #tpu.memory_space<vmem>>
      %dma_start3A_123 = arith.constant 0 : i32
      %dma_start3A_124 = arith.constant 0 : i32
      %dma_start3A_125 = tpu.memref_slice %arg11[%dma_start3A_123, %dma_start3A_124] : memref<10240x128xf32, #tpu.memory_space<vmem_shared>> -> memref<10240x128xf32, #tpu.memory_space<vmem_shared>>
      tpu.enqueue_indirect_dma source(%arg10 : memref<128x128xf32, #tpu.memory_space<vmem>>) target(%dma_start3A_125 : memref<10240x128xf32, #tpu.memory_space<vmem_shared>>) offsets(%dma_start3A_122 : memref<128xi32, #tpu.memory_space<vmem>>) semaphore(%run_scoped3A_119 : memref<!tpu.dma_semaphore, #tpu.memory_space<semaphore_mem>>)
      %dma_wait3A_126 = arith.constant 0 : i32
      %dma_wait3A_127 = tpu.memref_slice %arg9[%run_scoped3A_18, %dma_wait3A_126] : memref<5x128xi32, #tpu.memory_space<vmem>> -> memref<1x128xi32, #tpu.memory_space<vmem>>
      %dma_wait3A_128 = tpu.memref_squeeze %dma_wait3A_127 : memref<1x128xi32, #tpu.memory_space<vmem>> -> memref<128xi32, #tpu.memory_space<vmem>>
      %dma_wait3A_129 = arith.constant 0 : i32
      %dma_wait3A_130 = arith.constant 0 : i32
      %dma_wait3A_131 = tpu.memref_slice %arg11[%dma_wait3A_129, %dma_wait3A_130] : memref<10240x128xf32, #tpu.memory_space<vmem_shared>> -> memref<10240x128xf32, #tpu.memory_space<vmem_shared>>
      tpu.wait_indirect_dma semaphore(%run_scoped3A_119 : memref<!tpu.dma_semaphore, #tpu.memory_space<semaphore_mem>>) src(%arg10 : memref<128x128xf32, #tpu.memory_space<vmem>>) dst(%dma_wait3A_131 : memref<10240x128xf32, #tpu.memory_space<vmem_shared>>)
      tpu.yield
    }) : () -> ()
    %barrier3A = arith.constant 0 : index
    tpu.barrier barrier_id(%barrier3A)
    %while3A = arith.constant 0 : i32
    %while3A_19 = arith.constant 0 : i32
    %while3A_20 = arith.subi %select_n3A, %while3A : i32
    %while3A_21 = arith.addi %while3A, %while3A_20 : i32
    %while3A_22 = arith.constant 1 : i32
    %while3A_23 = arith.divsi %while3A_20, %while3A_22 : i32
    %while3A_24 = arith.muli %while3A_23, %while3A_22 : i32
    %while3A_25 = arith.addi %while3A, %while3A_24 : i32
    %while3A_26 = arith.constant 1 : i32
    %while3A_27 = scf.for %while3A_119 = %while3A to %while3A_25 step %while3A_26 iter_args(%while3A_120 = %while3A_19) -> (i32)  : i32 {
      %dma_start3A_121 = arith.constant 0 : i32
      %dma_start3A_122 = tpu.memref_slice %arg7[%while3A_119, %dma_start3A_121] : memref<112x128xi32, #tpu.memory_space<vmem>> -> memref<1x128xi32, #tpu.memory_space<vmem>>
      %dma_start3A_123 = tpu.memref_squeeze %dma_start3A_122 : memref<1x128xi32, #tpu.memory_space<vmem>> -> memref<128xi32, #tpu.memory_space<vmem>>
      %dma_start3A_124 = arith.constant 0 : i32
      %dma_start3A_125 = arith.constant 0 : i32
      %dma_start3A_126 = tpu.memref_slice %arg5[%dma_start3A_124, %dma_start3A_125] : memref<10240x128xf32, #tpu.memory_space<hbm>> -> memref<10240x128xf32, #tpu.memory_space<hbm>>
      tpu.enqueue_indirect_dma source(%dma_start3A_126 : memref<10240x128xf32, #tpu.memory_space<hbm>>) target(%arg10 : memref<128x128xf32, #tpu.memory_space<vmem>>) offsets(%dma_start3A_123 : memref<128xi32, #tpu.memory_space<vmem>>) semaphore(%arg12 : memref<!tpu.dma_semaphore, #tpu.memory_space<semaphore_mem>>)
      %dma_wait3A_127 = arith.constant 0 : i32
      %dma_wait3A_128 = tpu.memref_slice %arg7[%while3A_119, %dma_wait3A_127] : memref<112x128xi32, #tpu.memory_space<vmem>> -> memref<1x128xi32, #tpu.memory_space<vmem>>
      %dma_wait3A_129 = tpu.memref_squeeze %dma_wait3A_128 : memref<1x128xi32, #tpu.memory_space<vmem>> -> memref<128xi32, #tpu.memory_space<vmem>>
      %dma_wait3A_130 = arith.constant 0 : i32
      %dma_wait3A_131 = arith.constant 0 : i32
      %dma_wait3A_132 = tpu.memref_slice %arg5[%dma_wait3A_130, %dma_wait3A_131] : memref<10240x128xf32, #tpu.memory_space<hbm>> -> memref<10240x128xf32, #tpu.memory_space<hbm>>
      tpu.wait_indirect_dma semaphore(%arg12 : memref<!tpu.dma_semaphore, #tpu.memory_space<semaphore_mem>>) src(%dma_wait3A_132 : memref<10240x128xf32, #tpu.memory_space<hbm>>) dst(%arg10 : memref<128x128xf32, #tpu.memory_space<vmem>>)
      "tpu.region"() ({
        %run_scoped3A_134 = tpu.sem_alloc : memref<!tpu.dma_semaphore, #tpu.memory_space<semaphore_mem>>
        %dma_start3A_135 = arith.constant 0 : i32
        %dma_start3A_136 = tpu.memref_slice %arg8[%while3A_119, %dma_start3A_135] : memref<112x128xi32, #tpu.memory_space<vmem>> -> memref<1x128xi32, #tpu.memory_space<vmem>>
        %dma_start3A_137 = tpu.memref_squeeze %dma_start3A_136 : memref<1x128xi32, #tpu.memory_space<vmem>> -> memref<128xi32, #tpu.memory_space<vmem>>
        %dma_start3A_138 = arith.constant 0 : i32
        %dma_start3A_139 = arith.constant 0 : i32
        %dma_start3A_140 = tpu.memref_slice %arg11[%dma_start3A_138, %dma_start3A_139] : memref<10240x128xf32, #tpu.memory_space<vmem_shared>> -> memref<10240x128xf32, #tpu.memory_space<vmem_shared>>
        tpu.enqueue_indirect_dma source(%arg10 : memref<128x128xf32, #tpu.memory_space<vmem>>) target(%dma_start3A_140 : memref<10240x128xf32, #tpu.memory_space<vmem_shared>>) offsets(%dma_start3A_137 : memref<128xi32, #tpu.memory_space<vmem>>) semaphore(%run_scoped3A_134 : memref<!tpu.dma_semaphore, #tpu.memory_space<semaphore_mem>>) {add = true}
        %dma_wait3A_141 = arith.constant 0 : i32
        %dma_wait3A_142 = tpu.memref_slice %arg8[%while3A_119, %dma_wait3A_141] : memref<112x128xi32, #tpu.memory_space<vmem>> -> memref<1x128xi32, #tpu.memory_space<vmem>>
        %dma_wait3A_143 = tpu.memref_squeeze %dma_wait3A_142 : memref<1x128xi32, #tpu.memory_space<vmem>> -> memref<128xi32, #tpu.memory_space<vmem>>
        %dma_wait3A_144 = arith.constant 0 : i32
        %dma_wait3A_145 = arith.constant 0 : i32
        %dma_wait3A_146 = tpu.memref_slice %arg11[%dma_wait3A_144, %dma_wait3A_145] : memref<10240x128xf32, #tpu.memory_space<vmem_shared>> -> memref<10240x128xf32, #tpu.memory_space<vmem_shared>>
        tpu.wait_indirect_dma semaphore(%run_scoped3A_134 : memref<!tpu.dma_semaphore, #tpu.memory_space<semaphore_mem>>) src(%arg10 : memref<128x128xf32, #tpu.memory_space<vmem>>) dst(%dma_wait3A_146 : memref<10240x128xf32, #tpu.memory_space<vmem_shared>>)
        tpu.yield
      }) : () -> ()
      %while3A_133 = arith.constant 0 : i32
      scf.yield %while3A_133 : i32
    }
    %while3A_28 = arith.constant 1 : i32
    %while3A_29 = scf.for %while3A_119 = %while3A_25 to %while3A_21 step %while3A_28 iter_args(%while3A_120 = %while3A_27) -> (i32)  : i32 {
      %dma_start3A_121 = arith.constant 0 : i32
      %dma_start3A_122 = tpu.memref_slice %arg7[%while3A_119, %dma_start3A_121] : memref<112x128xi32, #tpu.memory_space<vmem>> -> memref<1x128xi32, #tpu.memory_space<vmem>>
      %dma_start3A_123 = tpu.memref_squeeze %dma_start3A_122 : memref<1x128xi32, #tpu.memory_space<vmem>> -> memref<128xi32, #tpu.memory_space<vmem>>
      %dma_start3A_124 = arith.constant 0 : i32
      %dma_start3A_125 = arith.constant 0 : i32
      %dma_start3A_126 = tpu.memref_slice %arg5[%dma_start3A_124, %dma_start3A_125] : memref<10240x128xf32, #tpu.memory_space<hbm>> -> memref<10240x128xf32, #tpu.memory_space<hbm>>
      tpu.enqueue_indirect_dma source(%dma_start3A_126 : memref<10240x128xf32, #tpu.memory_space<hbm>>) target(%arg10 : memref<128x128xf32, #tpu.memory_space<vmem>>) offsets(%dma_start3A_123 : memref<128xi32, #tpu.memory_space<vmem>>) semaphore(%arg12 : memref<!tpu.dma_semaphore, #tpu.memory_space<semaphore_mem>>)
      %dma_wait3A_127 = arith.constant 0 : i32
      %dma_wait3A_128 = tpu.memref_slice %arg7[%while3A_119, %dma_wait3A_127] : memref<112x128xi32, #tpu.memory_space<vmem>> -> memref<1x128xi32, #tpu.memory_space<vmem>>
      %dma_wait3A_129 = tpu.memref_squeeze %dma_wait3A_128 : memref<1x128xi32, #tpu.memory_space<vmem>> -> memref<128xi32, #tpu.memory_space<vmem>>
      %dma_wait3A_130 = arith.constant 0 : i32
      %dma_wait3A_131 = arith.constant 0 : i32
      %dma_wait3A_132 = tpu.memref_slice %arg5[%dma_wait3A_130, %dma_wait3A_131] : memref<10240x128xf32, #tpu.memory_space<hbm>> -> memref<10240x128xf32, #tpu.memory_space<hbm>>
      tpu.wait_indirect_dma semaphore(%arg12 : memref<!tpu.dma_semaphore, #tpu.memory_space<semaphore_mem>>) src(%dma_wait3A_132 : memref<10240x128xf32, #tpu.memory_space<hbm>>) dst(%arg10 : memref<128x128xf32, #tpu.memory_space<vmem>>)
      "tpu.region"() ({
        %run_scoped3A_134 = tpu.sem_alloc : memref<!tpu.dma_semaphore, #tpu.memory_space<semaphore_mem>>
        %dma_start3A_135 = arith.constant 0 : i32
        %dma_start3A_136 = tpu.memref_slice %arg8[%while3A_119, %dma_start3A_135] : memref<112x128xi32, #tpu.memory_space<vmem>> -> memref<1x128xi32, #tpu.memory_space<vmem>>
        %dma_start3A_137 = tpu.memref_squeeze %dma_start3A_136 : memref<1x128xi32, #tpu.memory_space<vmem>> -> memref<128xi32, #tpu.memory_space<vmem>>
        %dma_start3A_138 = arith.constant 0 : i32
        %dma_start3A_139 = arith.constant 0 : i32
        %dma_start3A_140 = tpu.memref_slice %arg11[%dma_start3A_138, %dma_start3A_139] : memref<10240x128xf32, #tpu.memory_space<vmem_shared>> -> memref<10240x128xf32, #tpu.memory_space<vmem_shared>>
        tpu.enqueue_indirect_dma source(%arg10 : memref<128x128xf32, #tpu.memory_space<vmem>>) target(%dma_start3A_140 : memref<10240x128xf32, #tpu.memory_space<vmem_shared>>) offsets(%dma_start3A_137 : memref<128xi32, #tpu.memory_space<vmem>>) semaphore(%run_scoped3A_134 : memref<!tpu.dma_semaphore, #tpu.memory_space<semaphore_mem>>) {add = true}
        %dma_wait3A_141 = arith.constant 0 : i32
        %dma_wait3A_142 = tpu.memref_slice %arg8[%while3A_119, %dma_wait3A_141] : memref<112x128xi32, #tpu.memory_space<vmem>> -> memref<1x128xi32, #tpu.memory_space<vmem>>
        %dma_wait3A_143 = tpu.memref_squeeze %dma_wait3A_142 : memref<1x128xi32, #tpu.memory_space<vmem>> -> memref<128xi32, #tpu.memory_space<vmem>>
        %dma_wait3A_144 = arith.constant 0 : i32
        %dma_wait3A_145 = arith.constant 0 : i32
        %dma_wait3A_146 = tpu.memref_slice %arg11[%dma_wait3A_144, %dma_wait3A_145] : memref<10240x128xf32, #tpu.memory_space<vmem_shared>> -> memref<10240x128xf32, #tpu.memory_space<vmem_shared>>
        tpu.wait_indirect_dma semaphore(%run_scoped3A_134 : memref<!tpu.dma_semaphore, #tpu.memory_space<semaphore_mem>>) src(%arg10 : memref<128x128xf32, #tpu.memory_space<vmem>>) dst(%dma_wait3A_146 : memref<10240x128xf32, #tpu.memory_space<vmem_shared>>)
        tpu.yield
      }) : () -> ()
      %while3A_133 = arith.constant 0 : i32
      scf.yield %while3A_133 : i32
    }
    %barrier3A_30 = arith.constant 0 : index
    tpu.barrier barrier_id(%barrier3A_30)
    %dma_start3A = arith.constant 0 : i32
    %dma_start3A_31 = arith.constant 0 : i32
    %dma_start3A_32 = tpu.memref_slice %arg9[%dma_start3A, %dma_start3A_31] : memref<5x128xi32, #tpu.memory_space<vmem>> -> memref<1x128xi32, #tpu.memory_space<vmem>>
    %dma_start3A_33 = tpu.memref_squeeze %dma_start3A_32 : memref<1x128xi32, #tpu.memory_space<vmem>> -> memref<128xi32, #tpu.memory_space<vmem>>
    %dma_start3A_34 = arith.constant 0 : i32
    %dma_start3A_35 = arith.constant 0 : i32
    %dma_start3A_36 = tpu.memref_slice %arg11[%dma_start3A_34, %dma_start3A_35] : memref<10240x128xf32, #tpu.memory_space<vmem_shared>> -> memref<10240x128xf32, #tpu.memory_space<vmem_shared>>
    tpu.enqueue_indirect_dma source(%dma_start3A_36 : memref<10240x128xf32, #tpu.memory_space<vmem_shared>>) target(%arg10 : memref<128x128xf32, #tpu.memory_space<vmem>>) offsets(%dma_start3A_33 : memref<128xi32, #tpu.memory_space<vmem>>) semaphore(%arg12 : memref<!tpu.dma_semaphore, #tpu.memory_space<semaphore_mem>>)
    %dma_wait3A = arith.constant 0 : i32
    %dma_wait3A_37 = arith.constant 0 : i32
    %dma_wait3A_38 = tpu.memref_slice %arg9[%dma_wait3A, %dma_wait3A_37] : memref<5x128xi32, #tpu.memory_space<vmem>> -> memref<1x128xi32, #tpu.memory_space<vmem>>
    %dma_wait3A_39 = tpu.memref_squeeze %dma_wait3A_38 : memref<1x128xi32, #tpu.memory_space<vmem>> -> memref<128xi32, #tpu.memory_space<vmem>>
    %dma_wait3A_40 = arith.constant 0 : i32
    %dma_wait3A_41 = arith.constant 0 : i32
    %dma_wait3A_42 = tpu.memref_slice %arg11[%dma_wait3A_40, %dma_wait3A_41] : memref<10240x128xf32, #tpu.memory_space<vmem_shared>> -> memref<10240x128xf32, #tpu.memory_space<vmem_shared>>
    tpu.wait_indirect_dma semaphore(%arg12 : memref<!tpu.dma_semaphore, #tpu.memory_space<semaphore_mem>>) src(%dma_wait3A_42 : memref<10240x128xf32, #tpu.memory_space<vmem_shared>>) dst(%arg10 : memref<128x128xf32, #tpu.memory_space<vmem>>)
    %mul3A_43 = arith.constant 640 : i32
    %mul3A_44 = arith.muli %arg1, %mul3A_43 : i32
    %add3A_45 = arith.constant 0 : i32
    %add3A_46 = arith.addi %mul3A_44, %add3A_45 : i32
    "tpu.region"() ({
      %run_scoped3A_119 = tpu.sem_alloc : memref<!tpu.dma_semaphore, #tpu.memory_space<semaphore_mem>>
      %dma_start3A_120 = arith.constant 0 : i32
      %dma_start3A_121 = tpu.memref_slice %arg6[%arg0, %add3A_46, %dma_start3A_120] : memref<2x10240x128xf32, #tpu.memory_space<hbm>> -> memref<1x128x128xf32, #tpu.memory_space<hbm>>
      %dma_start3A_122 = tpu.memref_squeeze %dma_start3A_121 : memref<1x128x128xf32, #tpu.memory_space<hbm>> -> memref<128x128xf32, #tpu.memory_space<hbm>>
      %dma_start3A_123 = arith.constant 0 : i32
      %dma_start3A_124 = tpu.memref_slice %arg6[%arg0, %add3A_46, %dma_start3A_123] : memref<2x10240x128xf32, #tpu.memory_space<hbm>> -> memref<1x128x128xf32, #tpu.memory_space<hbm>>
      %dma_start3A_125 = tpu.memref_squeeze %dma_start3A_124 : memref<1x128x128xf32, #tpu.memory_space<hbm>> -> memref<128x128xf32, #tpu.memory_space<hbm>>
      tpu.enqueue_dma source(%arg10 : memref<128x128xf32, #tpu.memory_space<vmem>>) target(%dma_start3A_125 : memref<128x128xf32, #tpu.memory_space<hbm>>) target_semaphore(%run_scoped3A_119 : memref<!tpu.dma_semaphore, #tpu.memory_space<semaphore_mem>>)
      %dma_wait3A_126 = arith.constant 0 : i32
      %dma_wait3A_127 = tpu.memref_slice %arg6[%arg0, %add3A_46, %dma_wait3A_126] : memref<2x10240x128xf32, #tpu.memory_space<hbm>> -> memref<1x128x128xf32, #tpu.memory_space<hbm>>
      %dma_wait3A_128 = tpu.memref_squeeze %dma_wait3A_127 : memref<1x128x128xf32, #tpu.memory_space<hbm>> -> memref<128x128xf32, #tpu.memory_space<hbm>>
      %dma_wait3A_129 = arith.constant 0 : i32
      %dma_wait3A_130 = tpu.memref_slice %arg6[%arg0, %add3A_46, %dma_wait3A_129] : memref<2x10240x128xf32, #tpu.memory_space<hbm>> -> memref<1x128x128xf32, #tpu.memory_space<hbm>>
      %dma_wait3A_131 = tpu.memref_squeeze %dma_wait3A_130 : memref<1x128x128xf32, #tpu.memory_space<hbm>> -> memref<128x128xf32, #tpu.memory_space<hbm>>
      tpu.wait_dma2 semaphore(%run_scoped3A_119 : memref<!tpu.dma_semaphore, #tpu.memory_space<semaphore_mem>>) src(%arg10 : memref<128x128xf32, #tpu.memory_space<vmem>>) dst(%dma_wait3A_131 : memref<128x128xf32, #tpu.memory_space<hbm>>)
      tpu.yield
    }) : () -> ()
    %dma_start3A_47 = arith.constant 1 : i32
    %dma_start3A_48 = arith.constant 0 : i32
    %dma_start3A_49 = tpu.memref_slice %arg9[%dma_start3A_47, %dma_start3A_48] : memref<5x128xi32, #tpu.memory_space<vmem>> -> memref<1x128xi32, #tpu.memory_space<vmem>>
    %dma_start3A_50 = tpu.memref_squeeze %dma_start3A_49 : memref<1x128xi32, #tpu.memory_space<vmem>> -> memref<128xi32, #tpu.memory_space<vmem>>
    %dma_start3A_51 = arith.constant 0 : i32
    %dma_start3A_52 = arith.constant 0 : i32
    %dma_start3A_53 = tpu.memref_slice %arg11[%dma_start3A_51, %dma_start3A_52] : memref<10240x128xf32, #tpu.memory_space<vmem_shared>> -> memref<10240x128xf32, #tpu.memory_space<vmem_shared>>
    tpu.enqueue_indirect_dma source(%dma_start3A_53 : memref<10240x128xf32, #tpu.memory_space<vmem_shared>>) target(%arg10 : memref<128x128xf32, #tpu.memory_space<vmem>>) offsets(%dma_start3A_50 : memref<128xi32, #tpu.memory_space<vmem>>) semaphore(%arg12 : memref<!tpu.dma_semaphore, #tpu.memory_space<semaphore_mem>>)
    %dma_wait3A_54 = arith.constant 1 : i32
    %dma_wait3A_55 = arith.constant 0 : i32
    %dma_wait3A_56 = tpu.memref_slice %arg9[%dma_wait3A_54, %dma_wait3A_55] : memref<5x128xi32, #tpu.memory_space<vmem>> -> memref<1x128xi32, #tpu.memory_space<vmem>>
    %dma_wait3A_57 = tpu.memref_squeeze %dma_wait3A_56 : memref<1x128xi32, #tpu.memory_space<vmem>> -> memref<128xi32, #tpu.memory_space<vmem>>
    %dma_wait3A_58 = arith.constant 0 : i32
    %dma_wait3A_59 = arith.constant 0 : i32
    %dma_wait3A_60 = tpu.memref_slice %arg11[%dma_wait3A_58, %dma_wait3A_59] : memref<10240x128xf32, #tpu.memory_space<vmem_shared>> -> memref<10240x128xf32, #tpu.memory_space<vmem_shared>>
    tpu.wait_indirect_dma semaphore(%arg12 : memref<!tpu.dma_semaphore, #tpu.memory_space<semaphore_mem>>) src(%dma_wait3A_60 : memref<10240x128xf32, #tpu.memory_space<vmem_shared>>) dst(%arg10 : memref<128x128xf32, #tpu.memory_space<vmem>>)
    %mul3A_61 = arith.constant 640 : i32
    %mul3A_62 = arith.muli %arg1, %mul3A_61 : i32
    %add3A_63 = arith.constant 128 : i32
    %add3A_64 = arith.addi %mul3A_62, %add3A_63 : i32
    "tpu.region"() ({
      %run_scoped3A_119 = tpu.sem_alloc : memref<!tpu.dma_semaphore, #tpu.memory_space<semaphore_mem>>
      %dma_start3A_120 = arith.constant 0 : i32
      %dma_start3A_121 = tpu.memref_slice %arg6[%arg0, %add3A_64, %dma_start3A_120] : memref<2x10240x128xf32, #tpu.memory_space<hbm>> -> memref<1x128x128xf32, #tpu.memory_space<hbm>>
      %dma_start3A_122 = tpu.memref_squeeze %dma_start3A_121 : memref<1x128x128xf32, #tpu.memory_space<hbm>> -> memref<128x128xf32, #tpu.memory_space<hbm>>
      %dma_start3A_123 = arith.constant 0 : i32
      %dma_start3A_124 = tpu.memref_slice %arg6[%arg0, %add3A_64, %dma_start3A_123] : memref<2x10240x128xf32, #tpu.memory_space<hbm>> -> memref<1x128x128xf32, #tpu.memory_space<hbm>>
      %dma_start3A_125 = tpu.memref_squeeze %dma_start3A_124 : memref<1x128x128xf32, #tpu.memory_space<hbm>> -> memref<128x128xf32, #tpu.memory_space<hbm>>
      tpu.enqueue_dma source(%arg10 : memref<128x128xf32, #tpu.memory_space<vmem>>) target(%dma_start3A_125 : memref<128x128xf32, #tpu.memory_space<hbm>>) target_semaphore(%run_scoped3A_119 : memref<!tpu.dma_semaphore, #tpu.memory_space<semaphore_mem>>)
      %dma_wait3A_126 = arith.constant 0 : i32
      %dma_wait3A_127 = tpu.memref_slice %arg6[%arg0, %add3A_64, %dma_wait3A_126] : memref<2x10240x128xf32, #tpu.memory_space<hbm>> -> memref<1x128x128xf32, #tpu.memory_space<hbm>>
      %dma_wait3A_128 = tpu.memref_squeeze %dma_wait3A_127 : memref<1x128x128xf32, #tpu.memory_space<hbm>> -> memref<128x128xf32, #tpu.memory_space<hbm>>
      %dma_wait3A_129 = arith.constant 0 : i32
      %dma_wait3A_130 = tpu.memref_slice %arg6[%arg0, %add3A_64, %dma_wait3A_129] : memref<2x10240x128xf32, #tpu.memory_space<hbm>> -> memref<1x128x128xf32, #tpu.memory_space<hbm>>
      %dma_wait3A_131 = tpu.memref_squeeze %dma_wait3A_130 : memref<1x128x128xf32, #tpu.memory_space<hbm>> -> memref<128x128xf32, #tpu.memory_space<hbm>>
      tpu.wait_dma2 semaphore(%run_scoped3A_119 : memref<!tpu.dma_semaphore, #tpu.memory_space<semaphore_mem>>) src(%arg10 : memref<128x128xf32, #tpu.memory_space<vmem>>) dst(%dma_wait3A_131 : memref<128x128xf32, #tpu.memory_space<hbm>>)
      tpu.yield
    }) : () -> ()
    %dma_start3A_65 = arith.constant 2 : i32
    %dma_start3A_66 = arith.constant 0 : i32
    %dma_start3A_67 = tpu.memref_slice %arg9[%dma_start3A_65, %dma_start3A_66] : memref<5x128xi32, #tpu.memory_space<vmem>> -> memref<1x128xi32, #tpu.memory_space<vmem>>
    %dma_start3A_68 = tpu.memref_squeeze %dma_start3A_67 : memref<1x128xi32, #tpu.memory_space<vmem>> -> memref<128xi32, #tpu.memory_space<vmem>>
    %dma_start3A_69 = arith.constant 0 : i32
    %dma_start3A_70 = arith.constant 0 : i32
    %dma_start3A_71 = tpu.memref_slice %arg11[%dma_start3A_69, %dma_start3A_70] : memref<10240x128xf32, #tpu.memory_space<vmem_shared>> -> memref<10240x128xf32, #tpu.memory_space<vmem_shared>>
    tpu.enqueue_indirect_dma source(%dma_start3A_71 : memref<10240x128xf32, #tpu.memory_space<vmem_shared>>) target(%arg10 : memref<128x128xf32, #tpu.memory_space<vmem>>) offsets(%dma_start3A_68 : memref<128xi32, #tpu.memory_space<vmem>>) semaphore(%arg12 : memref<!tpu.dma_semaphore, #tpu.memory_space<semaphore_mem>>)
    %dma_wait3A_72 = arith.constant 2 : i32
    %dma_wait3A_73 = arith.constant 0 : i32
    %dma_wait3A_74 = tpu.memref_slice %arg9[%dma_wait3A_72, %dma_wait3A_73] : memref<5x128xi32, #tpu.memory_space<vmem>> -> memref<1x128xi32, #tpu.memory_space<vmem>>
    %dma_wait3A_75 = tpu.memref_squeeze %dma_wait3A_74 : memref<1x128xi32, #tpu.memory_space<vmem>> -> memref<128xi32, #tpu.memory_space<vmem>>
    %dma_wait3A_76 = arith.constant 0 : i32
    %dma_wait3A_77 = arith.constant 0 : i32
    %dma_wait3A_78 = tpu.memref_slice %arg11[%dma_wait3A_76, %dma_wait3A_77] : memref<10240x128xf32, #tpu.memory_space<vmem_shared>> -> memref<10240x128xf32, #tpu.memory_space<vmem_shared>>
    tpu.wait_indirect_dma semaphore(%arg12 : memref<!tpu.dma_semaphore, #tpu.memory_space<semaphore_mem>>) src(%dma_wait3A_78 : memref<10240x128xf32, #tpu.memory_space<vmem_shared>>) dst(%arg10 : memref<128x128xf32, #tpu.memory_space<vmem>>)
    %mul3A_79 = arith.constant 640 : i32
    %mul3A_80 = arith.muli %arg1, %mul3A_79 : i32
    %add3A_81 = arith.constant 256 : i32
    %add3A_82 = arith.addi %mul3A_80, %add3A_81 : i32
    "tpu.region"() ({
      %run_scoped3A_119 = tpu.sem_alloc : memref<!tpu.dma_semaphore, #tpu.memory_space<semaphore_mem>>
      %dma_start3A_120 = arith.constant 0 : i32
      %dma_start3A_121 = tpu.memref_slice %arg6[%arg0, %add3A_82, %dma_start3A_120] : memref<2x10240x128xf32, #tpu.memory_space<hbm>> -> memref<1x128x128xf32, #tpu.memory_space<hbm>>
      %dma_start3A_122 = tpu.memref_squeeze %dma_start3A_121 : memref<1x128x128xf32, #tpu.memory_space<hbm>> -> memref<128x128xf32, #tpu.memory_space<hbm>>
      %dma_start3A_123 = arith.constant 0 : i32
      %dma_start3A_124 = tpu.memref_slice %arg6[%arg0, %add3A_82, %dma_start3A_123] : memref<2x10240x128xf32, #tpu.memory_space<hbm>> -> memref<1x128x128xf32, #tpu.memory_space<hbm>>
      %dma_start3A_125 = tpu.memref_squeeze %dma_start3A_124 : memref<1x128x128xf32, #tpu.memory_space<hbm>> -> memref<128x128xf32, #tpu.memory_space<hbm>>
      tpu.enqueue_dma source(%arg10 : memref<128x128xf32, #tpu.memory_space<vmem>>) target(%dma_start3A_125 : memref<128x128xf32, #tpu.memory_space<hbm>>) target_semaphore(%run_scoped3A_119 : memref<!tpu.dma_semaphore, #tpu.memory_space<semaphore_mem>>)
      %dma_wait3A_126 = arith.constant 0 : i32
      %dma_wait3A_127 = tpu.memref_slice %arg6[%arg0, %add3A_82, %dma_wait3A_126] : memref<2x10240x128xf32, #tpu.memory_space<hbm>> -> memref<1x128x128xf32, #tpu.memory_space<hbm>>
      %dma_wait3A_128 = tpu.memref_squeeze %dma_wait3A_127 : memref<1x128x128xf32, #tpu.memory_space<hbm>> -> memref<128x128xf32, #tpu.memory_space<hbm>>
      %dma_wait3A_129 = arith.constant 0 : i32
      %dma_wait3A_130 = tpu.memref_slice %arg6[%arg0, %add3A_82, %dma_wait3A_129] : memref<2x10240x128xf32, #tpu.memory_space<hbm>> -> memref<1x128x128xf32, #tpu.memory_space<hbm>>
      %dma_wait3A_131 = tpu.memref_squeeze %dma_wait3A_130 : memref<1x128x128xf32, #tpu.memory_space<hbm>> -> memref<128x128xf32, #tpu.memory_space<hbm>>
      tpu.wait_dma2 semaphore(%run_scoped3A_119 : memref<!tpu.dma_semaphore, #tpu.memory_space<semaphore_mem>>) src(%arg10 : memref<128x128xf32, #tpu.memory_space<vmem>>) dst(%dma_wait3A_131 : memref<128x128xf32, #tpu.memory_space<hbm>>)
      tpu.yield
    }) : () -> ()
    %dma_start3A_83 = arith.constant 3 : i32
    %dma_start3A_84 = arith.constant 0 : i32
    %dma_start3A_85 = tpu.memref_slice %arg9[%dma_start3A_83, %dma_start3A_84] : memref<5x128xi32, #tpu.memory_space<vmem>> -> memref<1x128xi32, #tpu.memory_space<vmem>>
    %dma_start3A_86 = tpu.memref_squeeze %dma_start3A_85 : memref<1x128xi32, #tpu.memory_space<vmem>> -> memref<128xi32, #tpu.memory_space<vmem>>
    %dma_start3A_87 = arith.constant 0 : i32
    %dma_start3A_88 = arith.constant 0 : i32
    %dma_start3A_89 = tpu.memref_slice %arg11[%dma_start3A_87, %dma_start3A_88] : memref<10240x128xf32, #tpu.memory_space<vmem_shared>> -> memref<10240x128xf32, #tpu.memory_space<vmem_shared>>
    tpu.enqueue_indirect_dma source(%dma_start3A_89 : memref<10240x128xf32, #tpu.memory_space<vmem_shared>>) target(%arg10 : memref<128x128xf32, #tpu.memory_space<vmem>>) offsets(%dma_start3A_86 : memref<128xi32, #tpu.memory_space<vmem>>) semaphore(%arg12 : memref<!tpu.dma_semaphore, #tpu.memory_space<semaphore_mem>>)
    %dma_wait3A_90 = arith.constant 3 : i32
    %dma_wait3A_91 = arith.constant 0 : i32
    %dma_wait3A_92 = tpu.memref_slice %arg9[%dma_wait3A_90, %dma_wait3A_91] : memref<5x128xi32, #tpu.memory_space<vmem>> -> memref<1x128xi32, #tpu.memory_space<vmem>>
    %dma_wait3A_93 = tpu.memref_squeeze %dma_wait3A_92 : memref<1x128xi32, #tpu.memory_space<vmem>> -> memref<128xi32, #tpu.memory_space<vmem>>
    %dma_wait3A_94 = arith.constant 0 : i32
    %dma_wait3A_95 = arith.constant 0 : i32
    %dma_wait3A_96 = tpu.memref_slice %arg11[%dma_wait3A_94, %dma_wait3A_95] : memref<10240x128xf32, #tpu.memory_space<vmem_shared>> -> memref<10240x128xf32, #tpu.memory_space<vmem_shared>>
    tpu.wait_indirect_dma semaphore(%arg12 : memref<!tpu.dma_semaphore, #tpu.memory_space<semaphore_mem>>) src(%dma_wait3A_96 : memref<10240x128xf32, #tpu.memory_space<vmem_shared>>) dst(%arg10 : memref<128x128xf32, #tpu.memory_space<vmem>>)
    %mul3A_97 = arith.constant 640 : i32
    %mul3A_98 = arith.muli %arg1, %mul3A_97 : i32
    %add3A_99 = arith.constant 384 : i32
    %add3A_100 = arith.addi %mul3A_98, %add3A_99 : i32
    "tpu.region"() ({
      %run_scoped3A_119 = tpu.sem_alloc : memref<!tpu.dma_semaphore, #tpu.memory_space<semaphore_mem>>
      %dma_start3A_120 = arith.constant 0 : i32
      %dma_start3A_121 = tpu.memref_slice %arg6[%arg0, %add3A_100, %dma_start3A_120] : memref<2x10240x128xf32, #tpu.memory_space<hbm>> -> memref<1x128x128xf32, #tpu.memory_space<hbm>>
      %dma_start3A_122 = tpu.memref_squeeze %dma_start3A_121 : memref<1x128x128xf32, #tpu.memory_space<hbm>> -> memref<128x128xf32, #tpu.memory_space<hbm>>
      %dma_start3A_123 = arith.constant 0 : i32
      %dma_start3A_124 = tpu.memref_slice %arg6[%arg0, %add3A_100, %dma_start3A_123] : memref<2x10240x128xf32, #tpu.memory_space<hbm>> -> memref<1x128x128xf32, #tpu.memory_space<hbm>>
      %dma_start3A_125 = tpu.memref_squeeze %dma_start3A_124 : memref<1x128x128xf32, #tpu.memory_space<hbm>> -> memref<128x128xf32, #tpu.memory_space<hbm>>
      tpu.enqueue_dma source(%arg10 : memref<128x128xf32, #tpu.memory_space<vmem>>) target(%dma_start3A_125 : memref<128x128xf32, #tpu.memory_space<hbm>>) target_semaphore(%run_scoped3A_119 : memref<!tpu.dma_semaphore, #tpu.memory_space<semaphore_mem>>)
      %dma_wait3A_126 = arith.constant 0 : i32
      %dma_wait3A_127 = tpu.memref_slice %arg6[%arg0, %add3A_100, %dma_wait3A_126] : memref<2x10240x128xf32, #tpu.memory_space<hbm>> -> memref<1x128x128xf32, #tpu.memory_space<hbm>>
      %dma_wait3A_128 = tpu.memref_squeeze %dma_wait3A_127 : memref<1x128x128xf32, #tpu.memory_space<hbm>> -> memref<128x128xf32, #tpu.memory_space<hbm>>
      %dma_wait3A_129 = arith.constant 0 : i32
      %dma_wait3A_130 = tpu.memref_slice %arg6[%arg0, %add3A_100, %dma_wait3A_129] : memref<2x10240x128xf32, #tpu.memory_space<hbm>> -> memref<1x128x128xf32, #tpu.memory_space<hbm>>
      %dma_wait3A_131 = tpu.memref_squeeze %dma_wait3A_130 : memref<1x128x128xf32, #tpu.memory_space<hbm>> -> memref<128x128xf32, #tpu.memory_space<hbm>>
      tpu.wait_dma2 semaphore(%run_scoped3A_119 : memref<!tpu.dma_semaphore, #tpu.memory_space<semaphore_mem>>) src(%arg10 : memref<128x128xf32, #tpu.memory_space<vmem>>) dst(%dma_wait3A_131 : memref<128x128xf32, #tpu.memory_space<hbm>>)
      tpu.yield
    }) : () -> ()
    %dma_start3A_101 = arith.constant 4 : i32
    %dma_start3A_102 = arith.constant 0 : i32
    %dma_start3A_103 = tpu.memref_slice %arg9[%dma_start3A_101, %dma_start3A_102] : memref<5x128xi32, #tpu.memory_space<vmem>> -> memref<1x128xi32, #tpu.memory_space<vmem>>
    %dma_start3A_104 = tpu.memref_squeeze %dma_start3A_103 : memref<1x128xi32, #tpu.memory_space<vmem>> -> memref<128xi32, #tpu.memory_space<vmem>>
    %dma_start3A_105 = arith.constant 0 : i32
    %dma_start3A_106 = arith.constant 0 : i32
    %dma_start3A_107 = tpu.memref_slice %arg11[%dma_start3A_105, %dma_start3A_106] : memref<10240x128xf32, #tpu.memory_space<vmem_shared>> -> memref<10240x128xf32, #tpu.memory_space<vmem_shared>>
    tpu.enqueue_indirect_dma source(%dma_start3A_107 : memref<10240x128xf32, #tpu.memory_space<vmem_shared>>) target(%arg10 : memref<128x128xf32, #tpu.memory_space<vmem>>) offsets(%dma_start3A_104 : memref<128xi32, #tpu.memory_space<vmem>>) semaphore(%arg12 : memref<!tpu.dma_semaphore, #tpu.memory_space<semaphore_mem>>)
    %dma_wait3A_108 = arith.constant 4 : i32
    %dma_wait3A_109 = arith.constant 0 : i32
    %dma_wait3A_110 = tpu.memref_slice %arg9[%dma_wait3A_108, %dma_wait3A_109] : memref<5x128xi32, #tpu.memory_space<vmem>> -> memref<1x128xi32, #tpu.memory_space<vmem>>
    %dma_wait3A_111 = tpu.memref_squeeze %dma_wait3A_110 : memref<1x128xi32, #tpu.memory_space<vmem>> -> memref<128xi32, #tpu.memory_space<vmem>>
    %dma_wait3A_112 = arith.constant 0 : i32
    %dma_wait3A_113 = arith.constant 0 : i32
    %dma_wait3A_114 = tpu.memref_slice %arg11[%dma_wait3A_112, %dma_wait3A_113] : memref<10240x128xf32, #tpu.memory_space<vmem_shared>> -> memref<10240x128xf32, #tpu.memory_space<vmem_shared>>
    tpu.wait_indirect_dma semaphore(%arg12 : memref<!tpu.dma_semaphore, #tpu.memory_space<semaphore_mem>>) src(%dma_wait3A_114 : memref<10240x128xf32, #tpu.memory_space<vmem_shared>>) dst(%arg10 : memref<128x128xf32, #tpu.memory_space<vmem>>)
    %mul3A_115 = arith.constant 640 : i32
    %mul3A_116 = arith.muli %arg1, %mul3A_115 : i32
    %add3A_117 = arith.constant 512 : i32
    %add3A_118 = arith.addi %mul3A_116, %add3A_117 : i32
    "tpu.region"() ({
      %run_scoped3A_119 = tpu.sem_alloc : memref<!tpu.dma_semaphore, #tpu.memory_space<semaphore_mem>>
      %dma_start3A_120 = arith.constant 0 : i32
      %dma_start3A_121 = tpu.memref_slice %arg6[%arg0, %add3A_118, %dma_start3A_120] : memref<2x10240x128xf32, #tpu.memory_space<hbm>> -> memref<1x128x128xf32, #tpu.memory_space<hbm>>
      %dma_start3A_122 = tpu.memref_squeeze %dma_start3A_121 : memref<1x128x128xf32, #tpu.memory_space<hbm>> -> memref<128x128xf32, #tpu.memory_space<hbm>>
      %dma_start3A_123 = arith.constant 0 : i32
      %dma_start3A_124 = tpu.memref_slice %arg6[%arg0, %add3A_118, %dma_start3A_123] : memref<2x10240x128xf32, #tpu.memory_space<hbm>> -> memref<1x128x128xf32, #tpu.memory_space<hbm>>
      %dma_start3A_125 = tpu.memref_squeeze %dma_start3A_124 : memref<1x128x128xf32, #tpu.memory_space<hbm>> -> memref<128x128xf32, #tpu.memory_space<hbm>>
      tpu.enqueue_dma source(%arg10 : memref<128x128xf32, #tpu.memory_space<vmem>>) target(%dma_start3A_125 : memref<128x128xf32, #tpu.memory_space<hbm>>) target_semaphore(%run_scoped3A_119 : memref<!tpu.dma_semaphore, #tpu.memory_space<semaphore_mem>>)
      %dma_wait3A_126 = arith.constant 0 : i32
      %dma_wait3A_127 = tpu.memref_slice %arg6[%arg0, %add3A_118, %dma_wait3A_126] : memref<2x10240x128xf32, #tpu.memory_space<hbm>> -> memref<1x128x128xf32, #tpu.memory_space<hbm>>
      %dma_wait3A_128 = tpu.memref_squeeze %dma_wait3A_127 : memref<1x128x128xf32, #tpu.memory_space<hbm>> -> memref<128x128xf32, #tpu.memory_space<hbm>>
      %dma_wait3A_129 = arith.constant 0 : i32
      %dma_wait3A_130 = tpu.memref_slice %arg6[%arg0, %add3A_118, %dma_wait3A_129] : memref<2x10240x128xf32, #tpu.memory_space<hbm>> -> memref<1x128x128xf32, #tpu.memory_space<hbm>>
      %dma_wait3A_131 = tpu.memref_squeeze %dma_wait3A_130 : memref<1x128x128xf32, #tpu.memory_space<hbm>> -> memref<128x128xf32, #tpu.memory_space<hbm>>
      tpu.wait_dma2 semaphore(%run_scoped3A_119 : memref<!tpu.dma_semaphore, #tpu.memory_space<semaphore_mem>>) src(%arg10 : memref<128x128xf32, #tpu.memory_space<vmem>>) dst(%dma_wait3A_131 : memref<128x128xf32, #tpu.memory_space<hbm>>)
      tpu.yield
    }) : () -> ()
    return
  }
}

module attributes {stable_mosaic.version = 14 : i64} {
  func.func @_tca_body(%arg0: i32, %arg1: memref<2x128x128xf32, #tpu.memory_space<vmem>>, %arg2: memref<128x128xf32, #tpu.memory_space<vmem>>, %arg3: memref<128x128xf32, #tpu.memory_space<vmem>>, %arg4: memref<128x1xf32, #tpu.memory_space<vmem>>, %arg5: memref<128x128xf32, #tpu.memory_space<vmem>>) attributes {dimension_semantics = [#tpu.dimension_semantics<arbitrary>], iteration_bounds = array<i64: 80>, scalar_prefetch = 0 : i64, scratch_operands = 0 : i64, tpu.core_type = #tpu.core_type<tc>, window_params = [{transform_indices = @transform_0, window_bounds = array<i64: 2, 128, 128>}, {transform_indices = @transform_1, window_bounds = array<i64: 128, 128>}, {pipeline_mode = #tpu.pipeline_mode<synchronous>, transform_indices = @transform_2, window_bounds = array<i64: 128, 128>}, {transform_indices = @transform_3, window_bounds = array<i64: 128, 1>}, {transform_indices = @transform_4, window_bounds = array<i64: 128, 128>}]} {
    %get3A = arith.constant 0 : index
    %get3A_0 = arith.constant 0 : index
    %get3A_1 = arith.constant 0 : index
    %get3A_2 = vector.load %arg1[%get3A, %get3A_0, %get3A_1] : memref<2x128x128xf32, #tpu.memory_space<vmem>>, vector<1x128x1xf32>
    %get3A_3 = vector.shape_cast %get3A_2 : vector<1x128x1xf32> to vector<128x1xf32>
    %get3A_4 = arith.constant 1 : index
    %get3A_5 = arith.constant 0 : index
    %get3A_6 = arith.constant 0 : index
    %get3A_7 = vector.load %arg1[%get3A_4, %get3A_5, %get3A_6] : memref<2x128x128xf32, #tpu.memory_space<vmem>>, vector<1x128x1xf32>
    %get3A_8 = vector.shape_cast %get3A_7 : vector<1x128x1xf32> to vector<128x1xf32>
    %add3A = arith.addf %get3A_3, %get3A_8 : vector<128x1xf32>
    %add3A_9 = arith.constant 1.000000e+00 : f32
    %add3A_10 = vector.broadcast %add3A_9 : f32 to vector<128x1xf32>
    %add3A_11 = arith.addf %add3A, %add3A_10 : vector<128x1xf32>
    %rsqrt3A = math.rsqrt %add3A_11 : vector<128x1xf32>
    %swap3A = arith.constant 0 : index
    %swap3A_12 = arith.constant 0 : index
    %swap3A_13 = vector.load %arg4[%swap3A, %swap3A_12] : memref<128x1xf32, #tpu.memory_space<vmem>>, vector<128x1xf32>
    tpu.vector_store %arg4[%swap3A, %swap3A_12], %rsqrt3A {strides = array<i32>} : memref<128x1xf32, #tpu.memory_space<vmem>>, vector<128x1xf32>,
    %get3A_14 = arith.constant 0 : index
    %get3A_15 = arith.constant 0 : index
    %get3A_16 = vector.load %arg2[%get3A_14, %get3A_15] : memref<128x128xf32, #tpu.memory_space<vmem>>, vector<128x128xf32>
    %get3A_17 = arith.constant 0 : index
    %get3A_18 = arith.constant 0 : index
    %get3A_19 = vector.load %arg3[%get3A_17, %get3A_18] : memref<128x128xf32, #tpu.memory_space<vmem>>, vector<128x128xf32>
    %dot_general3A = arith.constant dense<0.000000e+00> : vector<128x128xf32>
    %dot_general3A_20 = tpu.matmul %get3A_16, %get3A_19, %dot_general3A {dimension_numbers = #tpu.dot_dimension_numbers<[1], [0], [0], [1], [0, 0, 1, 1], [], []>, precision = #tpu.contract_precision<fp32>, transpose_lhs_hint = false} : vector<128x128xf32>, vector<128x128xf32>, vector<128x128xf32> -> vector<128x128xf32>
    %mul3A = vector.broadcast %rsqrt3A : vector<128x1xf32> to vector<128x128xf32>
    %mul3A_21 = arith.mulf %dot_general3A_20, %mul3A : vector<128x128xf32>
    %swap3A_22 = arith.constant 0 : index
    %swap3A_23 = arith.constant 0 : index
    %swap3A_24 = vector.load %arg5[%swap3A_22, %swap3A_23] : memref<128x128xf32, #tpu.memory_space<vmem>>, vector<128x128xf32>
    tpu.vector_store %arg5[%swap3A_22, %swap3A_23], %mul3A_21 {strides = array<i32>} : memref<128x128xf32, #tpu.memory_space<vmem>>, vector<128x128xf32>,
    return
  }
  func.func @transform_0(%arg0: i32) -> (i32, i32, i32) {
    %c0_i32 = arith.constant 0 : i32
    %c0_i32_0 = arith.constant 0 : i32
    %c0_i32_1 = arith.constant 0 : i32
    return %c0_i32, %arg0, %c0_i32_0 : i32, i32, i32
  }
  func.func @transform_1(%arg0: i32) -> (i32, i32) {
    %c0_i32 = arith.constant 0 : i32
    %c0_i32_0 = arith.constant 0 : i32
    return %arg0, %c0_i32 : i32, i32
  }
  func.func @transform_2(%arg0: i32) -> (i32, i32) {
    %c0_i32 = arith.constant 0 : i32
    %c0_i32_0 = arith.constant 0 : i32
    %c0_i32_1 = arith.constant 0 : i32
    return %c0_i32, %c0_i32_0 : i32, i32
  }
  func.func @transform_3(%arg0: i32) -> (i32, i32) {
    %c0_i32 = arith.constant 0 : i32
    %c0_i32_0 = arith.constant 0 : i32
    return %arg0, %c0_i32 : i32, i32
  }
  func.func @transform_4(%arg0: i32) -> (i32, i32) {
    %c0_i32 = arith.constant 0 : i32
    %c0_i32_0 = arith.constant 0 : i32
    return %arg0, %c0_i32 : i32, i32
  }
}

module attributes {stable_mosaic.version = 14 : i64} {
  func.func @_tcc_body(%arg0: i32, %arg1: memref<2x128x128xf32, #tpu.memory_space<vmem>>, %arg2: memref<128x128xf32, #tpu.memory_space<vmem>>, %arg3: memref<128x1xf32, #tpu.memory_space<vmem>>, %arg4: memref<1x128xf32, #tpu.memory_space<vmem>>, %arg5: memref<128x128xf32, #tpu.memory_space<vmem>>) attributes {dimension_semantics = [#tpu.dimension_semantics<arbitrary>], iteration_bounds = array<i64: 80>, scalar_prefetch = 0 : i64, scratch_operands = 0 : i64, tpu.core_type = #tpu.core_type<tc>, window_params = [{transform_indices = @transform_0, window_bounds = array<i64: 2, 128, 128>}, {transform_indices = @transform_1, window_bounds = array<i64: 128, 128>}, {transform_indices = @transform_2, window_bounds = array<i64: 128, 1>}, {pipeline_mode = #tpu.pipeline_mode<synchronous>, transform_indices = @transform_3, window_bounds = array<i64: 1, 128>}, {transform_indices = @transform_4, window_bounds = array<i64: 128, 128>}]} {
    %get3A = arith.constant 0 : index
    %get3A_0 = arith.constant 0 : index
    %get3A_1 = arith.constant 0 : index
    %get3A_2 = vector.load %arg1[%get3A, %get3A_0, %get3A_1] : memref<2x128x128xf32, #tpu.memory_space<vmem>>, vector<1x128x128xf32>
    %get3A_3 = vector.shape_cast %get3A_2 : vector<1x128x128xf32> to vector<128x128xf32>
    %get3A_4 = arith.constant 1 : index
    %get3A_5 = arith.constant 0 : index
    %get3A_6 = arith.constant 0 : index
    %get3A_7 = vector.load %arg1[%get3A_4, %get3A_5, %get3A_6] : memref<2x128x128xf32, #tpu.memory_space<vmem>>, vector<1x128x128xf32>
    %get3A_8 = vector.shape_cast %get3A_7 : vector<1x128x128xf32> to vector<128x128xf32>
    %add3A = arith.addf %get3A_3, %get3A_8 : vector<128x128xf32>
    %get3A_9 = arith.constant 0 : index
    %get3A_10 = arith.constant 0 : index
    %get3A_11 = vector.load %arg2[%get3A_9, %get3A_10] : memref<128x128xf32, #tpu.memory_space<vmem>>, vector<128x128xf32>
    %add3A_12 = arith.addf %add3A, %get3A_11 : vector<128x128xf32>
    %get3A_13 = arith.constant 0 : index
    %get3A_14 = arith.constant 0 : index
    %get3A_15 = vector.load %arg3[%get3A_13, %get3A_14] : memref<128x1xf32, #tpu.memory_space<vmem>>, vector<128x1xf32>
    %mul3A = vector.broadcast %get3A_15 : vector<128x1xf32> to vector<128x128xf32>
    %mul3A_16 = arith.mulf %add3A_12, %mul3A : vector<128x128xf32>
    %get3A_17 = arith.constant 0 : index
    %get3A_18 = arith.constant 0 : index
    %get3A_19 = vector.load %arg4[%get3A_17, %get3A_18] : memref<1x128xf32, #tpu.memory_space<vmem>>, vector<1x128xf32>
    %add3A_20 = vector.broadcast %get3A_19 : vector<1x128xf32> to vector<128x128xf32>
    %add3A_21 = arith.addf %mul3A_16, %add3A_20 : vector<128x128xf32>
    %iota3A = tpu.iota {dimensions = array<i32: 1>} : vector<128x128xi32>
    %lt3A = arith.constant 47 : i32
    %lt3A_22 = vector.broadcast %lt3A : i32 to vector<128x128xi32>
    %lt3A_23 = arith.cmpi slt, %iota3A, %lt3A_22 : vector<128x128xi32>
    %jit3A = arith.constant -1.000000e+30 : f32
    %broadcast_in_dim3A = vector.broadcast %jit3A : f32 to vector<128x128xf32>
    %select_n3A = arith.select %lt3A_23, %add3A_21, %broadcast_in_dim3A : vector<128x128xi1>, vector<128x128xf32>
    %reduce_max3A = arith.constant dense<0xFF800000> : vector<128xf32>
    %reduce_max3A_24 = vector.multi_reduction <maximumf>, %select_n3A, %reduce_max3A [1] : vector<128x128xf32> to vector<128xf32>
    %broadcast_in_dim3A_25 = vector.shape_cast %reduce_max3A_24 : vector<128xf32> to vector<128x1xf32>
    %sub3A = vector.broadcast %broadcast_in_dim3A_25 : vector<128x1xf32> to vector<128x128xf32>
    %sub3A_26 = arith.subf %select_n3A, %sub3A : vector<128x128xf32>
    %exp3A = math.exp %sub3A_26 : vector<128x128xf32>
    %jit3A_27 = arith.constant 0.000000e+00 : f32
    %broadcast_in_dim3A_28 = vector.broadcast %jit3A_27 : f32 to vector<128x128xf32>
    %select_n3A_29 = arith.select %lt3A_23, %exp3A, %broadcast_in_dim3A_28 : vector<128x128xi1>, vector<128x128xf32>
    %sub3A_30 = vector.broadcast %broadcast_in_dim3A_25 : vector<128x1xf32> to vector<128x128xf32>
    %sub3A_31 = arith.subf %select_n3A, %sub3A_30 : vector<128x128xf32>
    %reduce_sum3A = arith.constant dense<0.000000e+00> : vector<128xf32>
    %reduce_sum3A_32 = vector.multi_reduction <add>, %select_n3A_29, %reduce_sum3A [1] : vector<128x128xf32> to vector<128xf32>
    %broadcast_in_dim3A_33 = vector.shape_cast %reduce_sum3A_32 : vector<128xf32> to vector<128x1xf32>
    %log3A = math.log %broadcast_in_dim3A_33 : vector<128x1xf32>
    %sub3A_34 = vector.broadcast %log3A : vector<128x1xf32> to vector<128x128xf32>
    %sub3A_35 = arith.subf %sub3A_31, %sub3A_34 : vector<128x128xf32>
    %swap3A = arith.constant 0 : index
    %swap3A_36 = arith.constant 0 : index
    %swap3A_37 = vector.load %arg5[%swap3A, %swap3A_36] : memref<128x128xf32, #tpu.memory_space<vmem>>, vector<128x128xf32>
    tpu.vector_store %arg5[%swap3A, %swap3A_36], %sub3A_35 {strides = array<i32>} : memref<128x128xf32, #tpu.memory_space<vmem>>, vector<128x128xf32>,
    return
  }
  func.func @transform_0(%arg0: i32) -> (i32, i32, i32) {
    %c0_i32 = arith.constant 0 : i32
    %c0_i32_0 = arith.constant 0 : i32
    %c0_i32_1 = arith.constant 0 : i32
    return %c0_i32, %arg0, %c0_i32_0 : i32, i32, i32
  }
  func.func @transform_1(%arg0: i32) -> (i32, i32) {
    %c0_i32 = arith.constant 0 : i32
    %c0_i32_0 = arith.constant 0 : i32
    return %arg0, %c0_i32 : i32, i32
  }
  func.func @transform_2(%arg0: i32) -> (i32, i32) {
    %c0_i32 = arith.constant 0 : i32
    %c0_i32_0 = arith.constant 0 : i32
    return %arg0, %c0_i32 : i32, i32
  }
  func.func @transform_3(%arg0: i32) -> (i32, i32) {
    %c0_i32 = arith.constant 0 : i32
    %c0_i32_0 = arith.constant 0 : i32
    %c0_i32_1 = arith.constant 0 : i32
    return %c0_i32, %c0_i32_0 : i32, i32
  }
  func.func @transform_4(%arg0: i32) -> (i32, i32) {
    %c0_i32 = arith.constant 0 : i32
    %c0_i32_0 = arith.constant 0 : i32
    return %arg0, %c0_i32 : i32, i32
  }
}

module attributes {stable_mosaic.version = 14 : i64} {
  func.func @_tcb_body(%arg0: i32, %arg1: memref<2x128x128xf32, #tpu.memory_space<vmem>>, %arg2: memref<128x128xf32, #tpu.memory_space<vmem>>, %arg3: memref<128x1xf32, #tpu.memory_space<vmem>>, %arg4: memref<1x128xf32, #tpu.memory_space<vmem>>, %arg5: memref<128x128xf32, #tpu.memory_space<vmem>>, %arg6: memref<128x128xf32, #tpu.memory_space<vmem>>) attributes {dimension_semantics = [#tpu.dimension_semantics<arbitrary>], iteration_bounds = array<i64: 80>, scalar_prefetch = 0 : i64, scratch_operands = 0 : i64, tpu.core_type = #tpu.core_type<tc>, window_params = [{transform_indices = @transform_0, window_bounds = array<i64: 2, 128, 128>}, {transform_indices = @transform_1, window_bounds = array<i64: 128, 128>}, {transform_indices = @transform_2, window_bounds = array<i64: 128, 1>}, {pipeline_mode = #tpu.pipeline_mode<synchronous>, transform_indices = @transform_3, window_bounds = array<i64: 1, 128>}, {pipeline_mode = #tpu.pipeline_mode<synchronous>, transform_indices = @transform_4, window_bounds = array<i64: 128, 128>}, {transform_indices = @transform_5, window_bounds = array<i64: 128, 128>}]} {
    %get3A = arith.constant 0 : index
    %get3A_0 = arith.constant 0 : index
    %get3A_1 = vector.load %arg3[%get3A, %get3A_0] : memref<128x1xf32, #tpu.memory_space<vmem>>, vector<128x1xf32>
    %get3A_2 = arith.constant 0 : index
    %get3A_3 = arith.constant 0 : index
    %get3A_4 = arith.constant 0 : index
    %get3A_5 = vector.load %arg1[%get3A_2, %get3A_3, %get3A_4] : memref<2x128x128xf32, #tpu.memory_space<vmem>>, vector<1x128x128xf32>
    %get3A_6 = vector.shape_cast %get3A_5 : vector<1x128x128xf32> to vector<128x128xf32>
    %get3A_7 = arith.constant 1 : index
    %get3A_8 = arith.constant 0 : index
    %get3A_9 = arith.constant 0 : index
    %get3A_10 = vector.load %arg1[%get3A_7, %get3A_8, %get3A_9] : memref<2x128x128xf32, #tpu.memory_space<vmem>>, vector<1x128x128xf32>
    %get3A_11 = vector.shape_cast %get3A_10 : vector<1x128x128xf32> to vector<128x128xf32>
    %add3A = arith.addf %get3A_6, %get3A_11 : vector<128x128xf32>
    %get3A_12 = arith.constant 0 : index
    %get3A_13 = arith.constant 0 : index
    %get3A_14 = vector.load %arg2[%get3A_12, %get3A_13] : memref<128x128xf32, #tpu.memory_space<vmem>>, vector<128x128xf32>
    %add3A_15 = arith.addf %add3A, %get3A_14 : vector<128x128xf32>
    %mul3A = vector.broadcast %get3A_1 : vector<128x1xf32> to vector<128x128xf32>
    %mul3A_16 = arith.mulf %add3A_15, %mul3A : vector<128x128xf32>
    %get3A_17 = arith.constant 0 : index
    %get3A_18 = arith.constant 0 : index
    %get3A_19 = vector.load %arg4[%get3A_17, %get3A_18] : memref<1x128xf32, #tpu.memory_space<vmem>>, vector<1x128xf32>
    %add3A_20 = vector.broadcast %get3A_19 : vector<1x128xf32> to vector<128x128xf32>
    %add3A_21 = arith.addf %mul3A_16, %add3A_20 : vector<128x128xf32>
    %max3A = arith.constant 0.000000e+00 : f32
    %max3A_22 = vector.broadcast %max3A : f32 to vector<128x128xf32>
    %max3A_23 = arith.maximumf %add3A_21, %max3A_22 : vector<128x128xf32>
    %get3A_24 = arith.constant 0 : index
    %get3A_25 = arith.constant 0 : index
    %get3A_26 = vector.load %arg5[%get3A_24, %get3A_25] : memref<128x128xf32, #tpu.memory_space<vmem>>, vector<128x128xf32>
    %dot_general3A = arith.constant dense<0.000000e+00> : vector<128x128xf32>
    %dot_general3A_27 = tpu.matmul %max3A_23, %get3A_26, %dot_general3A {dimension_numbers = #tpu.dot_dimension_numbers<[1], [0], [0], [1], [0, 0, 1, 1], [], []>, precision = #tpu.contract_precision<fp32>, transpose_lhs_hint = false} : vector<128x128xf32>, vector<128x128xf32>, vector<128x128xf32> -> vector<128x128xf32>
    %mul3A_28 = vector.broadcast %get3A_1 : vector<128x1xf32> to vector<128x128xf32>
    %mul3A_29 = arith.mulf %dot_general3A_27, %mul3A_28 : vector<128x128xf32>
    %swap3A = arith.constant 0 : index
    %swap3A_30 = arith.constant 0 : index
    %swap3A_31 = vector.load %arg6[%swap3A, %swap3A_30] : memref<128x128xf32, #tpu.memory_space<vmem>>, vector<128x128xf32>
    tpu.vector_store %arg6[%swap3A, %swap3A_30], %mul3A_29 {strides = array<i32>} : memref<128x128xf32, #tpu.memory_space<vmem>>, vector<128x128xf32>,
    return
  }
  func.func @transform_0(%arg0: i32) -> (i32, i32, i32) {
    %c0_i32 = arith.constant 0 : i32
    %c0_i32_0 = arith.constant 0 : i32
    %c0_i32_1 = arith.constant 0 : i32
    return %c0_i32, %arg0, %c0_i32_0 : i32, i32, i32
  }
  func.func @transform_1(%arg0: i32) -> (i32, i32) {
    %c0_i32 = arith.constant 0 : i32
    %c0_i32_0 = arith.constant 0 : i32
    return %arg0, %c0_i32 : i32, i32
  }
  func.func @transform_2(%arg0: i32) -> (i32, i32) {
    %c0_i32 = arith.constant 0 : i32
    %c0_i32_0 = arith.constant 0 : i32
    return %arg0, %c0_i32 : i32, i32
  }
  func.func @transform_3(%arg0: i32) -> (i32, i32) {
    %c0_i32 = arith.constant 0 : i32
    %c0_i32_0 = arith.constant 0 : i32
    %c0_i32_1 = arith.constant 0 : i32
    return %c0_i32, %c0_i32_0 : i32, i32
  }
  func.func @transform_4(%arg0: i32) -> (i32, i32) {
    %c0_i32 = arith.constant 0 : i32
    %c0_i32_0 = arith.constant 0 : i32
    %c0_i32_1 = arith.constant 0 : i32
    return %c0_i32, %c0_i32_0 : i32, i32
  }
  func.func @transform_5(%arg0: i32) -> (i32, i32) {
    %c0_i32 = arith.constant 0 : i32
    %c0_i32_0 = arith.constant 0 : i32
    return %arg0, %c0_i32 : i32, i32
  }
}

</mosaic_0001>

<sc_bundles>
// kernel: kernel.11.cloned.1.call-start
scs
__scs_entry_jumppad:
0x0: {  	(pc) =	sbr.rel $0x88, $3  }
0x1: {  	(tag) =	ssettag $0x0;
	lr =	simm.s32 $0x1  }
0x2: {  	[smem:$0x3F9B] =	sst lr;
	_ =	strace $0xD0000000  }
0x3: {  	_ = 	snop  }
0x4: {  	_ = 	snop  }
0x5: {  	_ = 	snop  }
0x6: {  	_ = 	snop  }
0x7: {  	_ = 	snop  }
__scs_overlays_trampoline_lowered:
0x8: {  	[smem:$0x3FAA] =	sst s0  }
0x9: {  	[smem:$0x3FAB] =	sst s1  }
0xa: {  	[smem:$0x3FAC] =	sst s2  }
0xb: {  	[smem:$0x3FAD] =	sst s3  }
0xc: {  	[smem:$0x3FAE] =	sst s4  }
0xd: {  	[smem:$0x3FAF] =	sst s5  }
0xe: {  	[smem:$0x3FB0] =	sst s6  }
0xf: {  	[smem:$0x3FB1] =	sst s7  }
0x10: {  	[smem:$0x3FB2] =	sst s8  }
0x11: {  	[smem:$0x3FB3] =	sst s9;
	s0 =	simm.s32 @!p0 $0x0  }
0x12: {  	s1 =	sld [smem:$0x3F99];
	s0 =	simm.s32 @p0 $0x1  }
0x13: {  	[smem:$0x3FB4] =	sst s0;
	s0 =	simm.s32 @!p1 $0x0  }
0x14: {  	s2 =	sld [smem:$0x3F98];
	s0 =	simm.s32 @p1 $0x1  }
0x15: {  	[smem:$0x3FB5] =	sst s0;
	s0 =	simm.s32 @!p2 $0x0  }
0x16: {  	s3 =	sld [smem:$0x3FDB];
	s0 =	simm.s32 @p2 $0x1  }
0x17: {  	s4 =	simm.s32 $0x1BF5;
	[smem:$0x3FB7] =	sst s0  }
0x18: {  	s0 =	sld [smem:$0x3F9A];
	_ =	swait.ge [sflag:s4], $0x0  }
0x19: {  	s7 =	sld [smem:$0x3F9B]  }
0x1a: {  	s8 =	sadd.s32 $0xFFFFE003, lr  }
0x1b: {  	s9 =	sadd.s32 $0xFFFFFEF7, lr;
	s5 =	simm.s32 $0xFFFFFFFF;
	p2 =	slt.u32 s8, $0xFFFFF086  }
0x1c: {  	p1 =	slt.u32 s9, $0xF7A;
	s5 =	simm.s32 @!p2 $0x0  }
0x1d: {  	s5 =	simm.s32 @p1 $0x1;
	p0 =	seq.s32 s7, s2  }
0x1e: {  	s7 =	smul.u32 @!p0 $0xF7A, s2;
	p2 =	seq.s32 @!p0 s5, $0x0  }
0x1f: {  	s9 =	smul.u32 $0xF7A, s1;
	s8 =	simm.s32 @!p0 $0x1BF5;
	p2 =	por !p2, p0  }
0x20: {  	[sflag:s8] =	ssyncset.s32 @!p0 $0xFFFFF086;
	s6 =	sadd.s32 @!p0 s3, s7;
	s7 =	simm.s32 @!p0 $0x108  }
0x21: {  	s3 =	sadd.s32 s3, s9;
	s6 =	sadd.s32 @!p0 $0x88, s6;
	s7 =	simm.s32 @p2 $0x1082  }
0x22: {  	[simem:s7], [sflag:s8] =	dma.local @!p0 [hbm:s6], $0xF7A  }
0x23: {  	s9 =	sor.u32 $0xD0000000, s2;
	s6 =	simm.s32 $0x108;
	_ =	swait.ge @!p0 [sflag:s8], $0x0  }
0x24: {  	s3 =	sadd.s32 $0x88, s3;
	s6 =	simm.s32 @!p1 $0x1082;
	[sflag:s4] =	ssyncset.s32 $0xFFFFF086  }
0x25: {  	[simem:s6], [sflag:s4] =	dma.local [hbm:s3], $0xF7A  }
0x26: {  	[smem:$0x3F9B] =	sst s1;
	(tag) =	ssettag s2;
	_ =	strace s9  }
0x27: {  	s1 =	sld [smem:$0x3FAB]  }
0x28: {  	s2 =	sld [smem:$0x3FAC]  }
0x29: {  	s4 =	sld [smem:$0x3FAE]  }
0x2a: {  	p0 =	seq.s32 s5, $0x0;
	s5 =	sld [smem:$0x3FAF]  }
0x2b: {  	s6 =	sld [smem:$0x3FB0]  }
0x2c: {  	s7 =	sld [smem:$0x3FB1]  }
0x2d: {  	s3 =	simm.s32 $0x108;
	s8 =	sld [smem:$0x3FB2]  }
0x2e: {  	s3 =	simm.s32 @!p0 $0x1082;
	s9 =	sld [smem:$0x3FB3]  }
0x2f: {  	lr =	sadd.s32 s0, s3;
	s0 =	sld [smem:$0x3FAA]  }
0x30: {  	s3 =	sld [smem:$0x3FAD]  }
0x31: {  	[smem:$0x3FB6] =	sst s10  }
0x32: {  	s10 =	sld [smem:$0x3FB4];
	_ =	sdelay $0x3  }
0x33: {  	p0 =	seq.s32 s10, $0x1;
	s10 =	sld [smem:$0x3FB6];
	_ =	sdelay $0x3  }
0x34: {  	[smem:$0x3FB6] =	sst s10  }
0x35: {  	s10 =	sld [smem:$0x3FB5];
	_ =	sdelay $0x3  }
0x36: {  	p1 =	seq.s32 s10, $0x1;
	s10 =	sld [smem:$0x3FB6];
	_ =	sdelay $0x3  }
0x37: {  	[smem:$0x3FB6] =	sst s10  }
0x38: {  	s10 =	sld [smem:$0x3FB7]  }
0x39: {  	_ = 	snop;
	(pc) =	sbr.ind lr, $3  }
0x3a: {  	_ = 	snop  }
0x3b: {  	_ = 	snop  }
0x3c: {  	p2 =	seq.s32 s10, $0x1;
	s10 =	sld [smem:$0x3FB6]  }
0x3d: {  	_ =	shalt  }
0x3e: {  	_ =	shalt  }
0x3f: {  	_ =	shalt  }
0x40: {  	_ =	shalt  }
0x41: {  	_ =	shalt  }
0x42: {  	_ =	shalt  }
0x43: {  	_ =	shalt  }
0x44: {  	_ =	shalt  }
0x45: {  	_ =	shalt  }
0x46: {  	_ =	shalt  }
0x47: {  	_ =	shalt  }
0x48: {  	_ =	shalt  }
0x49: {  	_ =	shalt  }
0x4a: {  	_ =	shalt  }
0x4b: {  	_ =	shalt  }
0x4c: {  	_ =	shalt  }
0x4d: {  	_ =	shalt  }
0x4e: {  	_ =	shalt  }
0x4f: {  	_ =	shalt  }
0x50: {  	_ =	shalt  }
0x51: {  	_ =	shalt  }
0x52: {  	_ =	shalt  }
0x53: {  	_ =	shalt  }
0x54: {  	_ =	shalt  }
0x55: {  	_ =	shalt  }
0x56: {  	_ =	shalt  }
0x57: {  	_ =	shalt  }
0x58: {  	_ =	shalt  }
0x59: {  	_ =	shalt  }
0x5a: {  	_ =	shalt  }
0x5b: {  	_ =	shalt  }
0x5c: {  	_ =	shalt  }
0x5d: {  	_ =	shalt  }
0x5e: {  	_ =	shalt  }
0x5f: {  	_ =	shalt  }
0x60: {  	_ =	shalt  }
0x61: {  	_ =	shalt  }
0x62: {  	_ =	shalt  }
0x63: {  	_ =	shalt  }
0x64: {  	_ =	shalt  }
0x65: {  	_ =	shalt  }
0x66: {  	_ =	shalt  }
0x67: {  	_ =	shalt  }
0x68: {  	_ =	shalt  }
0x69: {  	_ =	shalt  }
0x6a: {  	_ =	shalt  }
0x6b: {  	_ =	shalt  }
0x6c: {  	_ =	shalt  }
0x6d: {  	_ =	shalt  }
0x6e: {  	_ =	shalt  }
0x6f: {  	_ =	shalt  }
0x70: {  	_ =	shalt  }
0x71: {  	_ =	shalt  }
0x72: {  	_ =	shalt  }
0x73: {  	_ =	shalt  }
0x74: {  	_ =	shalt  }
0x75: {  	_ =	shalt  }
0x76: {  	_ =	shalt  }
0x77: {  	_ =	shalt  }
0x78: {  	_ =	shalt  }
0x79: {  	_ =	shalt  }
0x7a: {  	_ =	shalt  }
0x7b: {  	_ =	shalt  }
0x7c: {  	_ =	shalt  }
0x7d: {  	_ =	shalt  }
0x7e: {  	_ =	shalt  }
0x7f: {  	_ =	shalt  }
0x80: {  	_ =	shalt  }
0x81: {  	_ =	shalt  }
0x82: {  	_ =	shalt  }
0x83: {  	_ =	shalt  }
0x84: {  	_ =	shalt  }
0x85: {  	_ =	shalt  }
0x86: {  	_ =	shalt  }
0x87: {  	_ =	shalt  }
.Lfunc_end0:
.L_simem_size_0:
called_computation.1_lowered:
.L_overlay_start_0:
0x88: {  	s2 =	sld [smem:$0x3FD9]  }
0x89: {  	s3 =	sld [smem:$0x3FFE];
	_ =	sdelay $0x1  }
0x8a: {  	s1 =	srdreg.scid  }
0x8b: {  	s0 =	sand.u32 $0x1, s1  }
0x8c: {  	s17 =	sshll.u32 s0, $0xA;
	s2 =	sadd.s32 s3, s2  }
0x8d: {  	s2 =	sadd.s32 s2, s17  }
0x8e: {  	[smem:$0x3FC2] =	sst s2  }
0x8f: {  	_ = 	snop  }
0x90: {  	s2 =	sld [smem:$0x3FD0];
	(tm) =	ssettm $0x1  }
0x91: {  	s18 =	sld [smem:$0x3FFB];
	_ =	sdelay $0x3  }
0x92: {  	_ =	strace s18  }
0x93: {  	s3 =	sld [smem:$0x3FFC];
	_ =	sdelay $0x3  }
0x94: {  	_ =	strace s3  }
0x95: {  	s3 =	sld [smem:$0x3FFD];
	_ =	sdelay $0x3  }
0x96: {  	_ =	strace s3  }
0x97: {  	_ =	strace $0x8FFFFFFF  }
0x98: {  	s19 =	sld [smem:$0x3FDB];
	_ =	sdelay $0x1  }
0x99: {  	s4 =	simm.s32 $_scs_section_size  }
0x9a: {  	s5 =	simm.s32 $_size__tile_overlayer_lowered;
	s6 =	simm.s32 $_tile_overlayer_lowered  }
0x9b: {  	s22 =	simm.s32 $0x1BFF;
	s21 =	sshll.u32 s6, $0x1;
	s3 =	sadd.s32 s4, s19  }
0x9c: {  	s7 =	simm.s32 $0x0;
	s20 =	sshll.u32 s5, $0x1;
	s5 =	sadd.s32 s21, s3  }
0x9d: {  	[timem:s7], [sflag:s22] =	dma.local [hbm:s5], s20  }
0x9e: {  	_ =	swait.ge [sflag:s22], s20  }
0x9f: {  	s4 =	ssub.s32 $0x0, s20;
	[sflag:s22] =	ssyncset.done $0x0  }
0xa0: {  	[sflag:s22] =	ssyncadd.s32 s4;
	_ =	sdelay $0x1  }
0xa1: {  	s23 =	simm.s32 $0x1B8B  }
0xa2: {  	_ =	swait.ge [sflag:s23], $0x1  }
0xa3: {  	[sflag:s23] =	ssyncset.done $0x0  }
0xa4: {  	s25 =	simm.s32 $0x1B8E;
	s24 =	sld [smem:$0x3FFE];
	[sflag:s23] =	ssyncadd.s32 $0xFFFFFFFF  }
0xa5: {  	s26 =	simm.s32 $execute0_lowered;
	[smem:$0x3FD2] =	sst s25  }
0xa6: {  	s5 =	sshll.u32 s26, $0x1;
	_ =	strace $0x80000049;
	[dreg:$0x1] =	wrdreg $0xFFFFFFFF  }
0xa7: {  	s28 =	simm.s32 $_size_execute0_lowered;
	s3 =	sadd.s32 s3, s5;
	[dreg:$0x0] =	wrdreg $0x0  }
0xa8: {  	s5 =	sshll.u32 s28, $0x1;
	[dreg:$0x2] =	wrdreg s3  }
0xa9: {  	[dreg:$0x3] =	wrdreg s5  }
0xaa: {  	[dreg:$0x4] =	wrdreg $0xC0  }
0xab: {  	_ =	task [dreg:s7], $0x5FFFF  }
0xac: {  	[dreg:$0x1] =	wrdreg $0xFFFFFFFF  }
0xad: {  	[dreg:$0x0] =	wrdreg $0x60  }
0xae: {  	[dreg:$0x2] =	wrdreg s2  }
0xaf: {  	[dreg:$0x3] =	wrdreg s24  }
0xb0: {  	[dreg:$0x4] =	wrdreg $0xB4000  }
0xb1: {  	[dreg:$0x5] =	wrdreg $0x9  }
0xb2: {  	_ =	task.clear_ibuf [dreg:s7], $0x6FFFF;
	_ =	strace $0x90000049  }
0xb3: {  	s29 =	simm.s32 $0x9;
	_ =	strace $0x8000004B  }
0xb4: {  	_ =	swait.ge [sflag:s29], $0x1  }
0xb5: {  	[sflag:s29] =	ssyncadd.s32 $0xFFFFFFFF  }
0xb6: {  	_ =	strace $0x9000004B  }
0xb7: {  	_ =	sfence  }
0xb8: {  	s30 =	sld [smem:$0x0];
	_ =	sdelay $0x2  }
0xb9: {  	s31 =	sshll.u32 s1, $0xD;
	s1 =	sshrl.u32 s1, $0x2  }
0xba: {  	s3 =	sand.u32 $0x4000, s31;
	s1 =	sadd.s32 s1, s30  }
0xbb: {  	s0 =	sor.u32 s3, s0;
	s1 =	sshll.u32 s1, $0x11  }
0xbc: {  	s0 =	sor.u32 s1, s0  }
0xbd: {  	s0 =	sadd.s32 $0x8F2B, s0  }
0xbe: {  	[sflag:s0] =	ssyncadd.remote.s32 $0x1  }
0xbf: {  	_ =	sfence.sel $0xFFFF  }
0xc0: {  	[dreg:$0x0] =	wrdreg $0xFFFFFFFF;
	(pc) =	sbr.abs _section_cstart, $3  }
0xc1: {  	[dreg:$0x1] =	wrdreg $0xFFFFFFFF  }
0xc2: {  	_ =	task.clear_ibuf [dreg:s7], $0x2FFFF;
	_ =	strace $0x9FFFFFFF  }
0xc3: {  	(tm) =	ssettm $0x7FFFFFFF  }
tec
execute0_lowered:
.L_overlay_start_1:
0x0: {  	(tag) =	ssettag $0x1  }
0x1: {  	s6 =	rddreg [dreg:$0x0]  }
0x2: {  	s5 =	rddreg [dreg:$0x1]  }
0x3: {  	s2 =	rddreg [dreg:$0x2]  }
0x4: {  	s0 =	rddreg [dreg:$0x3]  }
0x5: {  	s1 =	stileid.u32;
	s3 =	simm.s32 $0x0;
	s4 =	srdreg.scid  }
0x6: {  	s15 =	simm.s32 $0x2;
	s16 =	simm.s32 $0x7000;
	s17 =	simm.s32 $0x80  }
0x7: {  	s18 =	simm.s32 $0x7400;
	s19 =	simm.s32 $0x7080;
	s20 =	simm.s32 $0x7100  }
0x8: {  	s21 =	simm.s32 $0x7180;
	s22 =	simm.s32 $0x7200;
	s7 =	smul.u32 $0x30, s1  }
0x9: {  	s23 =	simm.s32 $0x1;
	s8 =	sand.u32 $0x1, s4;
	s4 =	smul.u32 $0x70, s1  }
0xa: {  	s24 =	simm.s32 $0x0;
	[smem:$0x7FF] =	sst s3;
	s30 =	smul.u32 $0x14000, s1  }
0xb: {  	s10 =	sshll.u32 s1, $0x7;
	p0 =	seq.s32 s8, $0x0;
	s9 =	smul.u32 $0x140000, s8  }
0xc: {  	_ =	strace $0x8000004A;
	s8 =	ssub.s32 $0x2, s8;
	s7 =	sadd.s32 $0x700, s7  }
0xd: {  	s10 =	sadd.s32 s10, s5;
	s31 =	sshrl.u32 s8, $0x1;
	s7 =	smov.u32 @p0 s4  }
0xe: {  	s9 =	sadd.s32 s30, s9;
	s4 =	sadd.s32 $0x16E00, s5;
	s14 =	ssub.s32 s8, s31  }
0xf: {  	s8 =	sadd.s32 $0x2600, s10;
	s7 =	sshll.u32 s7, $0x4;
	s9 =	sshrl.u32 s9, $0x3  }
0x10: {  	s11 =	sadd.s32 s7, s5;
	s13 =	sadd.s32 s9, s5;
	s5 =	simm.s32 $0x70  }
0x11: {  	s14 =	smax.u32 s14, $0x1;
	s6 =	sadd.s32 s6, s7;
	s5 =	simm.s32 @!p0 $0x30  }
0x12: {  	s7 =	sadd.s32 $0xCE00, s11;
	s9 =	sadd.s32 $0x3EE00, s13;
	s10 =	sadd.s32 $0x3F600, s13  }
0x13: {  	v0 =	vimm.f32 $0.0e+00;
	s11 =	sadd.s32 $0x3FE00, s13;
	s12 =	sadd.s32 $0x40600, s13;
	s13 =	sadd.s32 $0x40E00, s13  }
.LBB2_1:
0x14: {  	s25 =	sand.u32 $0xFE00, s3  }
0x15: {  	s26 =	sand.u32 $0x70, s3;
	s28 =	sshrl.u32 s25, $0x2  }
0x16: {  	s25 =	simm.s32 $0x40;
	s28 =	sor.u32 s26, s28;
	s26 =	simm.s32 $0x0  }
.LBB2_2:
0x17: {  	p0 =	sne.s32 s25, $0xFFC0  }
0x18: {  	[tilespmem:s28+$0x7400] =	vst v0;
	s26 =	sadd.s32 $0x10, s26;
	s28 =	smov.u32 s25;
	s25 =	sadd.s32 $0x40, s25  }
.Ltmp0:
0x19: {  	(pc) =	sbr.rel @p0 .LBB2_2-.Ltmp0, $4  }
0x1a: {  	_ = 	snop  }
0x1b: {  	s28 =	sand.u32 $0xFE00, s28  }
0x1c: {  	s29 =	sand.u32 $0x70, s26;
	s28 =	sshrl.u32 s28, $0x2  }
0x1d: {  	s28 =	sor.u32 s29, s28  }
0x1e: {  	[tilespmem:s28+$0x7400] =	vst v0;
	s25 =	simm.s32 $0x0  }
0x1f: {  	[tilespmem:s25], [sflag:$0x2] =	stream.linear.gather [hbm4b:s6+s25], $0x3800, $0x38;
	[tilespmem:$0x1F400] =	vst v63  }
0x20: {  	_ =	swait.ge [sflag:s15], $0x3800  }
0x21: {  	[sflag:s15] =	ssyncset.done $0x0  }
0x22: {  	s26 =	simm.s32 $0x3800;
	[sflag:s15] =	ssyncadd.s32 $0xFFFFC800  }
0x23: {  	[tilespmem:s26], [sflag:$0x2] =	stream.linear.gather [hbm4b:s7+s25], $0x3800, $0x38;
	[tilespmem:$0x1F400] =	vst v63  }
0x24: {  	_ =	swait.ge [sflag:s15], $0x3800  }
0x25: {  	[sflag:s15] =	ssyncset.done $0x0  }
0x26: {  	[sflag:s15] =	ssyncadd.s32 $0xFFFFC800  }
0x27: {  	[tilespmem:s16], [sflag:$0x2] =	stream.linear.gather [hbm4b:s8+s25], $0x280, $0x38;
	[tilespmem:$0x1F400] =	vst v63  }
0x28: {  	_ =	swait.ge [sflag:s15], $0x280  }
0x29: {  	[sflag:s15] =	ssyncset.done $0x0  }
0x2a: {  	[sflag:s15] =	ssyncadd.s32 $0xFFFFFD80  }
0x2b: {  	[spmem:s2] =	stream.indirect.scatter [tilespmem:s18], [sflag:$0x2], $0x80, s16, s17, $0xb8;
	[tilespmem:$0x1F400] =	vst v63  }
0x2c: {  	_ =	swait.ge [sflag:s15], $0x4000  }
0x2d: {  	[sflag:s15] =	ssyncset.done $0x0  }
0x2e: {  	[sflag:s15] =	ssyncadd.s32 $0xFFFFC000  }
0x2f: {  	[spmem:s2] =	stream.indirect.scatter [tilespmem:s18], [sflag:$0x2], $0x80, s19, s17, $0xb8;
	[tilespmem:$0x1F400] =	vst v63  }
0x30: {  	_ =	swait.ge [sflag:s15], $0x4000  }
0x31: {  	[sflag:s15] =	ssyncset.done $0x0  }
0x32: {  	[sflag:s15] =	ssyncadd.s32 $0xFFFFC000  }
0x33: {  	[spmem:s2] =	stream.indirect.scatter [tilespmem:s18], [sflag:$0x2], $0x80, s20, s17, $0xb8;
	[tilespmem:$0x1F400] =	vst v63  }
0x34: {  	_ =	swait.ge [sflag:s15], $0x4000  }
0x35: {  	[sflag:s15] =	ssyncset.done $0x0  }
0x36: {  	[sflag:s15] =	ssyncadd.s32 $0xFFFFC000  }
0x37: {  	[spmem:s2] =	stream.indirect.scatter [tilespmem:s18], [sflag:$0x2], $0x80, s21, s17, $0xb8;
	[tilespmem:$0x1F400] =	vst v63  }
0x38: {  	_ =	swait.ge [sflag:s15], $0x4000  }
0x39: {  	[sflag:s15] =	ssyncset.done $0x0  }
0x3a: {  	[sflag:s15] =	ssyncadd.s32 $0xFFFFC000  }
0x3b: {  	[spmem:s2] =	stream.indirect.scatter [tilespmem:s18], [sflag:$0x2], $0x80, s22, s17, $0xb8;
	[tilespmem:$0x1F400] =	vst v63  }
0x3c: {  	_ =	swait.ge [sflag:s15], $0x4000  }
0x3d: {  	[sflag:s15] =	ssyncset.done $0x0  }
0x3e: {  	[sflag:s15] =	ssyncadd.s32 $0xFFFFC000  }
0x3f: {  	[bflag:$0x0] =	sbarrier.arrive $0xFFFF  }
0x40: {  	[tilespmem:s18], [sflag:$0x1] =	stream.indirect.gather [hbm4b:s4+s17], $0x80, s25, s17, $0xb8;
	[tilespmem:$0x1F400] =	vst v63  }
0x41: {  	p0 =	sne.s32 s5, $0x1;
	_ =	swait.ge [sflag:s23], $0x4000  }
.Ltmp1:
0x42: {  	[sflag:s23] =	ssyncset.done $0x0;
	(pc) =	sbr.rel @!p0 .LBB2_5-.Ltmp1, $4  }
0x43: {  	[sflag:s23] =	ssyncadd.s32 $0xFFFFC000  }
0x44: {  	[spmem:s2] =	stream.indirect.scatter.add.f32 [tilespmem:s18], [sflag:$0x2], $0x80, s26, s17, $0xb8;
	[tilespmem:$0x1F400] =	vst v63  }
0x45: {  	_ =	swait.ge [sflag:s15], $0x4000  }
0x46: {  	s28 =	sadd.s32 $0xFFFFFFFF, s5;
	[sflag:s15] =	ssyncset.done $0x0  }
.LBB2_4:
0x47: {  	[sflag:s15] =	ssyncadd.s32 $0xFFFFC000;
	s25 =	sadd.s32 $0x80, s25;
	s26 =	sadd.s32 $0x80, s26  }
0x48: {  	[tilespmem:s18], [sflag:$0x1] =	stream.indirect.gather [hbm4b:s4+s17], $0x80, s25, s17, $0xb8;
	[tilespmem:$0x1F400] =	vst v63  }
0x49: {  	p0 =	sne.s32 s28, $0x1;
	s28 =	sadd.s32 $0xFFFFFFFF, s28;
	_ =	swait.ge [sflag:s23], $0x4000  }
.Ltmp2:
0x4a: {  	[sflag:s23] =	ssyncset.done $0x0;
	(pc) =	sbr.rel @p0 .LBB2_4-.Ltmp2, $4  }
0x4b: {  	[sflag:s23] =	ssyncadd.s32 $0xFFFFC000  }
0x4c: {  	[spmem:s2] =	stream.indirect.scatter.add.f32 [tilespmem:s18], [sflag:$0x2], $0x80, s26, s17, $0xb8;
	[tilespmem:$0x1F400] =	vst v63  }
0x4d: {  	_ =	swait.ge [sflag:s15], $0x4000  }
0x4e: {  	[sflag:s15] =	ssyncset.done $0x0  }
.LBB2_5:
0x4f: {  	[sflag:s15] =	ssyncadd.s32 $0xFFFFC000  }
0x50: {  	[bflag:$0x0] =	sbarrier.arrive $0xFFFF  }
0x51: {  	[tilespmem:s18], [sflag:$0x1] =	stream.indirect.gather [spmem:s2], $0x80, s16, s17, $0xb8;
	[tilespmem:$0x1F400] =	vst v63  }
0x52: {  	_ =	swait.ge [sflag:s23], $0x4000  }
0x53: {  	[sflag:s23] =	ssyncset.done $0x0  }
0x54: {  	[sflag:s23] =	ssyncadd.s32 $0xFFFFC000  }
0x55: {  	[hbm4b:s9+s3] =	stream.linear.scatter [tilespmem:s18], [sflag:$0x2], $0x4000, $0x38;
	[tilespmem:$0x1F400] =	vst v63  }
0x56: {  	_ =	swait.ge [sflag:s15], $0x4000  }
0x57: {  	[sflag:s15] =	ssyncset.done $0x0  }
0x58: {  	[sflag:s15] =	ssyncadd.s32 $0xFFFFC000  }
0x59: {  	[tilespmem:s18], [sflag:$0x1] =	stream.indirect.gather [spmem:s2], $0x80, s19, s17, $0xb8;
	[tilespmem:$0x1F400] =	vst v63  }
0x5a: {  	_ =	swait.ge [sflag:s23], $0x4000  }
0x5b: {  	[sflag:s23] =	ssyncset.done $0x0  }
0x5c: {  	[sflag:s23] =	ssyncadd.s32 $0xFFFFC000  }
0x5d: {  	[hbm4b:s10+s3] =	stream.linear.scatter [tilespmem:s18], [sflag:$0x2], $0x4000, $0x38;
	[tilespmem:$0x1F400] =	vst v63  }
0x5e: {  	_ =	swait.ge [sflag:s15], $0x4000  }
0x5f: {  	[sflag:s15] =	ssyncset.done $0x0  }
0x60: {  	[sflag:s15] =	ssyncadd.s32 $0xFFFFC000  }
0x61: {  	[tilespmem:s18], [sflag:$0x1] =	stream.indirect.gather [spmem:s2], $0x80, s20, s17, $0xb8;
	[tilespmem:$0x1F400] =	vst v63  }
0x62: {  	_ =	swait.ge [sflag:s23], $0x4000  }
0x63: {  	[sflag:s23] =	ssyncset.done $0x0  }
0x64: {  	[sflag:s23] =	ssyncadd.s32 $0xFFFFC000  }
0x65: {  	[hbm4b:s11+s3] =	stream.linear.scatter [tilespmem:s18], [sflag:$0x2], $0x4000, $0x38;
	[tilespmem:$0x1F400] =	vst v63  }
0x66: {  	_ =	swait.ge [sflag:s15], $0x4000  }
0x67: {  	[sflag:s15] =	ssyncset.done $0x0  }
0x68: {  	[sflag:s15] =	ssyncadd.s32 $0xFFFFC000  }
0x69: {  	[tilespmem:s18], [sflag:$0x1] =	stream.indirect.gather [spmem:s2], $0x80, s21, s17, $0xb8;
	[tilespmem:$0x1F400] =	vst v63  }
0x6a: {  	_ =	swait.ge [sflag:s23], $0x4000  }
0x6b: {  	[sflag:s23] =	ssyncset.done $0x0  }
0x6c: {  	[sflag:s23] =	ssyncadd.s32 $0xFFFFC000  }
0x6d: {  	[hbm4b:s12+s3] =	stream.linear.scatter [tilespmem:s18], [sflag:$0x2], $0x4000, $0x38;
	[tilespmem:$0x1F400] =	vst v63  }
0x6e: {  	_ =	swait.ge [sflag:s15], $0x4000  }
0x6f: {  	[sflag:s15] =	ssyncset.done $0x0  }
0x70: {  	[sflag:s15] =	ssyncadd.s32 $0xFFFFC000  }
0x71: {  	[tilespmem:s18], [sflag:$0x1] =	stream.indirect.gather [spmem:s2], $0x80, s22, s17, $0xb8;
	[tilespmem:$0x1F400] =	vst v63  }
0x72: {  	s24 =	sadd.s32 $0x1, s24;
	_ =	swait.ge [sflag:s23], $0x4000  }
0x73: {  	p0 =	sne.s32 s24, s14;
	[sflag:s23] =	ssyncset.done $0x0  }
.Ltmp3:
0x74: {  	[sflag:s23] =	ssyncadd.s32 $0xFFFFC000;
	(pc) =	sbr.rel @p0 .LBB2_1-.Ltmp3, $4  }
0x75: {  	[hbm4b:s13+s3] =	stream.linear.scatter [tilespmem:s18], [sflag:$0x2], $0x4000, $0x38;
	[tilespmem:$0x1F400] =	vst v63  }
0x76: {  	_ =	swait.ge [sflag:s15], $0x4000  }
0x77: {  	[sflag:s15] =	ssyncset.done $0x0  }
0x78: {  	[sflag:s15] =	ssyncadd.s32 $0xFFFFC000  }
0x79: {  	_ =	sfence.sel $0x180000  }
0x7a: {  	[bflag:$0x0] =	sbarrier.arrive $0xFFFF  }
0x7b: {  	p0 =	sne.s32 s1, $0x0;
	_ =	strace $0x9000004A  }
0x7c: {  	s0 =	sadd.s32 @!p0 $0x100000, s0;
	[bflag:$0x2] =	sbarrier.arrive $0xFFFF  }
0x7d: {  	[sflag:s0] =	ssyncadd.tile.s32 @!p0 $0x1;
	_ =	shalt  }
.Lfunc_end2:
_tile_overlayer_lowered:
.L_overlay_start_2:
0x7e: {  	(tag) =	ssettag $0x2  }
0x7f: {  	s0 =	rddreg [dreg:$0x0];
	s2 =	stileid.u32  }
0x80: {  	s1 =	rddreg [dreg:$0x1];
	p0 =	sne.s32 s2, $0x0  }
0x81: {  	s3 =	rddreg [dreg:$0x2];
	[bflag:$0x3] =	sbarrier.arrive $0xFFFF;
	s2 =	simm.s32 @!p0 $0x1C02  }
0x82: {  	[timem:s3], [sflag:s2] =	dma.local @!p0 [hbm:s0], s1  }
0x83: {  	s0 =	simm.s32 @!p0 $0x2  }
0x84: {  	_ =	swait.ge @!p0 [sflag:s0], s1  }
0x85: {  	s1 =	ssub.s32 @!p0 $0x0, s1;
	[sflag:s0] =	ssyncset.done @!p0 $0x0  }
0x86: {  	[sflag:s0] =	ssyncadd.s32 @!p0 s1  }
0x87: {  	[bflag:$0x3] =	sbarrier.arrive $0xFFFF  }
0x88: {  	_ =	shalt  }

// kernel: kernel.14.cloned.1.call-start
scs
__scs_entry_jumppad:
0x0: {  	(pc) =	sbr.rel $0x88, $3  }
0x1: {  	(tag) =	ssettag $0x0;
	lr =	simm.s32 $0x1  }
0x2: {  	[smem:$0x3F9B] =	sst lr;
	_ =	strace $0xD0000000  }
0x3: {  	_ = 	snop  }
0x4: {  	_ = 	snop  }
0x5: {  	_ = 	snop  }
0x6: {  	_ = 	snop  }
0x7: {  	_ = 	snop  }
__scs_overlays_trampoline_lowered:
0x8: {  	[smem:$0x3FAA] =	sst s0  }
0x9: {  	[smem:$0x3FAB] =	sst s1  }
0xa: {  	[smem:$0x3FAC] =	sst s2  }
0xb: {  	[smem:$0x3FAD] =	sst s3  }
0xc: {  	[smem:$0x3FAE] =	sst s4  }
0xd: {  	[smem:$0x3FAF] =	sst s5  }
0xe: {  	[smem:$0x3FB0] =	sst s6  }
0xf: {  	[smem:$0x3FB1] =	sst s7  }
0x10: {  	[smem:$0x3FB2] =	sst s8  }
0x11: {  	[smem:$0x3FB3] =	sst s9;
	s0 =	simm.s32 @!p0 $0x0  }
0x12: {  	s1 =	sld [smem:$0x3F99];
	s0 =	simm.s32 @p0 $0x1  }
0x13: {  	[smem:$0x3FB4] =	sst s0;
	s0 =	simm.s32 @!p1 $0x0  }
0x14: {  	s2 =	sld [smem:$0x3F98];
	s0 =	simm.s32 @p1 $0x1  }
0x15: {  	[smem:$0x3FB5] =	sst s0;
	s0 =	simm.s32 @!p2 $0x0  }
0x16: {  	s3 =	sld [smem:$0x3FDB];
	s0 =	simm.s32 @p2 $0x1  }
0x17: {  	s4 =	simm.s32 $0x1BF5;
	[smem:$0x3FB7] =	sst s0  }
0x18: {  	s0 =	sld [smem:$0x3F9A];
	_ =	swait.ge [sflag:s4], $0x0  }
0x19: {  	s7 =	sld [smem:$0x3F9B]  }
0x1a: {  	s8 =	sadd.s32 $0xFFFFE003, lr  }
0x1b: {  	s9 =	sadd.s32 $0xFFFFFEF7, lr;
	s5 =	simm.s32 $0xFFFFFFFF;
	p2 =	slt.u32 s8, $0xFFFFF086  }
0x1c: {  	p1 =	slt.u32 s9, $0xF7A;
	s5 =	simm.s32 @!p2 $0x0  }
0x1d: {  	s5 =	simm.s32 @p1 $0x1;
	p0 =	seq.s32 s7, s2  }
0x1e: {  	s7 =	smul.u32 @!p0 $0xF7A, s2;
	p2 =	seq.s32 @!p0 s5, $0x0  }
0x1f: {  	s9 =	smul.u32 $0xF7A, s1;
	s8 =	simm.s32 @!p0 $0x1BF5;
	p2 =	por !p2, p0  }
0x20: {  	[sflag:s8] =	ssyncset.s32 @!p0 $0xFFFFF086;
	s6 =	sadd.s32 @!p0 s3, s7;
	s7 =	simm.s32 @!p0 $0x108  }
0x21: {  	s3 =	sadd.s32 s3, s9;
	s6 =	sadd.s32 @!p0 $0x88, s6;
	s7 =	simm.s32 @p2 $0x1082  }
0x22: {  	[simem:s7], [sflag:s8] =	dma.local @!p0 [hbm:s6], $0xF7A  }
0x23: {  	s9 =	sor.u32 $0xD0000000, s2;
	s6 =	simm.s32 $0x108;
	_ =	swait.ge @!p0 [sflag:s8], $0x0  }
0x24: {  	s3 =	sadd.s32 $0x88, s3;
	s6 =	simm.s32 @!p1 $0x1082;
	[sflag:s4] =	ssyncset.s32 $0xFFFFF086  }
0x25: {  	[simem:s6], [sflag:s4] =	dma.local [hbm:s3], $0xF7A  }
0x26: {  	[smem:$0x3F9B] =	sst s1;
	(tag) =	ssettag s2;
	_ =	strace s9  }
0x27: {  	s1 =	sld [smem:$0x3FAB]  }
0x28: {  	s2 =	sld [smem:$0x3FAC]  }
0x29: {  	s4 =	sld [smem:$0x3FAE]  }
0x2a: {  	p0 =	seq.s32 s5, $0x0;
	s5 =	sld [smem:$0x3FAF]  }
0x2b: {  	s6 =	sld [smem:$0x3FB0]  }
0x2c: {  	s7 =	sld [smem:$0x3FB1]  }
0x2d: {  	s3 =	simm.s32 $0x108;
	s8 =	sld [smem:$0x3FB2]  }
0x2e: {  	s3 =	simm.s32 @!p0 $0x1082;
	s9 =	sld [smem:$0x3FB3]  }
0x2f: {  	lr =	sadd.s32 s0, s3;
	s0 =	sld [smem:$0x3FAA]  }
0x30: {  	s3 =	sld [smem:$0x3FAD]  }
0x31: {  	[smem:$0x3FB6] =	sst s10  }
0x32: {  	s10 =	sld [smem:$0x3FB4];
	_ =	sdelay $0x3  }
0x33: {  	p0 =	seq.s32 s10, $0x1;
	s10 =	sld [smem:$0x3FB6];
	_ =	sdelay $0x3  }
0x34: {  	[smem:$0x3FB6] =	sst s10  }
0x35: {  	s10 =	sld [smem:$0x3FB5];
	_ =	sdelay $0x3  }
0x36: {  	p1 =	seq.s32 s10, $0x1;
	s10 =	sld [smem:$0x3FB6];
	_ =	sdelay $0x3  }
0x37: {  	[smem:$0x3FB6] =	sst s10  }
0x38: {  	s10 =	sld [smem:$0x3FB7]  }
0x39: {  	_ = 	snop;
	(pc) =	sbr.ind lr, $3  }
0x3a: {  	_ = 	snop  }
0x3b: {  	_ = 	snop  }
0x3c: {  	p2 =	seq.s32 s10, $0x1;
	s10 =	sld [smem:$0x3FB6]  }
0x3d: {  	_ =	shalt  }
0x3e: {  	_ =	shalt  }
0x3f: {  	_ =	shalt  }
0x40: {  	_ =	shalt  }
0x41: {  	_ =	shalt  }
0x42: {  	_ =	shalt  }
0x43: {  	_ =	shalt  }
0x44: {  	_ =	shalt  }
0x45: {  	_ =	shalt  }
0x46: {  	_ =	shalt  }
0x47: {  	_ =	shalt  }
0x48: {  	_ =	shalt  }
0x49: {  	_ =	shalt  }
0x4a: {  	_ =	shalt  }
0x4b: {  	_ =	shalt  }
0x4c: {  	_ =	shalt  }
0x4d: {  	_ =	shalt  }
0x4e: {  	_ =	shalt  }
0x4f: {  	_ =	shalt  }
0x50: {  	_ =	shalt  }
0x51: {  	_ =	shalt  }
0x52: {  	_ =	shalt  }
0x53: {  	_ =	shalt  }
0x54: {  	_ =	shalt  }
0x55: {  	_ =	shalt  }
0x56: {  	_ =	shalt  }
0x57: {  	_ =	shalt  }
0x58: {  	_ =	shalt  }
0x59: {  	_ =	shalt  }
0x5a: {  	_ =	shalt  }
0x5b: {  	_ =	shalt  }
0x5c: {  	_ =	shalt  }
0x5d: {  	_ =	shalt  }
0x5e: {  	_ =	shalt  }
0x5f: {  	_ =	shalt  }
0x60: {  	_ =	shalt  }
0x61: {  	_ =	shalt  }
0x62: {  	_ =	shalt  }
0x63: {  	_ =	shalt  }
0x64: {  	_ =	shalt  }
0x65: {  	_ =	shalt  }
0x66: {  	_ =	shalt  }
0x67: {  	_ =	shalt  }
0x68: {  	_ =	shalt  }
0x69: {  	_ =	shalt  }
0x6a: {  	_ =	shalt  }
0x6b: {  	_ =	shalt  }
0x6c: {  	_ =	shalt  }
0x6d: {  	_ =	shalt  }
0x6e: {  	_ =	shalt  }
0x6f: {  	_ =	shalt  }
0x70: {  	_ =	shalt  }
0x71: {  	_ =	shalt  }
0x72: {  	_ =	shalt  }
0x73: {  	_ =	shalt  }
0x74: {  	_ =	shalt  }
0x75: {  	_ =	shalt  }
0x76: {  	_ =	shalt  }
0x77: {  	_ =	shalt  }
0x78: {  	_ =	shalt  }
0x79: {  	_ =	shalt  }
0x7a: {  	_ =	shalt  }
0x7b: {  	_ =	shalt  }
0x7c: {  	_ =	shalt  }
0x7d: {  	_ =	shalt  }
0x7e: {  	_ =	shalt  }
0x7f: {  	_ =	shalt  }
0x80: {  	_ =	shalt  }
0x81: {  	_ =	shalt  }
0x82: {  	_ =	shalt  }
0x83: {  	_ =	shalt  }
0x84: {  	_ =	shalt  }
0x85: {  	_ =	shalt  }
0x86: {  	_ =	shalt  }
0x87: {  	_ =	shalt  }
.Lfunc_end0:
.L_simem_size_0:
called_computation.2_lowered:
.L_overlay_start_0:
0x88: {  	s2 =	sld [smem:$0x3FD9]  }
0x89: {  	s3 =	sld [smem:$0x3FFE];
	_ =	sdelay $0x1  }
0x8a: {  	s1 =	srdreg.scid  }
0x8b: {  	s0 =	sand.u32 $0x1, s1  }
0x8c: {  	s17 =	sshll.u32 s0, $0xA;
	s2 =	sadd.s32 s3, s2  }
0x8d: {  	s2 =	sadd.s32 s2, s17  }
0x8e: {  	[smem:$0x3FC2] =	sst s2  }
0x8f: {  	_ = 	snop  }
0x90: {  	s2 =	sld [smem:$0x3FD0];
	(tm) =	ssettm $0x1  }
0x91: {  	s18 =	sld [smem:$0x3FFB];
	_ =	sdelay $0x3  }
0x92: {  	_ =	strace s18  }
0x93: {  	s3 =	sld [smem:$0x3FFC];
	_ =	sdelay $0x3  }
0x94: {  	_ =	strace s3  }
0x95: {  	s3 =	sld [smem:$0x3FFD];
	_ =	sdelay $0x3  }
0x96: {  	_ =	strace s3  }
0x97: {  	_ =	strace $0x8FFFFFFF  }
0x98: {  	s19 =	sld [smem:$0x3FDB];
	_ =	sdelay $0x1  }
0x99: {  	s4 =	simm.s32 $_scs_section_size  }
0x9a: {  	s5 =	simm.s32 $_size__tile_overlayer_lowered;
	s6 =	simm.s32 $_tile_overlayer_lowered  }
0x9b: {  	s22 =	simm.s32 $0x1BFF;
	s21 =	sshll.u32 s6, $0x1;
	s3 =	sadd.s32 s4, s19  }
0x9c: {  	s7 =	simm.s32 $0x0;
	s20 =	sshll.u32 s5, $0x1;
	s5 =	sadd.s32 s21, s3  }
0x9d: {  	[timem:s7], [sflag:s22] =	dma.local [hbm:s5], s20  }
0x9e: {  	_ =	swait.ge [sflag:s22], s20  }
0x9f: {  	s4 =	ssub.s32 $0x0, s20;
	[sflag:s22] =	ssyncset.done $0x0  }
0xa0: {  	[sflag:s22] =	ssyncadd.s32 s4;
	_ =	sdelay $0x1  }
0xa1: {  	s23 =	simm.s32 $0x1B8B  }
0xa2: {  	_ =	swait.ge [sflag:s23], $0x1  }
0xa3: {  	[sflag:s23] =	ssyncset.done $0x0  }
0xa4: {  	s25 =	simm.s32 $0x1B8E;
	s24 =	sld [smem:$0x3FFE];
	[sflag:s23] =	ssyncadd.s32 $0xFFFFFFFF  }
0xa5: {  	s26 =	simm.s32 $execute0_lowered;
	[smem:$0x3FD2] =	sst s25  }
0xa6: {  	s5 =	sshll.u32 s26, $0x1;
	_ =	strace $0x8000004C;
	[dreg:$0x1] =	wrdreg $0xFFFFFFFF  }
0xa7: {  	s28 =	simm.s32 $_size_execute0_lowered;
	s3 =	sadd.s32 s3, s5;
	[dreg:$0x0] =	wrdreg $0x0  }
0xa8: {  	s5 =	sshll.u32 s28, $0x1;
	[dreg:$0x2] =	wrdreg s3  }
0xa9: {  	[dreg:$0x3] =	wrdreg s5  }
0xaa: {  	[dreg:$0x4] =	wrdreg $0xC0  }
0xab: {  	_ =	task [dreg:s7], $0x5FFFF  }
0xac: {  	[dreg:$0x1] =	wrdreg $0xFFFFFFFF  }
0xad: {  	[dreg:$0x0] =	wrdreg $0x60  }
0xae: {  	[dreg:$0x2] =	wrdreg s2  }
0xaf: {  	[dreg:$0x3] =	wrdreg s24  }
0xb0: {  	[dreg:$0x4] =	wrdreg $0xB4000  }
0xb1: {  	[dreg:$0x5] =	wrdreg $0x9  }
0xb2: {  	_ =	task.clear_ibuf [dreg:s7], $0x6FFFF;
	_ =	strace $0x9000004C  }
0xb3: {  	s29 =	simm.s32 $0x9;
	_ =	strace $0x8000004E  }
0xb4: {  	_ =	swait.ge [sflag:s29], $0x1  }
0xb5: {  	[sflag:s29] =	ssyncadd.s32 $0xFFFFFFFF  }
0xb6: {  	_ =	strace $0x9000004E  }
0xb7: {  	_ =	sfence  }
0xb8: {  	s30 =	sld [smem:$0x0];
	_ =	sdelay $0x2  }
0xb9: {  	s31 =	sshll.u32 s1, $0xD;
	s1 =	sshrl.u32 s1, $0x2  }
0xba: {  	s3 =	sand.u32 $0x4000, s31;
	s1 =	sadd.s32 s1, s30  }
0xbb: {  	s0 =	sor.u32 s3, s0;
	s1 =	sshll.u32 s1, $0x11  }
0xbc: {  	s0 =	sor.u32 s1, s0  }
0xbd: {  	s0 =	sadd.s32 $0x8F2B, s0  }
0xbe: {  	[sflag:s0] =	ssyncadd.remote.s32 $0x1  }
0xbf: {  	_ =	sfence.sel $0xFFFF  }
0xc0: {  	[dreg:$0x0] =	wrdreg $0xFFFFFFFF;
	(pc) =	sbr.abs _section_cstart, $3  }
0xc1: {  	[dreg:$0x1] =	wrdreg $0xFFFFFFFF  }
0xc2: {  	_ =	task.clear_ibuf [dreg:s7], $0x2FFFF;
	_ =	strace $0x9FFFFFFF  }
0xc3: {  	(tm) =	ssettm $0x7FFFFFFF  }
tec
execute0_lowered:
.L_overlay_start_1:
0x0: {  	(tag) =	ssettag $0x1  }
0x1: {  	s6 =	rddreg [dreg:$0x0]  }
0x2: {  	s5 =	rddreg [dreg:$0x1]  }
0x3: {  	s2 =	rddreg [dreg:$0x2]  }
0x4: {  	s0 =	rddreg [dreg:$0x3]  }
0x5: {  	s1 =	stileid.u32;
	s3 =	simm.s32 $0x0;
	s4 =	srdreg.scid  }
0x6: {  	s15 =	simm.s32 $0x2;
	s16 =	simm.s32 $0x7000;
	s17 =	simm.s32 $0x80  }
0x7: {  	s18 =	simm.s32 $0x7400;
	s19 =	simm.s32 $0x7080;
	s20 =	simm.s32 $0x7100  }
0x8: {  	s21 =	simm.s32 $0x7180;
	s22 =	simm.s32 $0x7200;
	s7 =	smul.u32 $0x30, s1  }
0x9: {  	s23 =	simm.s32 $0x1;
	s8 =	sand.u32 $0x1, s4;
	s4 =	smul.u32 $0x70, s1  }
0xa: {  	s24 =	simm.s32 $0x0;
	[smem:$0x7FF] =	sst s3;
	s30 =	smul.u32 $0x14000, s1  }
0xb: {  	s10 =	sshll.u32 s1, $0x7;
	p0 =	seq.s32 s8, $0x0;
	s9 =	smul.u32 $0x140000, s8  }
0xc: {  	_ =	strace $0x8000004D;
	s8 =	ssub.s32 $0x2, s8;
	s7 =	sadd.s32 $0x700, s7  }
0xd: {  	s10 =	sadd.s32 s10, s5;
	s31 =	sshrl.u32 s8, $0x1;
	s7 =	smov.u32 @p0 s4  }
0xe: {  	s9 =	sadd.s32 s30, s9;
	s4 =	sadd.s32 $0x16E00, s5;
	s14 =	ssub.s32 s8, s31  }
0xf: {  	s8 =	sadd.s32 $0x2600, s10;
	s7 =	sshll.u32 s7, $0x4;
	s9 =	sshrl.u32 s9, $0x3  }
0x10: {  	s11 =	sadd.s32 s7, s5;
	s13 =	sadd.s32 s9, s5;
	s5 =	simm.s32 $0x70  }
0x11: {  	s14 =	smax.u32 s14, $0x1;
	s6 =	sadd.s32 s6, s7;
	s5 =	simm.s32 @!p0 $0x30  }
0x12: {  	s7 =	sadd.s32 $0xCE00, s11;
	s9 =	sadd.s32 $0x3EE00, s13;
	s10 =	sadd.s32 $0x3F600, s13  }
0x13: {  	v0 =	vimm.f32 $0.0e+00;
	s11 =	sadd.s32 $0x3FE00, s13;
	s12 =	sadd.s32 $0x40600, s13;
	s13 =	sadd.s32 $0x40E00, s13  }
.LBB2_1:
0x14: {  	s25 =	sand.u32 $0xFE00, s3  }
0x15: {  	s26 =	sand.u32 $0x70, s3;
	s28 =	sshrl.u32 s25, $0x2  }
0x16: {  	s25 =	simm.s32 $0x40;
	s28 =	sor.u32 s26, s28;
	s26 =	simm.s32 $0x0  }
.LBB2_2:
0x17: {  	p0 =	sne.s32 s25, $0xFFC0  }
0x18: {  	[tilespmem:s28+$0x7400] =	vst v0;
	s26 =	sadd.s32 $0x10, s26;
	s28 =	smov.u32 s25;
	s25 =	sadd.s32 $0x40, s25  }
.Ltmp0:
0x19: {  	(pc) =	sbr.rel @p0 .LBB2_2-.Ltmp0, $4  }
0x1a: {  	_ = 	snop  }
0x1b: {  	s28 =	sand.u32 $0xFE00, s28  }
0x1c: {  	s29 =	sand.u32 $0x70, s26;
	s28 =	sshrl.u32 s28, $0x2  }
0x1d: {  	s28 =	sor.u32 s29, s28  }
0x1e: {  	[tilespmem:s28+$0x7400] =	vst v0;
	s25 =	simm.s32 $0x0  }
0x1f: {  	[tilespmem:s25], [sflag:$0x2] =	stream.linear.gather [hbm4b:s6+s25], $0x3800, $0x38;
	[tilespmem:$0x1F400] =	vst v63  }
0x20: {  	_ =	swait.ge [sflag:s15], $0x3800  }
0x21: {  	[sflag:s15] =	ssyncset.done $0x0  }
0x22: {  	s26 =	simm.s32 $0x3800;
	[sflag:s15] =	ssyncadd.s32 $0xFFFFC800  }
0x23: {  	[tilespmem:s26], [sflag:$0x2] =	stream.linear.gather [hbm4b:s7+s25], $0x3800, $0x38;
	[tilespmem:$0x1F400] =	vst v63  }
0x24: {  	_ =	swait.ge [sflag:s15], $0x3800  }
0x25: {  	[sflag:s15] =	ssyncset.done $0x0  }
0x26: {  	[sflag:s15] =	ssyncadd.s32 $0xFFFFC800  }
0x27: {  	[tilespmem:s16], [sflag:$0x2] =	stream.linear.gather [hbm4b:s8+s25], $0x280, $0x38;
	[tilespmem:$0x1F400] =	vst v63  }
0x28: {  	_ =	swait.ge [sflag:s15], $0x280  }
0x29: {  	[sflag:s15] =	ssyncset.done $0x0  }
0x2a: {  	[sflag:s15] =	ssyncadd.s32 $0xFFFFFD80  }
0x2b: {  	[spmem:s2] =	stream.indirect.scatter [tilespmem:s18], [sflag:$0x2], $0x80, s16, s17, $0xb8;
	[tilespmem:$0x1F400] =	vst v63  }
0x2c: {  	_ =	swait.ge [sflag:s15], $0x4000  }
0x2d: {  	[sflag:s15] =	ssyncset.done $0x0  }
0x2e: {  	[sflag:s15] =	ssyncadd.s32 $0xFFFFC000  }
0x2f: {  	[spmem:s2] =	stream.indirect.scatter [tilespmem:s18], [sflag:$0x2], $0x80, s19, s17, $0xb8;
	[tilespmem:$0x1F400] =	vst v63  }
0x30: {  	_ =	swait.ge [sflag:s15], $0x4000  }
0x31: {  	[sflag:s15] =	ssyncset.done $0x0  }
0x32: {  	[sflag:s15] =	ssyncadd.s32 $0xFFFFC000  }
0x33: {  	[spmem:s2] =	stream.indirect.scatter [tilespmem:s18], [sflag:$0x2], $0x80, s20, s17, $0xb8;
	[tilespmem:$0x1F400] =	vst v63  }
0x34: {  	_ =	swait.ge [sflag:s15], $0x4000  }
0x35: {  	[sflag:s15] =	ssyncset.done $0x0  }
0x36: {  	[sflag:s15] =	ssyncadd.s32 $0xFFFFC000  }
0x37: {  	[spmem:s2] =	stream.indirect.scatter [tilespmem:s18], [sflag:$0x2], $0x80, s21, s17, $0xb8;
	[tilespmem:$0x1F400] =	vst v63  }
0x38: {  	_ =	swait.ge [sflag:s15], $0x4000  }
0x39: {  	[sflag:s15] =	ssyncset.done $0x0  }
0x3a: {  	[sflag:s15] =	ssyncadd.s32 $0xFFFFC000  }
0x3b: {  	[spmem:s2] =	stream.indirect.scatter [tilespmem:s18], [sflag:$0x2], $0x80, s22, s17, $0xb8;
	[tilespmem:$0x1F400] =	vst v63  }
0x3c: {  	_ =	swait.ge [sflag:s15], $0x4000  }
0x3d: {  	[sflag:s15] =	ssyncset.done $0x0  }
0x3e: {  	[sflag:s15] =	ssyncadd.s32 $0xFFFFC000  }
0x3f: {  	[bflag:$0x0] =	sbarrier.arrive $0xFFFF  }
0x40: {  	[tilespmem:s18], [sflag:$0x1] =	stream.indirect.gather [hbm4b:s4+s17], $0x80, s25, s17, $0xb8;
	[tilespmem:$0x1F400] =	vst v63  }
0x41: {  	p0 =	sne.s32 s5, $0x1;
	_ =	swait.ge [sflag:s23], $0x4000  }
.Ltmp1:
0x42: {  	[sflag:s23] =	ssyncset.done $0x0;
	(pc) =	sbr.rel @!p0 .LBB2_5-.Ltmp1, $4  }
0x43: {  	[sflag:s23] =	ssyncadd.s32 $0xFFFFC000  }
0x44: {  	[spmem:s2] =	stream.indirect.scatter.add.f32 [tilespmem:s18], [sflag:$0x2], $0x80, s26, s17, $0xb8;
	[tilespmem:$0x1F400] =	vst v63  }
0x45: {  	_ =	swait.ge [sflag:s15], $0x4000  }
0x46: {  	s28 =	sadd.s32 $0xFFFFFFFF, s5;
	[sflag:s15] =	ssyncset.done $0x0  }
.LBB2_4:
0x47: {  	[sflag:s15] =	ssyncadd.s32 $0xFFFFC000;
	s25 =	sadd.s32 $0x80, s25;
	s26 =	sadd.s32 $0x80, s26  }
0x48: {  	[tilespmem:s18], [sflag:$0x1] =	stream.indirect.gather [hbm4b:s4+s17], $0x80, s25, s17, $0xb8;
	[tilespmem:$0x1F400] =	vst v63  }
0x49: {  	p0 =	sne.s32 s28, $0x1;
	s28 =	sadd.s32 $0xFFFFFFFF, s28;
	_ =	swait.ge [sflag:s23], $0x4000  }
.Ltmp2:
0x4a: {  	[sflag:s23] =	ssyncset.done $0x0;
	(pc) =	sbr.rel @p0 .LBB2_4-.Ltmp2, $4  }
0x4b: {  	[sflag:s23] =	ssyncadd.s32 $0xFFFFC000  }
0x4c: {  	[spmem:s2] =	stream.indirect.scatter.add.f32 [tilespmem:s18], [sflag:$0x2], $0x80, s26, s17, $0xb8;
	[tilespmem:$0x1F400] =	vst v63  }
0x4d: {  	_ =	swait.ge [sflag:s15], $0x4000  }
0x4e: {  	[sflag:s15] =	ssyncset.done $0x0  }
.LBB2_5:
0x4f: {  	[sflag:s15] =	ssyncadd.s32 $0xFFFFC000  }
0x50: {  	[bflag:$0x0] =	sbarrier.arrive $0xFFFF  }
0x51: {  	[tilespmem:s18], [sflag:$0x1] =	stream.indirect.gather [spmem:s2], $0x80, s16, s17, $0xb8;
	[tilespmem:$0x1F400] =	vst v63  }
0x52: {  	_ =	swait.ge [sflag:s23], $0x4000  }
0x53: {  	[sflag:s23] =	ssyncset.done $0x0  }
0x54: {  	[sflag:s23] =	ssyncadd.s32 $0xFFFFC000  }
0x55: {  	[hbm4b:s9+s3] =	stream.linear.scatter [tilespmem:s18], [sflag:$0x2], $0x4000, $0x38;
	[tilespmem:$0x1F400] =	vst v63  }
0x56: {  	_ =	swait.ge [sflag:s15], $0x4000  }
0x57: {  	[sflag:s15] =	ssyncset.done $0x0  }
0x58: {  	[sflag:s15] =	ssyncadd.s32 $0xFFFFC000  }
0x59: {  	[tilespmem:s18], [sflag:$0x1] =	stream.indirect.gather [spmem:s2], $0x80, s19, s17, $0xb8;
	[tilespmem:$0x1F400] =	vst v63  }
0x5a: {  	_ =	swait.ge [sflag:s23], $0x4000  }
0x5b: {  	[sflag:s23] =	ssyncset.done $0x0  }
0x5c: {  	[sflag:s23] =	ssyncadd.s32 $0xFFFFC000  }
0x5d: {  	[hbm4b:s10+s3] =	stream.linear.scatter [tilespmem:s18], [sflag:$0x2], $0x4000, $0x38;
	[tilespmem:$0x1F400] =	vst v63  }
0x5e: {  	_ =	swait.ge [sflag:s15], $0x4000  }
0x5f: {  	[sflag:s15] =	ssyncset.done $0x0  }
0x60: {  	[sflag:s15] =	ssyncadd.s32 $0xFFFFC000  }
0x61: {  	[tilespmem:s18], [sflag:$0x1] =	stream.indirect.gather [spmem:s2], $0x80, s20, s17, $0xb8;
	[tilespmem:$0x1F400] =	vst v63  }
0x62: {  	_ =	swait.ge [sflag:s23], $0x4000  }
0x63: {  	[sflag:s23] =	ssyncset.done $0x0  }
0x64: {  	[sflag:s23] =	ssyncadd.s32 $0xFFFFC000  }
0x65: {  	[hbm4b:s11+s3] =	stream.linear.scatter [tilespmem:s18], [sflag:$0x2], $0x4000, $0x38;
	[tilespmem:$0x1F400] =	vst v63  }
0x66: {  	_ =	swait.ge [sflag:s15], $0x4000  }
0x67: {  	[sflag:s15] =	ssyncset.done $0x0  }
0x68: {  	[sflag:s15] =	ssyncadd.s32 $0xFFFFC000  }
0x69: {  	[tilespmem:s18], [sflag:$0x1] =	stream.indirect.gather [spmem:s2], $0x80, s21, s17, $0xb8;
	[tilespmem:$0x1F400] =	vst v63  }
0x6a: {  	_ =	swait.ge [sflag:s23], $0x4000  }
0x6b: {  	[sflag:s23] =	ssyncset.done $0x0  }
0x6c: {  	[sflag:s23] =	ssyncadd.s32 $0xFFFFC000  }
0x6d: {  	[hbm4b:s12+s3] =	stream.linear.scatter [tilespmem:s18], [sflag:$0x2], $0x4000, $0x38;
	[tilespmem:$0x1F400] =	vst v63  }
0x6e: {  	_ =	swait.ge [sflag:s15], $0x4000  }
0x6f: {  	[sflag:s15] =	ssyncset.done $0x0  }
0x70: {  	[sflag:s15] =	ssyncadd.s32 $0xFFFFC000  }
0x71: {  	[tilespmem:s18], [sflag:$0x1] =	stream.indirect.gather [spmem:s2], $0x80, s22, s17, $0xb8;
	[tilespmem:$0x1F400] =	vst v63  }
0x72: {  	s24 =	sadd.s32 $0x1, s24;
	_ =	swait.ge [sflag:s23], $0x4000  }
0x73: {  	p0 =	sne.s32 s24, s14;
	[sflag:s23] =	ssyncset.done $0x0  }
.Ltmp3:
0x74: {  	[sflag:s23] =	ssyncadd.s32 $0xFFFFC000;
	(pc) =	sbr.rel @p0 .LBB2_1-.Ltmp3, $4  }
0x75: {  	[hbm4b:s13+s3] =	stream.linear.scatter [tilespmem:s18], [sflag:$0x2], $0x4000, $0x38;
	[tilespmem:$0x1F400] =	vst v63  }
0x76: {  	_ =	swait.ge [sflag:s15], $0x4000  }
0x77: {  	[sflag:s15] =	ssyncset.done $0x0  }
0x78: {  	[sflag:s15] =	ssyncadd.s32 $0xFFFFC000  }
0x79: {  	_ =	sfence.sel $0x180000  }
0x7a: {  	[bflag:$0x0] =	sbarrier.arrive $0xFFFF  }
0x7b: {  	p0 =	sne.s32 s1, $0x0;
	_ =	strace $0x9000004D  }
0x7c: {  	s0 =	sadd.s32 @!p0 $0x100000, s0;
	[bflag:$0x2] =	sbarrier.arrive $0xFFFF  }
0x7d: {  	[sflag:s0] =	ssyncadd.tile.s32 @!p0 $0x1;
	_ =	shalt  }
.Lfunc_end2:
_tile_overlayer_lowered:
.L_overlay_start_2:
0x7e: {  	(tag) =	ssettag $0x2  }
0x7f: {  	s0 =	rddreg [dreg:$0x0];
	s2 =	stileid.u32  }
0x80: {  	s1 =	rddreg [dreg:$0x1];
	p0 =	sne.s32 s2, $0x0  }
0x81: {  	s3 =	rddreg [dreg:$0x2];
	[bflag:$0x3] =	sbarrier.arrive $0xFFFF;
	s2 =	simm.s32 @!p0 $0x1C02  }
0x82: {  	[timem:s3], [sflag:s2] =	dma.local @!p0 [hbm:s0], s1  }
0x83: {  	s0 =	simm.s32 @!p0 $0x2  }
0x84: {  	_ =	swait.ge @!p0 [sflag:s0], s1  }
0x85: {  	s1 =	ssub.s32 @!p0 $0x0, s1;
	[sflag:s0] =	ssyncset.done @!p0 $0x0  }
0x86: {  	[sflag:s0] =	ssyncadd.s32 @!p0 s1  }
0x87: {  	[bflag:$0x3] =	sbarrier.arrive $0xFFFF  }
0x88: {  	_ =	shalt  }

// kernel: kernel.8.cloned.1.call-start
scs
__scs_entry_jumppad:
0x0: {  	(pc) =	sbr.rel $0x88, $3  }
0x1: {  	(tag) =	ssettag $0x0;
	lr =	simm.s32 $0x1  }
0x2: {  	[smem:$0x3F9B] =	sst lr;
	_ =	strace $0xD0000000  }
0x3: {  	_ = 	snop  }
0x4: {  	_ = 	snop  }
0x5: {  	_ = 	snop  }
0x6: {  	_ = 	snop  }
0x7: {  	_ = 	snop  }
__scs_overlays_trampoline_lowered:
0x8: {  	[smem:$0x3FAA] =	sst s0  }
0x9: {  	[smem:$0x3FAB] =	sst s1  }
0xa: {  	[smem:$0x3FAC] =	sst s2  }
0xb: {  	[smem:$0x3FAD] =	sst s3  }
0xc: {  	[smem:$0x3FAE] =	sst s4  }
0xd: {  	[smem:$0x3FAF] =	sst s5  }
0xe: {  	[smem:$0x3FB0] =	sst s6  }
0xf: {  	[smem:$0x3FB1] =	sst s7  }
0x10: {  	[smem:$0x3FB2] =	sst s8  }
0x11: {  	[smem:$0x3FB3] =	sst s9;
	s0 =	simm.s32 @!p0 $0x0  }
0x12: {  	s1 =	sld [smem:$0x3F99];
	s0 =	simm.s32 @p0 $0x1  }
0x13: {  	[smem:$0x3FB4] =	sst s0;
	s0 =	simm.s32 @!p1 $0x0  }
0x14: {  	s2 =	sld [smem:$0x3F98];
	s0 =	simm.s32 @p1 $0x1  }
0x15: {  	[smem:$0x3FB5] =	sst s0;
	s0 =	simm.s32 @!p2 $0x0  }
0x16: {  	s3 =	sld [smem:$0x3FDB];
	s0 =	simm.s32 @p2 $0x1  }
0x17: {  	s4 =	simm.s32 $0x1BF5;
	[smem:$0x3FB7] =	sst s0  }
0x18: {  	s0 =	sld [smem:$0x3F9A];
	_ =	swait.ge [sflag:s4], $0x0  }
0x19: {  	s7 =	sld [smem:$0x3F9B]  }
0x1a: {  	s8 =	sadd.s32 $0xFFFFE003, lr  }
0x1b: {  	s9 =	sadd.s32 $0xFFFFFEF7, lr;
	s5 =	simm.s32 $0xFFFFFFFF;
	p2 =	slt.u32 s8, $0xFFFFF086  }
0x1c: {  	p1 =	slt.u32 s9, $0xF7A;
	s5 =	simm.s32 @!p2 $0x0  }
0x1d: {  	s5 =	simm.s32 @p1 $0x1;
	p0 =	seq.s32 s7, s2  }
0x1e: {  	s7 =	smul.u32 @!p0 $0xF7A, s2;
	p2 =	seq.s32 @!p0 s5, $0x0  }
0x1f: {  	s9 =	smul.u32 $0xF7A, s1;
	s8 =	simm.s32 @!p0 $0x1BF5;
	p2 =	por !p2, p0  }
0x20: {  	[sflag:s8] =	ssyncset.s32 @!p0 $0xFFFFF086;
	s6 =	sadd.s32 @!p0 s3, s7;
	s7 =	simm.s32 @!p0 $0x108  }
0x21: {  	s3 =	sadd.s32 s3, s9;
	s6 =	sadd.s32 @!p0 $0x88, s6;
	s7 =	simm.s32 @p2 $0x1082  }
0x22: {  	[simem:s7], [sflag:s8] =	dma.local @!p0 [hbm:s6], $0xF7A  }
0x23: {  	s9 =	sor.u32 $0xD0000000, s2;
	s6 =	simm.s32 $0x108;
	_ =	swait.ge @!p0 [sflag:s8], $0x0  }
0x24: {  	s3 =	sadd.s32 $0x88, s3;
	s6 =	simm.s32 @!p1 $0x1082;
	[sflag:s4] =	ssyncset.s32 $0xFFFFF086  }
0x25: {  	[simem:s6], [sflag:s4] =	dma.local [hbm:s3], $0xF7A  }
0x26: {  	[smem:$0x3F9B] =	sst s1;
	(tag) =	ssettag s2;
	_ =	strace s9  }
0x27: {  	s1 =	sld [smem:$0x3FAB]  }
0x28: {  	s2 =	sld [smem:$0x3FAC]  }
0x29: {  	s4 =	sld [smem:$0x3FAE]  }
0x2a: {  	p0 =	seq.s32 s5, $0x0;
	s5 =	sld [smem:$0x3FAF]  }
0x2b: {  	s6 =	sld [smem:$0x3FB0]  }
0x2c: {  	s7 =	sld [smem:$0x3FB1]  }
0x2d: {  	s3 =	simm.s32 $0x108;
	s8 =	sld [smem:$0x3FB2]  }
0x2e: {  	s3 =	simm.s32 @!p0 $0x1082;
	s9 =	sld [smem:$0x3FB3]  }
0x2f: {  	lr =	sadd.s32 s0, s3;
	s0 =	sld [smem:$0x3FAA]  }
0x30: {  	s3 =	sld [smem:$0x3FAD]  }
0x31: {  	[smem:$0x3FB6] =	sst s10  }
0x32: {  	s10 =	sld [smem:$0x3FB4];
	_ =	sdelay $0x3  }
0x33: {  	p0 =	seq.s32 s10, $0x1;
	s10 =	sld [smem:$0x3FB6];
	_ =	sdelay $0x3  }
0x34: {  	[smem:$0x3FB6] =	sst s10  }
0x35: {  	s10 =	sld [smem:$0x3FB5];
	_ =	sdelay $0x3  }
0x36: {  	p1 =	seq.s32 s10, $0x1;
	s10 =	sld [smem:$0x3FB6];
	_ =	sdelay $0x3  }
0x37: {  	[smem:$0x3FB6] =	sst s10  }
0x38: {  	s10 =	sld [smem:$0x3FB7]  }
0x39: {  	_ = 	snop;
	(pc) =	sbr.ind lr, $3  }
0x3a: {  	_ = 	snop  }
0x3b: {  	_ = 	snop  }
0x3c: {  	p2 =	seq.s32 s10, $0x1;
	s10 =	sld [smem:$0x3FB6]  }
0x3d: {  	_ =	shalt  }
0x3e: {  	_ =	shalt  }
0x3f: {  	_ =	shalt  }
0x40: {  	_ =	shalt  }
0x41: {  	_ =	shalt  }
0x42: {  	_ =	shalt  }
0x43: {  	_ =	shalt  }
0x44: {  	_ =	shalt  }
0x45: {  	_ =	shalt  }
0x46: {  	_ =	shalt  }
0x47: {  	_ =	shalt  }
0x48: {  	_ =	shalt  }
0x49: {  	_ =	shalt  }
0x4a: {  	_ =	shalt  }
0x4b: {  	_ =	shalt  }
0x4c: {  	_ =	shalt  }
0x4d: {  	_ =	shalt  }
0x4e: {  	_ =	shalt  }
0x4f: {  	_ =	shalt  }
0x50: {  	_ =	shalt  }
0x51: {  	_ =	shalt  }
0x52: {  	_ =	shalt  }
0x53: {  	_ =	shalt  }
0x54: {  	_ =	shalt  }
0x55: {  	_ =	shalt  }
0x56: {  	_ =	shalt  }
0x57: {  	_ =	shalt  }
0x58: {  	_ =	shalt  }
0x59: {  	_ =	shalt  }
0x5a: {  	_ =	shalt  }
0x5b: {  	_ =	shalt  }
0x5c: {  	_ =	shalt  }
0x5d: {  	_ =	shalt  }
0x5e: {  	_ =	shalt  }
0x5f: {  	_ =	shalt  }
0x60: {  	_ =	shalt  }
0x61: {  	_ =	shalt  }
0x62: {  	_ =	shalt  }
0x63: {  	_ =	shalt  }
0x64: {  	_ =	shalt  }
0x65: {  	_ =	shalt  }
0x66: {  	_ =	shalt  }
0x67: {  	_ =	shalt  }
0x68: {  	_ =	shalt  }
0x69: {  	_ =	shalt  }
0x6a: {  	_ =	shalt  }
0x6b: {  	_ =	shalt  }
0x6c: {  	_ =	shalt  }
0x6d: {  	_ =	shalt  }
0x6e: {  	_ =	shalt  }
0x6f: {  	_ =	shalt  }
0x70: {  	_ =	shalt  }
0x71: {  	_ =	shalt  }
0x72: {  	_ =	shalt  }
0x73: {  	_ =	shalt  }
0x74: {  	_ =	shalt  }
0x75: {  	_ =	shalt  }
0x76: {  	_ =	shalt  }
0x77: {  	_ =	shalt  }
0x78: {  	_ =	shalt  }
0x79: {  	_ =	shalt  }
0x7a: {  	_ =	shalt  }
0x7b: {  	_ =	shalt  }
0x7c: {  	_ =	shalt  }
0x7d: {  	_ =	shalt  }
0x7e: {  	_ =	shalt  }
0x7f: {  	_ =	shalt  }
0x80: {  	_ =	shalt  }
0x81: {  	_ =	shalt  }
0x82: {  	_ =	shalt  }
0x83: {  	_ =	shalt  }
0x84: {  	_ =	shalt  }
0x85: {  	_ =	shalt  }
0x86: {  	_ =	shalt  }
0x87: {  	_ =	shalt  }
.Lfunc_end0:
.L_simem_size_0:
called_computation_lowered:
.L_overlay_start_0:
0x88: {  	s2 =	sld [smem:$0x3FD9]  }
0x89: {  	s3 =	sld [smem:$0x3FFE];
	_ =	sdelay $0x1  }
0x8a: {  	s1 =	srdreg.scid  }
0x8b: {  	s0 =	sand.u32 $0x1, s1  }
0x8c: {  	s16 =	sshll.u32 s0, $0xA;
	s2 =	sadd.s32 s3, s2  }
0x8d: {  	s2 =	sadd.s32 s2, s16  }
0x8e: {  	[smem:$0x3FC2] =	sst s2  }
0x8f: {  	_ = 	snop  }
0x90: {  	(tm) =	ssettm $0x1  }
0x91: {  	s17 =	sld [smem:$0x3FFB];
	_ =	sdelay $0x3  }
0x92: {  	_ =	strace s17  }
0x93: {  	s2 =	sld [smem:$0x3FFC];
	_ =	sdelay $0x3  }
0x94: {  	_ =	strace s2  }
0x95: {  	s2 =	sld [smem:$0x3FFD];
	_ =	sdelay $0x3  }
0x96: {  	_ =	strace s2  }
0x97: {  	_ =	strace $0x8FFFFFFF  }
0x98: {  	s18 =	sld [smem:$0x3FDB];
	_ =	sdelay $0x1  }
0x99: {  	s19 =	simm.s32 $_scs_section_size  }
0x9a: {  	s4 =	simm.s32 $_size__tile_overlayer_lowered;
	s5 =	simm.s32 $_tile_overlayer_lowered  }
0x9b: {  	s22 =	simm.s32 $0x1BFF;
	s21 =	sshll.u32 s5, $0x1;
	s2 =	sadd.s32 s19, s18  }
0x9c: {  	s6 =	simm.s32 $0x0;
	s20 =	sshll.u32 s4, $0x1;
	s4 =	sadd.s32 s21, s2  }
0x9d: {  	[timem:s6], [sflag:s22] =	dma.local [hbm:s4], s20  }
0x9e: {  	_ =	swait.ge [sflag:s22], s20  }
0x9f: {  	s3 =	ssub.s32 $0x0, s20;
	[sflag:s22] =	ssyncset.done $0x0  }
0xa0: {  	[sflag:s22] =	ssyncadd.s32 s3;
	_ =	sdelay $0x1  }
0xa1: {  	s23 =	simm.s32 $0x1B8B  }
0xa2: {  	_ =	swait.ge [sflag:s23], $0x1  }
0xa3: {  	[sflag:s23] =	ssyncset.done $0x0  }
0xa4: {  	s25 =	simm.s32 $0x1B8E;
	s24 =	sld [smem:$0x3FFE];
	[sflag:s23] =	ssyncadd.s32 $0xFFFFFFFF  }
0xa5: {  	s26 =	simm.s32 $execute0_lowered;
	[smem:$0x3FD2] =	sst s25  }
0xa6: {  	s4 =	sshll.u32 s26, $0x1;
	_ =	strace $0x80000046;
	[dreg:$0x1] =	wrdreg $0xFFFFFFFF  }
0xa7: {  	s28 =	simm.s32 $_size_execute0_lowered;
	s2 =	sadd.s32 s2, s4;
	[dreg:$0x0] =	wrdreg $0x0  }
0xa8: {  	s4 =	sshll.u32 s28, $0x1;
	[dreg:$0x2] =	wrdreg s2  }
0xa9: {  	[dreg:$0x3] =	wrdreg s4  }
0xaa: {  	[dreg:$0x4] =	wrdreg $0xC0  }
0xab: {  	_ =	task [dreg:s6], $0x5FFFF  }
0xac: {  	[dreg:$0x1] =	wrdreg $0xFFFFFFFF  }
0xad: {  	[dreg:$0x0] =	wrdreg $0x60  }
0xae: {  	[dreg:$0x2] =	wrdreg s24  }
0xaf: {  	[dreg:$0x3] =	wrdreg $0xAC000  }
0xb0: {  	[dreg:$0x4] =	wrdreg $0x9  }
0xb1: {  	_ =	task.clear_ibuf [dreg:s6], $0x5FFFF;
	_ =	strace $0x90000046  }
0xb2: {  	s29 =	simm.s32 $0x9;
	_ =	strace $0x80000048  }
0xb3: {  	_ =	swait.ge [sflag:s29], $0x1  }
0xb4: {  	[sflag:s29] =	ssyncadd.s32 $0xFFFFFFFF  }
0xb5: {  	_ =	strace $0x90000048  }
0xb6: {  	_ =	sfence  }
0xb7: {  	s30 =	sld [smem:$0x0];
	_ =	sdelay $0x2  }
0xb8: {  	s31 =	sshll.u32 s1, $0xD;
	s1 =	sshrl.u32 s1, $0x2  }
0xb9: {  	s3 =	sand.u32 $0x4000, s31;
	s1 =	sadd.s32 s1, s30  }
0xba: {  	s0 =	sor.u32 s3, s0;
	s1 =	sshll.u32 s1, $0x11  }
0xbb: {  	s0 =	sor.u32 s1, s0  }
0xbc: {  	s0 =	sadd.s32 $0x8F2B, s0  }
0xbd: {  	[sflag:s0] =	ssyncadd.remote.s32 $0x1  }
0xbe: {  	_ =	sfence.sel $0xFFFF  }
0xbf: {  	[dreg:$0x0] =	wrdreg $0xFFFFFFFF;
	(pc) =	sbr.abs _section_cstart, $3  }
0xc0: {  	[dreg:$0x1] =	wrdreg $0xFFFFFFFF  }
0xc1: {  	_ =	task.clear_ibuf [dreg:s6], $0x2FFFF;
	_ =	strace $0x9FFFFFFF  }
0xc2: {  	(tm) =	ssettm $0x7FFFFFFF  }
0xc3: {  	_ =	shalt  }
tec
execute0_lowered:
.L_overlay_start_1:
0x0: {  	(tag) =	ssettag $0x1  }
0x1: {  	s1 =	srdreg.scid  }
0x2: {  	s0 =	stileid.u32;
	s5 =	rddreg [dreg:$0x0]  }
0x3: {  	s2 =	rddreg [dreg:$0x1];
	s3 =	simm.s32 $0x0;
	s12 =	simm.s32 $0x2  }
0x4: {  	s13 =	simm.s32 $0x2800;
	s14 =	simm.s32 $0x80;
	s15 =	simm.s32 $0x6C00  }
0x5: {  	s16 =	simm.s32 $0x2880;
	s17 =	simm.s32 $0x2900;
	s18 =	simm.s32 $0x2980  }
0x6: {  	s19 =	simm.s32 $0x2A00;
	s20 =	simm.s32 $0x2C00;
	s21 =	simm.s32 $0x1  }
0x7: {  	s22 =	simm.s32 $0x0;
	s4 =	sand.u32 $0x1, s1;
	s29 =	sshll.u32 s0, $0x1  }
0x8: {  	[smem:$0x7FF] =	sst s3;
	s8 =	smul.u32 $0x14000, s0;
	s9 =	sshll.u32 s0, $0x7  }
0x9: {  	s1 =	sor.u32 s4, s29;
	s7 =	smul.u32 $0x140000, s4;
	s4 =	ssub.s32 $0x2, s4  }
0xa: {  	s30 =	sadd.s32 s9, s5;
	s6 =	smul.u32 $0x500, s1;
	s1 =	rddreg [dreg:$0x2]  }
0xb: {  	_ =	strace $0x80000047;
	s31 =	sshrl.u32 s4, $0x1;
	s7 =	sadd.s32 s8, s7  }
0xc: {  	s11 =	ssub.s32 s4, s31;
	s6 =	sadd.s32 s6, s5;
	s7 =	sshrl.u32 s7, $0x3  }
0xd: {  	s11 =	smax.u32 s11, $0x1;
	s10 =	sadd.s32 s7, s5;
	s4 =	sadd.s32 $0x2E00, s6  }
0xe: {  	s5 =	sadd.s32 $0x2600, s30;
	s6 =	sadd.s32 $0x16E00, s10;
	s7 =	sadd.s32 $0x17600, s10  }
0xf: {  	v0 =	vimm.f32 $0.0e+00;
	v1 =	vimm.f32 $1.000000000e+00;
	s8 =	sadd.s32 $0x17E00, s10;
	s9 =	sadd.s32 $0x18600, s10;
	s10 =	sadd.s32 $0x18E00, s10  }
.LBB2_1:
0x10: {  	s23 =	simm.s32 $0x0;
	s24 =	simm.s32 $0x0  }
.LBB2_2:
0x11: {  	p0 =	sne.s32 s24, $0xFFC0  }
.Ltmp0:
0x12: {  	_ = 	snop;
	(pc) =	sbr.rel @p0 .LBB2_2-.Ltmp0, $4  }
0x13: {  	s25 =	sand.u32 $0xFE00, s24  }
0x14: {  	s26 =	sand.u32 $0x70, s23;
	s25 =	sshrl.u32 s25, $0x2  }
0x15: {  	s25 =	sor.u32 s26, s25  }
0x16: {  	s23 =	sadd.s32 $0x10, s23;
	s24 =	sadd.s32 $0x40, s24;
	[tilespmem:s25+$0x6C00] =	vst v0  }
0x17: {  	s23 =	simm.s32 $0x0  }
0x18: {  	s24 =	sand.u32 $0xFE00, s23  }
0x19: {  	s25 =	sand.u32 $0x70, s23;
	s26 =	sshrl.u32 s24, $0x2  }
0x1a: {  	s24 =	simm.s32 $0x40;
	s25 =	sor.u32 s25, s26  }
.LBB2_4:
0x1b: {  	p0 =	sne.s32 s24, $0xFFC0  }
0x1c: {  	[tilespmem:s25+$0x2C00] =	vst v1;
	s23 =	sadd.s32 $0x10, s23;
	s25 =	smov.u32 s24;
	s24 =	sadd.s32 $0x40, s24  }
.Ltmp1:
0x1d: {  	(pc) =	sbr.rel @p0 .LBB2_4-.Ltmp1, $4  }
0x1e: {  	_ = 	snop  }
0x1f: {  	s25 =	sand.u32 $0xFE00, s25  }
0x20: {  	s26 =	sand.u32 $0x70, s23;
	s25 =	sshrl.u32 s25, $0x2  }
0x21: {  	s25 =	sor.u32 s26, s25  }
0x22: {  	[tilespmem:s25+$0x2C00] =	vst v1;
	s23 =	simm.s32 $0x0  }
0x23: {  	[tilespmem:s23], [sflag:$0x2] =	stream.linear.gather [hbm4b:s4+s23], $0x2800, $0x38;
	[tilespmem:$0x1EC00] =	vst v63  }
0x24: {  	_ =	swait.ge [sflag:s12], $0x2800  }
0x25: {  	[sflag:s12] =	ssyncset.done $0x0  }
0x26: {  	[sflag:s12] =	ssyncadd.s32 $0xFFFFD800  }
0x27: {  	[tilespmem:s13], [sflag:$0x2] =	stream.linear.gather [hbm4b:s5+s23], $0x280, $0x38;
	[tilespmem:$0x1EC00] =	vst v63  }
0x28: {  	_ =	swait.ge [sflag:s12], $0x280  }
0x29: {  	[sflag:s12] =	ssyncset.done $0x0  }
0x2a: {  	[sflag:s12] =	ssyncadd.s32 $0xFFFFFD80  }
0x2b: {  	[spmem:s2] =	stream.indirect.scatter [tilespmem:s15], [sflag:$0x2], $0x80, s13, s14, $0xb8;
	[tilespmem:$0x1EC00] =	vst v63  }
0x2c: {  	_ =	swait.ge [sflag:s12], $0x4000  }
0x2d: {  	[sflag:s12] =	ssyncset.done $0x0  }
0x2e: {  	[sflag:s12] =	ssyncadd.s32 $0xFFFFC000  }
0x2f: {  	[spmem:s2] =	stream.indirect.scatter [tilespmem:s15], [sflag:$0x2], $0x80, s16, s14, $0xb8;
	[tilespmem:$0x1EC00] =	vst v63  }
0x30: {  	_ =	swait.ge [sflag:s12], $0x4000  }
0x31: {  	[sflag:s12] =	ssyncset.done $0x0  }
0x32: {  	[sflag:s12] =	ssyncadd.s32 $0xFFFFC000  }
0x33: {  	[spmem:s2] =	stream.indirect.scatter [tilespmem:s15], [sflag:$0x2], $0x80, s17, s14, $0xb8;
	[tilespmem:$0x1EC00] =	vst v63  }
0x34: {  	_ =	swait.ge [sflag:s12], $0x4000  }
0x35: {  	[sflag:s12] =	ssyncset.done $0x0  }
0x36: {  	[sflag:s12] =	ssyncadd.s32 $0xFFFFC000  }
0x37: {  	[spmem:s2] =	stream.indirect.scatter [tilespmem:s15], [sflag:$0x2], $0x80, s18, s14, $0xb8;
	[tilespmem:$0x1EC00] =	vst v63  }
0x38: {  	_ =	swait.ge [sflag:s12], $0x4000  }
0x39: {  	[sflag:s12] =	ssyncset.done $0x0  }
0x3a: {  	[sflag:s12] =	ssyncadd.s32 $0xFFFFC000  }
0x3b: {  	[spmem:s2] =	stream.indirect.scatter [tilespmem:s15], [sflag:$0x2], $0x80, s19, s14, $0xb8;
	[tilespmem:$0x1EC00] =	vst v63  }
0x3c: {  	_ =	swait.ge [sflag:s12], $0x4000  }
0x3d: {  	[sflag:s12] =	ssyncset.done $0x0  }
0x3e: {  	[sflag:s12] =	ssyncadd.s32 $0xFFFFC000  }
0x3f: {  	s31 =	simm.s32 $0x0;
	[bflag:$0x0] =	sbarrier.arrive $0xFFFF  }
0x40: {  	[spmem:s2] =	stream.indirect.scatter.add.f32 [tilespmem:s20], [sflag:$0x2], $0x80, s31, s14, $0xb8;
	[tilespmem:$0x1EC00] =	vst v63  }
0x41: {  	_ =	swait.ge [sflag:s12], $0x4000  }
0x42: {  	s23 =	simm.s32 $0x200;
	[sflag:s12] =	ssyncset.done $0x0  }
.LBB2_6:
0x43: {  	s24 =	sshra.s32 s23, $0x2;
	[sflag:s12] =	ssyncadd.s32 $0xFFFFC000;
	p0 =	sne.s32 s23, $0x9E00  }
0x44: {  	[spmem:s2] =	stream.indirect.scatter.add.f32 [tilespmem:s20], [sflag:$0x2], $0x80, s24, s14, $0xb8;
	[tilespmem:$0x1EC00] =	vst v63  }
.Ltmp2:
0x45: {  	_ = 	snop;
	(pc) =	sbr.rel @p0 .LBB2_6-.Ltmp2, $4  }
0x46: {  	_ = 	snop  }
0x47: {  	s23 =	sadd.s32 $0x200, s23  }
0x48: {  	_ =	swait.ge [sflag:s12], $0x4000  }
0x49: {  	[sflag:s12] =	ssyncset.done $0x0  }
0x4a: {  	[sflag:s12] =	ssyncadd.s32 $0xFFFFC000  }
0x4b: {  	[bflag:$0x0] =	sbarrier.arrive $0xFFFF  }
0x4c: {  	[tilespmem:s15], [sflag:$0x1] =	stream.indirect.gather [spmem:s2], $0x80, s13, s14, $0xb8;
	[tilespmem:$0x1EC00] =	vst v63  }
0x4d: {  	_ =	swait.ge [sflag:s21], $0x4000  }
0x4e: {  	[sflag:s21] =	ssyncset.done $0x0  }
0x4f: {  	[sflag:s21] =	ssyncadd.s32 $0xFFFFC000  }
0x50: {  	[hbm4b:s6+s3] =	stream.linear.scatter [tilespmem:s15], [sflag:$0x2], $0x4000, $0x38;
	[tilespmem:$0x1EC00] =	vst v63  }
0x51: {  	_ =	swait.ge [sflag:s12], $0x4000  }
0x52: {  	[sflag:s12] =	ssyncset.done $0x0  }
0x53: {  	[sflag:s12] =	ssyncadd.s32 $0xFFFFC000  }
0x54: {  	[tilespmem:s15], [sflag:$0x1] =	stream.indirect.gather [spmem:s2], $0x80, s16, s14, $0xb8;
	[tilespmem:$0x1EC00] =	vst v63  }
0x55: {  	_ =	swait.ge [sflag:s21], $0x4000  }
0x56: {  	[sflag:s21] =	ssyncset.done $0x0  }
0x57: {  	[sflag:s21] =	ssyncadd.s32 $0xFFFFC000  }
0x58: {  	[hbm4b:s7+s3] =	stream.linear.scatter [tilespmem:s15], [sflag:$0x2], $0x4000, $0x38;
	[tilespmem:$0x1EC00] =	vst v63  }
0x59: {  	_ =	swait.ge [sflag:s12], $0x4000  }
0x5a: {  	[sflag:s12] =	ssyncset.done $0x0  }
0x5b: {  	[sflag:s12] =	ssyncadd.s32 $0xFFFFC000  }
0x5c: {  	[tilespmem:s15], [sflag:$0x1] =	stream.indirect.gather [spmem:s2], $0x80, s17, s14, $0xb8;
	[tilespmem:$0x1EC00] =	vst v63  }
0x5d: {  	_ =	swait.ge [sflag:s21], $0x4000  }
0x5e: {  	[sflag:s21] =	ssyncset.done $0x0  }
0x5f: {  	[sflag:s21] =	ssyncadd.s32 $0xFFFFC000  }
0x60: {  	[hbm4b:s8+s3] =	stream.linear.scatter [tilespmem:s15], [sflag:$0x2], $0x4000, $0x38;
	[tilespmem:$0x1EC00] =	vst v63  }
0x61: {  	_ =	swait.ge [sflag:s12], $0x4000  }
0x62: {  	[sflag:s12] =	ssyncset.done $0x0  }
0x63: {  	[sflag:s12] =	ssyncadd.s32 $0xFFFFC000  }
0x64: {  	[tilespmem:s15], [sflag:$0x1] =	stream.indirect.gather [spmem:s2], $0x80, s18, s14, $0xb8;
	[tilespmem:$0x1EC00] =	vst v63  }
0x65: {  	_ =	swait.ge [sflag:s21], $0x4000  }
0x66: {  	[sflag:s21] =	ssyncset.done $0x0  }
0x67: {  	[sflag:s21] =	ssyncadd.s32 $0xFFFFC000  }
0x68: {  	[hbm4b:s9+s3] =	stream.linear.scatter [tilespmem:s15], [sflag:$0x2], $0x4000, $0x38;
	[tilespmem:$0x1EC00] =	vst v63  }
0x69: {  	_ =	swait.ge [sflag:s12], $0x4000  }
0x6a: {  	[sflag:s12] =	ssyncset.done $0x0  }
0x6b: {  	[sflag:s12] =	ssyncadd.s32 $0xFFFFC000  }
0x6c: {  	[tilespmem:s15], [sflag:$0x1] =	stream.indirect.gather [spmem:s2], $0x80, s19, s14, $0xb8;
	[tilespmem:$0x1EC00] =	vst v63  }
0x6d: {  	s22 =	sadd.s32 $0x1, s22;
	_ =	swait.ge [sflag:s21], $0x4000  }
0x6e: {  	p0 =	sne.s32 s22, s11;
	[sflag:s21] =	ssyncset.done $0x0  }
.Ltmp3:
0x6f: {  	[sflag:s21] =	ssyncadd.s32 $0xFFFFC000;
	(pc) =	sbr.rel @p0 .LBB2_1-.Ltmp3, $4  }
0x70: {  	[hbm4b:s10+s3] =	stream.linear.scatter [tilespmem:s15], [sflag:$0x2], $0x4000, $0x38;
	[tilespmem:$0x1EC00] =	vst v63  }
0x71: {  	_ =	swait.ge [sflag:s12], $0x4000  }
0x72: {  	[sflag:s12] =	ssyncset.done $0x0  }
0x73: {  	[sflag:s12] =	ssyncadd.s32 $0xFFFFC000  }
0x74: {  	_ =	sfence.sel $0x180000  }
0x75: {  	[bflag:$0x0] =	sbarrier.arrive $0xFFFF  }
0x76: {  	p0 =	sne.s32 s0, $0x0;
	_ =	strace $0x90000047  }
0x77: {  	s0 =	sadd.s32 @!p0 $0x100000, s1;
	[bflag:$0x2] =	sbarrier.arrive $0xFFFF  }
0x78: {  	[sflag:s0] =	ssyncadd.tile.s32 @!p0 $0x1;
	_ =	shalt  }
.Lfunc_end2:
_tile_overlayer_lowered:
.L_overlay_start_2:
0x79: {  	(tag) =	ssettag $0x2  }
0x7a: {  	s0 =	rddreg [dreg:$0x0];
	s2 =	stileid.u32  }
0x7b: {  	s1 =	rddreg [dreg:$0x1];
	p0 =	sne.s32 s2, $0x0  }
0x7c: {  	s3 =	rddreg [dreg:$0x2];
	[bflag:$0x3] =	sbarrier.arrive $0xFFFF;
	s2 =	simm.s32 @!p0 $0x1C02  }
0x7d: {  	[timem:s3], [sflag:s2] =	dma.local @!p0 [hbm:s0], s1  }
0x7e: {  	s0 =	simm.s32 @!p0 $0x2  }
0x7f: {  	_ =	swait.ge @!p0 [sflag:s0], s1  }
0x80: {  	s1 =	ssub.s32 @!p0 $0x0, s1;
	[sflag:s0] =	ssyncset.done @!p0 $0x0  }
0x81: {  	[sflag:s0] =	ssyncadd.s32 @!p0 s1  }
0x82: {  	[bflag:$0x3] =	sbarrier.arrive $0xFFFF  }
0x83: {  	_ =	shalt  }

</sc_bundles>
